<compile_context>
chip_gen: v7x
topology: tpu7x:2x2x1
jax: 0.10.2.dev20260603
libtpu: 0.0.44.dev20260713+nightly
codegen_flags: <defaults>
</compile_context>

<pallas_src>
import functools

import jax
import jax.numpy as jnp
from jax import lax
from jax.experimental import pallas as pl
from jax.experimental.pallas import tpu as pltpu
from jax.experimental.pallas import tpu_sc as plsc

NC = 2
NS = 16
NW = NC * NS
K = 64
LANES = 16
CW = 128


def _xw_bias_kernel(x_ref, w_ref, b_ref, o_ref):
    o_ref[...] = (
        jnp.dot(x_ref[...], w_ref[...], preferred_element_type=jnp.float32)
        + b_ref[...]
    )


def _ew_kernel(e_ref, w_ref, o_ref):
    o_ref[...] = jnp.dot(e_ref[...], w_ref[...],
                         preferred_element_type=jnp.float32)


def _node_update_kernel(sum_ref, cnt_ref, x_ref, wa_ref, wb_ref, b_ref, o_ref):
    s = sum_ref[0] + sum_ref[1]
    cnt = (cnt_ref[0] + cnt_ref[1])[:, 0:1]
    red = s / jnp.maximum(cnt, 1.0)
    o_ref[...] = jnp.maximum(
        jnp.dot(red, wa_ref[...], preferred_element_type=jnp.float32)
        + jnp.dot(x_ref[...], wb_ref[...], preferred_element_type=jnp.float32)
        + b_ref[...],
        0.0,
    )


def _sc_edge_sum(ch, np_rows, d,
                 xe, ef1, srci, dsti, out_sum,
                 vsrc, vdst, vrows, vef, acc, sem):
    c = lax.axis_index("c")
    s = lax.axis_index("s")
    wid = s * NC + c
    ng = d // LANES
    z16 = jnp.zeros((LANES,), jnp.float32)

    @pl.loop(0, K)
    def _zero(i):
        for g in range(ng):
            vrows[i, pl.ds(g * LANES, LANES)] = z16

    rows_per_tile = np_rows // NS
    nslab = rows_per_tile // K
    for k in range(nslab):
        sl = pl.ds(s * rows_per_tile + k * K, K)
        pltpu.sync_copy(vrows, acc.at[sl])

    plsc.subcore_barrier()

    @pl.loop(0, ch)
    def _chunk(j):
        pltpu.sync_copy(srci.at[wid, j], vsrc.at[0])
        pltpu.sync_copy(dsti.at[wid, j], vdst.at[0])
        pltpu.async_copy(xe.at[vsrc.at[0]], vrows, sem).wait()
        pltpu.sync_copy(ef1.at[pl.ds((wid * ch + j) * K, K)], vef)

        @pl.loop(0, K)
        def _row(i):
            for g in range(ng):
                sl = pl.ds(g * LANES, LANES)
                vrows[i, sl] = jnp.maximum(vrows[i, sl] + vef[i, sl], 0.0)

        pltpu.sync_copy(vrows, acc.at[vdst.at[0]], add=True)

    plsc.subcore_barrier()

    for k in range(nslab):
        sl = pl.ds(s * rows_per_tile + k * K, K)
        pltpu.sync_copy(acc.at[sl], vrows)
        pltpu.sync_copy(vrows, out_sum.at[c, sl])


def _sc_edge_cnt(ch, np_rows,
                 dsti, out_cnt, vdst, vones, acc):
    c = lax.axis_index("c")
    s = lax.axis_index("s")
    wid = s * NC + c
    z16 = jnp.zeros((LANES,), jnp.float32)
    one0 = jnp.where(lax.iota(jnp.int32, LANES) == 0,
                     jnp.float32(1.0), jnp.float32(0.0))
    ng = CW // LANES

    @pl.loop(0, K)
    def _zero(i):
        vones[i, pl.ds(0, LANES)] = one0
        for g in range(1, ng):
            vones[i, pl.ds(g * LANES, LANES)] = z16

    rows_per_tile = np_rows // NS
    nslab = rows_per_tile // K

    @pl.loop(0, K)
    def _zero2(i):
        vones[i, pl.ds(0, LANES)] = z16
    for k in range(nslab):
        sl = pl.ds(s * rows_per_tile + k * K, K)
        pltpu.sync_copy(vones, acc.at[sl])

    @pl.loop(0, K)
    def _ones(i):
        vones[i, pl.ds(0, LANES)] = one0

    plsc.subcore_barrier()

    @pl.loop(0, ch)
    def _chunk(j):
        pltpu.sync_copy(dsti.at[wid, j], vdst.at[0])
        pltpu.sync_copy(vones, acc.at[vdst.at[0]], add=True)

    plsc.subcore_barrier()

    for k in range(nslab):
        sl = pl.ds(s * rows_per_tile + k * K, K)
        pltpu.sync_copy(acc.at[sl], vones)
        pltpu.sync_copy(vones, out_cnt.at[c, sl])


def kernel(x, edge_feat, edge_index, W1, b1, W2, b2):
    N, D = x.shape
    E, DE = edge_feat.shape

    W1e, W1x = W1[:DE], W1[DE:]
    W2a, W2b = W2[:D], W2[D:]
    b1r = b1.reshape(1, D)
    b2r = b2.reshape(1, D)

    CH = -(-E // (NW * K))
    EP = NW * CH * K
    pad_e = EP - E
    src = edge_index[0]
    dst = edge_index[1]
    srcp = jnp.pad(src, (0, pad_e)).reshape(NW, CH, K)
    dstp = jnp.pad(dst, (0, pad_e), constant_values=N).reshape(NW, CH, K)
    efp = jnp.pad(edge_feat, ((0, pad_e), (0, 0)))

    NP = -(-(N + 1) // (NS * K)) * (NS * K)
    BN = 512
    NP2 = -(-N // BN) * BN
    xp = jnp.pad(x, ((0, NP2 - N), (0, 0)))

    xe = pl.pallas_call(
        _xw_bias_kernel,
        grid=(NP2 // BN,),
        in_specs=[pl.BlockSpec((BN, D), lambda i: (i, 0)),
                  pl.BlockSpec((D, D), lambda i: (0, 0)),
                  pl.BlockSpec((1, D), lambda i: (0, 0))],
        out_specs=pl.BlockSpec((BN, D), lambda i: (i, 0)),
        out_shape=jax.ShapeDtypeStruct((NP2, D), jnp.float32),
    )(xp, W1x, b1r)

    BE = NW * K
    ef1 = pl.pallas_call(
        _ew_kernel,
        grid=(EP // BE,),
        in_specs=[pl.BlockSpec((BE, DE), lambda i: (i, 0)),
                  pl.BlockSpec((DE, D), lambda i: (0, 0))],
        out_specs=pl.BlockSpec((BE, D), lambda i: (i, 0)),
        out_shape=jax.ShapeDtypeStruct((EP, D), jnp.float32),
    )(efp, W1e)

    mesh = plsc.VectorSubcoreMesh(core_axis_name="c", subcore_axis_name="s")
    sc_sum = pl.kernel(
        functools.partial(_sc_edge_sum, CH, NP, D),
        out_type=jax.ShapeDtypeStruct((NC, NP, D), jnp.float32),
        mesh=mesh,
        scratch_types=[
            pltpu.VMEM((1, K), jnp.int32),
            pltpu.VMEM((1, K), jnp.int32),
            pltpu.VMEM((K, D), jnp.float32),
            pltpu.VMEM((K, D), jnp.float32),
            pltpu.VMEM_SHARED((NP, D), jnp.float32),
            pltpu.SemaphoreType.DMA,
        ],
    )
    sums = sc_sum(xe, ef1, srcp, dstp)

    sc_cnt = pl.kernel(
        functools.partial(_sc_edge_cnt, CH, NP),
        out_type=jax.ShapeDtypeStruct((NC, NP, CW), jnp.float32),
        mesh=mesh,
        scratch_types=[
            pltpu.VMEM((1, K), jnp.int32),
            pltpu.VMEM((K, CW), jnp.float32),
            pltpu.VMEM_SHARED((NP, CW), jnp.float32),
        ],
    )
    cnts = sc_cnt(dstp)

    hid = pl.pallas_call(
        _node_update_kernel,
        grid=(NP2 // BN,),
        in_specs=[pl.BlockSpec((NC, BN, D), lambda i: (0, i, 0)),
                  pl.BlockSpec((NC, BN, CW), lambda i: (0, i, 0)),
                  pl.BlockSpec((BN, D), lambda i: (i, 0)),
                  pl.BlockSpec((D, D), lambda i: (0, 0)),
                  pl.BlockSpec((D, D), lambda i: (0, 0)),
                  pl.BlockSpec((1, D), lambda i: (0, 0))],
        out_specs=pl.BlockSpec((BN, D), lambda i: (i, 0)),
        out_shape=jax.ShapeDtypeStruct((NP2, D), jnp.float32),
    )(sums, cnts, xp, W2a, W2b, b2r)
    return hid[:N]

# --- scband reference (transcript-rebuilt; emitter-appended) ---
"""Pipeline reference for scband-edge-conv-11811160064041 (READ-ONLY COPY).

The authoritative reference and input builder live on the scoring server;
editing this copy changes nothing except your own understanding.
"""

import jax, jax.numpy as jnp
import numpy as np

N = 10000
E = 320000
D = 128
DE = 16


def setup_inputs(seed: int = 0) -> dict:
    key = jax.random.key(seed)
    ks = jax.random.split(key, 7)
    x = jax.random.normal(ks[0], (N, D), dtype=jnp.float32)
    edge_feat = jax.random.normal(ks[1], (E, DE), dtype=jnp.float32)
    edge_index = jax.random.randint(ks[2], (2, E), 0, N, dtype=jnp.int32)
    # mlp1: Linear(DE + D -> D) + ReLU ; mlp2: Linear(2*D -> D) + ReLU
    W1 = jax.random.normal(ks[3], (DE + D, D), dtype=jnp.float32) * 0.05
    b1 = jnp.zeros((D,), dtype=jnp.float32)
    W2 = jax.random.normal(ks[4], (2 * D, D), dtype=jnp.float32) * 0.05
    b2 = jnp.zeros((D,), dtype=jnp.float32)
    return {"x": x, "edge_feat": edge_feat, "edge_index": edge_index,
            "W1": W1, "b1": b1, "W2": W2, "b2": b2}


def reference(x, edge_feat, edge_index, W1, b1, W2, b2):
    src = edge_index[0]
    dst = edge_index[1]
    # apply_edges: concat(edge_feature, src_hid) -> mlp1
    cat1 = jnp.concatenate([edge_feat, jnp.take(x, src, axis=0)], axis=1)
    msg = jax.nn.relu(cat1 @ W1 + b1)
    # update_all: copy_e('out','msg'), mean('msg','reduced_vector')
    summed = jax.ops.segment_sum(msg, dst, num_segments=N)
    cnt = jax.ops.segment_sum(jnp.ones((E, 1), dtype=msg.dtype), dst, num_segments=N)
    reduced = summed / jnp.maximum(cnt, 1.0)
    # apply_func: concat(reduced_vector, hid) -> mlp2 -> new hid
    cat2 = jnp.concatenate([reduced, x], axis=1)
    hid = jax.nn.relu(cat2 @ W2 + b2)
    return hid

if __name__ == "__main__":
    import jax
    _d = setup_inputs()
    print(jax.jit(kernel)(*tuple(_d.values())))

</pallas_src>

<mosaic_0001>
#map = affine_map<(d0, d1) -> (0, 0)>
#map1 = affine_map<(d0, d1) -> (0, 0, 0)>
module attributes {stable_mosaic.version = 14 : i64} {
  func.func @_sc_edge_sum(%arg0: i32, %arg1: i32, %arg2: memref<10240x128xf32, #tpu.memory_space<hbm>>, %arg3: memref<321536x128xf32, #tpu.memory_space<hbm>>, %arg4: memref<32x157x64xi32, #tpu.memory_space<hbm>>, %arg5: memref<32x157x64xi32, #tpu.memory_space<hbm>>, %arg6: memref<2x10240x128xf32, #tpu.memory_space<hbm>>, %arg7: memref<1x64xi32, #tpu.memory_space<vmem>>, %arg8: memref<1x64xi32, #tpu.memory_space<vmem>>, %arg9: memref<64x128xf32, #tpu.memory_space<vmem>>, %arg10: memref<64x128xf32, #tpu.memory_space<vmem>>, %arg11: memref<10240x128xf32, #tpu.memory_space<vmem_shared>>, %arg12: memref<!tpu.dma_semaphore, #tpu.memory_space<semaphore_mem>>) attributes {dimension_semantics = [#tpu.dimension_semantics<core_parallel>, #tpu.dimension_semantics<subcore_parallel>], iteration_bounds = array<i64: 2, 16>, scalar_prefetch = 0 : i64, scratch_operands = 6 : i64, tpu.core_type = #tpu.core_type<sc_vector_subcore>, window_params = [{transform_indices = #map}, {transform_indices = #map}, {transform_indices = #map1}, {transform_indices = #map1}, {transform_indices = #map1}]} {
    %mul3A = arith.constant 2 : i32
    %mul3A_0 = arith.muli %arg1, %mul3A : i32
    %add3A = arith.addi %mul3A_0, %arg0 : i32
    %broadcast_in_dim3A = arith.constant 0.000000e+00 : f32
    %broadcast_in_dim3A_1 = vector.broadcast %broadcast_in_dim3A : f32 to vector<16xf32>
    %scan3A = arith.constant 0 : i32
    %scan3A_2 = arith.constant 64 : i32
    %scan3A_3 = arith.addi %scan3A, %scan3A_2 : i32
    %scan3A_4 = arith.constant 1 : i32
    scf.for %scan3A_92 = %scan3A to %scan3A_3 step %scan3A_4  : i32 {
      %mul3A_93 = arith.constant 1 : i32
      %mul3A_94 = arith.muli %scan3A_92, %mul3A_93 : i32
      %add3A_95 = arith.constant 0 : i32
      %add3A_96 = arith.addi %add3A_95, %mul3A_94 : i32
      %swap3A = arith.index_cast %add3A_96 : i32 to index
      %swap3A_97 = arith.constant 0 : index
      %swap3A_98 = tpu.vector_load %arg9[%swap3A, %swap3A_97] {strides = array<i32>} : memref<64x128xf32, #tpu.memory_space<vmem>>, vector<1x16xf32>,
      %swap3A_99 = vector.shape_cast %swap3A_98 : vector<1x16xf32> to vector<16xf32>
      %swap3A_100 = vector.shape_cast %broadcast_in_dim3A_1 : vector<16xf32> to vector<1x16xf32>
      tpu.vector_store %arg9[%swap3A, %swap3A_97], %swap3A_100 {strides = array<i32>} : memref<64x128xf32, #tpu.memory_space<vmem>>, vector<1x16xf32>,
      %swap3A_101 = arith.index_cast %add3A_96 : i32 to index
      %swap3A_102 = arith.constant 16 : index
      %swap3A_103 = tpu.vector_load %arg9[%swap3A_101, %swap3A_102] {strides = array<i32>} : memref<64x128xf32, #tpu.memory_space<vmem>>, vector<1x16xf32>,
      %swap3A_104 = vector.shape_cast %swap3A_103 : vector<1x16xf32> to vector<16xf32>
      %swap3A_105 = vector.shape_cast %broadcast_in_dim3A_1 : vector<16xf32> to vector<1x16xf32>
      tpu.vector_store %arg9[%swap3A_101, %swap3A_102], %swap3A_105 {strides = array<i32>} : memref<64x128xf32, #tpu.memory_space<vmem>>, vector<1x16xf32>,
      %swap3A_106 = arith.index_cast %add3A_96 : i32 to index
      %swap3A_107 = arith.constant 32 : index
      %swap3A_108 = tpu.vector_load %arg9[%swap3A_106, %swap3A_107] {strides = array<i32>} : memref<64x128xf32, #tpu.memory_space<vmem>>, vector<1x16xf32>,
      %swap3A_109 = vector.shape_cast %swap3A_108 : vector<1x16xf32> to vector<16xf32>
      %swap3A_110 = vector.shape_cast %broadcast_in_dim3A_1 : vector<16xf32> to vector<1x16xf32>
      tpu.vector_store %arg9[%swap3A_106, %swap3A_107], %swap3A_110 {strides = array<i32>} : memref<64x128xf32, #tpu.memory_space<vmem>>, vector<1x16xf32>,
      %swap3A_111 = arith.index_cast %add3A_96 : i32 to index
      %swap3A_112 = arith.constant 48 : index
      %swap3A_113 = tpu.vector_load %arg9[%swap3A_111, %swap3A_112] {strides = array<i32>} : memref<64x128xf32, #tpu.memory_space<vmem>>, vector<1x16xf32>,
      %swap3A_114 = vector.shape_cast %swap3A_113 : vector<1x16xf32> to vector<16xf32>
      %swap3A_115 = vector.shape_cast %broadcast_in_dim3A_1 : vector<16xf32> to vector<1x16xf32>
      tpu.vector_store %arg9[%swap3A_111, %swap3A_112], %swap3A_115 {strides = array<i32>} : memref<64x128xf32, #tpu.memory_space<vmem>>, vector<1x16xf32>,
      %swap3A_116 = arith.index_cast %add3A_96 : i32 to index
      %swap3A_117 = arith.constant 64 : index
      %swap3A_118 = tpu.vector_load %arg9[%swap3A_116, %swap3A_117] {strides = array<i32>} : memref<64x128xf32, #tpu.memory_space<vmem>>, vector<1x16xf32>,
      %swap3A_119 = vector.shape_cast %swap3A_118 : vector<1x16xf32> to vector<16xf32>
      %swap3A_120 = vector.shape_cast %broadcast_in_dim3A_1 : vector<16xf32> to vector<1x16xf32>
      tpu.vector_store %arg9[%swap3A_116, %swap3A_117], %swap3A_120 {strides = array<i32>} : memref<64x128xf32, #tpu.memory_space<vmem>>, vector<1x16xf32>,
      %swap3A_121 = arith.index_cast %add3A_96 : i32 to index
      %swap3A_122 = arith.constant 80 : index
      %swap3A_123 = tpu.vector_load %arg9[%swap3A_121, %swap3A_122] {strides = array<i32>} : memref<64x128xf32, #tpu.memory_space<vmem>>, vector<1x16xf32>,
      %swap3A_124 = vector.shape_cast %swap3A_123 : vector<1x16xf32> to vector<16xf32>
      %swap3A_125 = vector.shape_cast %broadcast_in_dim3A_1 : vector<16xf32> to vector<1x16xf32>
      tpu.vector_store %arg9[%swap3A_121, %swap3A_122], %swap3A_125 {strides = array<i32>} : memref<64x128xf32, #tpu.memory_space<vmem>>, vector<1x16xf32>,
      %swap3A_126 = arith.index_cast %add3A_96 : i32 to index
      %swap3A_127 = arith.constant 96 : index
      %swap3A_128 = tpu.vector_load %arg9[%swap3A_126, %swap3A_127] {strides = array<i32>} : memref<64x128xf32, #tpu.memory_space<vmem>>, vector<1x16xf32>,
      %swap3A_129 = vector.shape_cast %swap3A_128 : vector<1x16xf32> to vector<16xf32>
      %swap3A_130 = vector.shape_cast %broadcast_in_dim3A_1 : vector<16xf32> to vector<1x16xf32>
      tpu.vector_store %arg9[%swap3A_126, %swap3A_127], %swap3A_130 {strides = array<i32>} : memref<64x128xf32, #tpu.memory_space<vmem>>, vector<1x16xf32>,
      %swap3A_131 = arith.index_cast %add3A_96 : i32 to index
      %swap3A_132 = arith.constant 112 : index
      %swap3A_133 = tpu.vector_load %arg9[%swap3A_131, %swap3A_132] {strides = array<i32>} : memref<64x128xf32, #tpu.memory_space<vmem>>, vector<1x16xf32>,
      %swap3A_134 = vector.shape_cast %swap3A_133 : vector<1x16xf32> to vector<16xf32>
      %swap3A_135 = vector.shape_cast %broadcast_in_dim3A_1 : vector<16xf32> to vector<1x16xf32>
      tpu.vector_store %arg9[%swap3A_131, %swap3A_132], %swap3A_135 {strides = array<i32>} : memref<64x128xf32, #tpu.memory_space<vmem>>, vector<1x16xf32>,
    }
    %scan3A_5 = arith.constant 64 : i32
    %mul3A_6 = arith.constant 640 : i32
    %mul3A_7 = arith.muli %arg1, %mul3A_6 : i32
    %add3A_8 = arith.constant 0 : i32
    %add3A_9 = arith.addi %mul3A_7, %add3A_8 : i32
    "tpu.region"() ({
      %run_scoped3A = tpu.sem_alloc : memref<!tpu.dma_semaphore, #tpu.memory_space<semaphore_mem>>
      %dma_start3A = arith.constant 0 : i32
      %dma_start3A_92 = tpu.memref_slice %arg11[%add3A_9, %dma_start3A] : memref<10240x128xf32, #tpu.memory_space<vmem_shared>> -> memref<64x128xf32, #tpu.memory_space<vmem_shared>>
      %dma_start3A_93 = arith.constant 0 : i32
      %dma_start3A_94 = tpu.memref_slice %arg11[%add3A_9, %dma_start3A_93] : memref<10240x128xf32, #tpu.memory_space<vmem_shared>> -> memref<64x128xf32, #tpu.memory_space<vmem_shared>>
      tpu.enqueue_dma source(%arg9 : memref<64x128xf32, #tpu.memory_space<vmem>>) target(%dma_start3A_94 : memref<64x128xf32, #tpu.memory_space<vmem_shared>>) target_semaphore(%run_scoped3A : memref<!tpu.dma_semaphore, #tpu.memory_space<semaphore_mem>>)
      %dma_wait3A = arith.constant 0 : i32
      %dma_wait3A_95 = tpu.memref_slice %arg11[%add3A_9, %dma_wait3A] : memref<10240x128xf32, #tpu.memory_space<vmem_shared>> -> memref<64x128xf32, #tpu.memory_space<vmem_shared>>
      %dma_wait3A_96 = arith.constant 0 : i32
      %dma_wait3A_97 = tpu.memref_slice %arg11[%add3A_9, %dma_wait3A_96] : memref<10240x128xf32, #tpu.memory_space<vmem_shared>> -> memref<64x128xf32, #tpu.memory_space<vmem_shared>>
      tpu.wait_dma2 semaphore(%run_scoped3A : memref<!tpu.dma_semaphore, #tpu.memory_space<semaphore_mem>>) src(%arg9 : memref<64x128xf32, #tpu.memory_space<vmem>>) dst(%dma_wait3A_97 : memref<64x128xf32, #tpu.memory_space<vmem_shared>>)
      tpu.yield
    }) : () -> ()
    %mul3A_10 = arith.constant 640 : i32
    %mul3A_11 = arith.muli %arg1, %mul3A_10 : i32
    %add3A_12 = arith.constant 64 : i32
    %add3A_13 = arith.addi %mul3A_11, %add3A_12 : i32
    "tpu.region"() ({
      %run_scoped3A = tpu.sem_alloc : memref<!tpu.dma_semaphore, #tpu.memory_space<semaphore_mem>>
      %dma_start3A = arith.constant 0 : i32
      %dma_start3A_92 = tpu.memref_slice %arg11[%add3A_13, %dma_start3A] : memref<10240x128xf32, #tpu.memory_space<vmem_shared>> -> memref<64x128xf32, #tpu.memory_space<vmem_shared>>
      %dma_start3A_93 = arith.constant 0 : i32
      %dma_start3A_94 = tpu.memref_slice %arg11[%add3A_13, %dma_start3A_93] : memref<10240x128xf32, #tpu.memory_space<vmem_shared>> -> memref<64x128xf32, #tpu.memory_space<vmem_shared>>
      tpu.enqueue_dma source(%arg9 : memref<64x128xf32, #tpu.memory_space<vmem>>) target(%dma_start3A_94 : memref<64x128xf32, #tpu.memory_space<vmem_shared>>) target_semaphore(%run_scoped3A : memref<!tpu.dma_semaphore, #tpu.memory_space<semaphore_mem>>)
      %dma_wait3A = arith.constant 0 : i32
      %dma_wait3A_95 = tpu.memref_slice %arg11[%add3A_13, %dma_wait3A] : memref<10240x128xf32, #tpu.memory_space<vmem_shared>> -> memref<64x128xf32, #tpu.memory_space<vmem_shared>>
      %dma_wait3A_96 = arith.constant 0 : i32
      %dma_wait3A_97 = tpu.memref_slice %arg11[%add3A_13, %dma_wait3A_96] : memref<10240x128xf32, #tpu.memory_space<vmem_shared>> -> memref<64x128xf32, #tpu.memory_space<vmem_shared>>
      tpu.wait_dma2 semaphore(%run_scoped3A : memref<!tpu.dma_semaphore, #tpu.memory_space<semaphore_mem>>) src(%arg9 : memref<64x128xf32, #tpu.memory_space<vmem>>) dst(%dma_wait3A_97 : memref<64x128xf32, #tpu.memory_space<vmem_shared>>)
      tpu.yield
    }) : () -> ()
    %mul3A_14 = arith.constant 640 : i32
    %mul3A_15 = arith.muli %arg1, %mul3A_14 : i32
    %add3A_16 = arith.constant 128 : i32
    %add3A_17 = arith.addi %mul3A_15, %add3A_16 : i32
    "tpu.region"() ({
      %run_scoped3A = tpu.sem_alloc : memref<!tpu.dma_semaphore, #tpu.memory_space<semaphore_mem>>
      %dma_start3A = arith.constant 0 : i32
      %dma_start3A_92 = tpu.memref_slice %arg11[%add3A_17, %dma_start3A] : memref<10240x128xf32, #tpu.memory_space<vmem_shared>> -> memref<64x128xf32, #tpu.memory_space<vmem_shared>>
      %dma_start3A_93 = arith.constant 0 : i32
      %dma_start3A_94 = tpu.memref_slice %arg11[%add3A_17, %dma_start3A_93] : memref<10240x128xf32, #tpu.memory_space<vmem_shared>> -> memref<64x128xf32, #tpu.memory_space<vmem_shared>>
      tpu.enqueue_dma source(%arg9 : memref<64x128xf32, #tpu.memory_space<vmem>>) target(%dma_start3A_94 : memref<64x128xf32, #tpu.memory_space<vmem_shared>>) target_semaphore(%run_scoped3A : memref<!tpu.dma_semaphore, #tpu.memory_space<semaphore_mem>>)
      %dma_wait3A = arith.constant 0 : i32
      %dma_wait3A_95 = tpu.memref_slice %arg11[%add3A_17, %dma_wait3A] : memref<10240x128xf32, #tpu.memory_space<vmem_shared>> -> memref<64x128xf32, #tpu.memory_space<vmem_shared>>
      %dma_wait3A_96 = arith.constant 0 : i32
      %dma_wait3A_97 = tpu.memref_slice %arg11[%add3A_17, %dma_wait3A_96] : memref<10240x128xf32, #tpu.memory_space<vmem_shared>> -> memref<64x128xf32, #tpu.memory_space<vmem_shared>>
      tpu.wait_dma2 semaphore(%run_scoped3A : memref<!tpu.dma_semaphore, #tpu.memory_space<semaphore_mem>>) src(%arg9 : memref<64x128xf32, #tpu.memory_space<vmem>>) dst(%dma_wait3A_97 : memref<64x128xf32, #tpu.memory_space<vmem_shared>>)
      tpu.yield
    }) : () -> ()
    %mul3A_18 = arith.constant 640 : i32
    %mul3A_19 = arith.muli %arg1, %mul3A_18 : i32
    %add3A_20 = arith.constant 192 : i32
    %add3A_21 = arith.addi %mul3A_19, %add3A_20 : i32
    "tpu.region"() ({
      %run_scoped3A = tpu.sem_alloc : memref<!tpu.dma_semaphore, #tpu.memory_space<semaphore_mem>>
      %dma_start3A = arith.constant 0 : i32
      %dma_start3A_92 = tpu.memref_slice %arg11[%add3A_21, %dma_start3A] : memref<10240x128xf32, #tpu.memory_space<vmem_shared>> -> memref<64x128xf32, #tpu.memory_space<vmem_shared>>
      %dma_start3A_93 = arith.constant 0 : i32
      %dma_start3A_94 = tpu.memref_slice %arg11[%add3A_21, %dma_start3A_93] : memref<10240x128xf32, #tpu.memory_space<vmem_shared>> -> memref<64x128xf32, #tpu.memory_space<vmem_shared>>
      tpu.enqueue_dma source(%arg9 : memref<64x128xf32, #tpu.memory_space<vmem>>) target(%dma_start3A_94 : memref<64x128xf32, #tpu.memory_space<vmem_shared>>) target_semaphore(%run_scoped3A : memref<!tpu.dma_semaphore, #tpu.memory_space<semaphore_mem>>)
      %dma_wait3A = arith.constant 0 : i32
      %dma_wait3A_95 = tpu.memref_slice %arg11[%add3A_21, %dma_wait3A] : memref<10240x128xf32, #tpu.memory_space<vmem_shared>> -> memref<64x128xf32, #tpu.memory_space<vmem_shared>>
      %dma_wait3A_96 = arith.constant 0 : i32
      %dma_wait3A_97 = tpu.memref_slice %arg11[%add3A_21, %dma_wait3A_96] : memref<10240x128xf32, #tpu.memory_space<vmem_shared>> -> memref<64x128xf32, #tpu.memory_space<vmem_shared>>
      tpu.wait_dma2 semaphore(%run_scoped3A : memref<!tpu.dma_semaphore, #tpu.memory_space<semaphore_mem>>) src(%arg9 : memref<64x128xf32, #tpu.memory_space<vmem>>) dst(%dma_wait3A_97 : memref<64x128xf32, #tpu.memory_space<vmem_shared>>)
      tpu.yield
    }) : () -> ()
    %mul3A_22 = arith.constant 640 : i32
    %mul3A_23 = arith.muli %arg1, %mul3A_22 : i32
    %add3A_24 = arith.constant 256 : i32
    %add3A_25 = arith.addi %mul3A_23, %add3A_24 : i32
    "tpu.region"() ({
      %run_scoped3A = tpu.sem_alloc : memref<!tpu.dma_semaphore, #tpu.memory_space<semaphore_mem>>
      %dma_start3A = arith.constant 0 : i32
      %dma_start3A_92 = tpu.memref_slice %arg11[%add3A_25, %dma_start3A] : memref<10240x128xf32, #tpu.memory_space<vmem_shared>> -> memref<64x128xf32, #tpu.memory_space<vmem_shared>>
      %dma_start3A_93 = arith.constant 0 : i32
      %dma_start3A_94 = tpu.memref_slice %arg11[%add3A_25, %dma_start3A_93] : memref<10240x128xf32, #tpu.memory_space<vmem_shared>> -> memref<64x128xf32, #tpu.memory_space<vmem_shared>>
      tpu.enqueue_dma source(%arg9 : memref<64x128xf32, #tpu.memory_space<vmem>>) target(%dma_start3A_94 : memref<64x128xf32, #tpu.memory_space<vmem_shared>>) target_semaphore(%run_scoped3A : memref<!tpu.dma_semaphore, #tpu.memory_space<semaphore_mem>>)
      %dma_wait3A = arith.constant 0 : i32
      %dma_wait3A_95 = tpu.memref_slice %arg11[%add3A_25, %dma_wait3A] : memref<10240x128xf32, #tpu.memory_space<vmem_shared>> -> memref<64x128xf32, #tpu.memory_space<vmem_shared>>
      %dma_wait3A_96 = arith.constant 0 : i32
      %dma_wait3A_97 = tpu.memref_slice %arg11[%add3A_25, %dma_wait3A_96] : memref<10240x128xf32, #tpu.memory_space<vmem_shared>> -> memref<64x128xf32, #tpu.memory_space<vmem_shared>>
      tpu.wait_dma2 semaphore(%run_scoped3A : memref<!tpu.dma_semaphore, #tpu.memory_space<semaphore_mem>>) src(%arg9 : memref<64x128xf32, #tpu.memory_space<vmem>>) dst(%dma_wait3A_97 : memref<64x128xf32, #tpu.memory_space<vmem_shared>>)
      tpu.yield
    }) : () -> ()
    %mul3A_26 = arith.constant 640 : i32
    %mul3A_27 = arith.muli %arg1, %mul3A_26 : i32
    %add3A_28 = arith.constant 320 : i32
    %add3A_29 = arith.addi %mul3A_27, %add3A_28 : i32
    "tpu.region"() ({
      %run_scoped3A = tpu.sem_alloc : memref<!tpu.dma_semaphore, #tpu.memory_space<semaphore_mem>>
      %dma_start3A = arith.constant 0 : i32
      %dma_start3A_92 = tpu.memref_slice %arg11[%add3A_29, %dma_start3A] : memref<10240x128xf32, #tpu.memory_space<vmem_shared>> -> memref<64x128xf32, #tpu.memory_space<vmem_shared>>
      %dma_start3A_93 = arith.constant 0 : i32
      %dma_start3A_94 = tpu.memref_slice %arg11[%add3A_29, %dma_start3A_93] : memref<10240x128xf32, #tpu.memory_space<vmem_shared>> -> memref<64x128xf32, #tpu.memory_space<vmem_shared>>
      tpu.enqueue_dma source(%arg9 : memref<64x128xf32, #tpu.memory_space<vmem>>) target(%dma_start3A_94 : memref<64x128xf32, #tpu.memory_space<vmem_shared>>) target_semaphore(%run_scoped3A : memref<!tpu.dma_semaphore, #tpu.memory_space<semaphore_mem>>)
      %dma_wait3A = arith.constant 0 : i32
      %dma_wait3A_95 = tpu.memref_slice %arg11[%add3A_29, %dma_wait3A] : memref<10240x128xf32, #tpu.memory_space<vmem_shared>> -> memref<64x128xf32, #tpu.memory_space<vmem_shared>>
      %dma_wait3A_96 = arith.constant 0 : i32
      %dma_wait3A_97 = tpu.memref_slice %arg11[%add3A_29, %dma_wait3A_96] : memref<10240x128xf32, #tpu.memory_space<vmem_shared>> -> memref<64x128xf32, #tpu.memory_space<vmem_shared>>
      tpu.wait_dma2 semaphore(%run_scoped3A : memref<!tpu.dma_semaphore, #tpu.memory_space<semaphore_mem>>) src(%arg9 : memref<64x128xf32, #tpu.memory_space<vmem>>) dst(%dma_wait3A_97 : memref<64x128xf32, #tpu.memory_space<vmem_shared>>)
      tpu.yield
    }) : () -> ()
    %mul3A_30 = arith.constant 640 : i32
    %mul3A_31 = arith.muli %arg1, %mul3A_30 : i32
    %add3A_32 = arith.constant 384 : i32
    %add3A_33 = arith.addi %mul3A_31, %add3A_32 : i32
    "tpu.region"() ({
      %run_scoped3A = tpu.sem_alloc : memref<!tpu.dma_semaphore, #tpu.memory_space<semaphore_mem>>
      %dma_start3A = arith.constant 0 : i32
      %dma_start3A_92 = tpu.memref_slice %arg11[%add3A_33, %dma_start3A] : memref<10240x128xf32, #tpu.memory_space<vmem_shared>> -> memref<64x128xf32, #tpu.memory_space<vmem_shared>>
      %dma_start3A_93 = arith.constant 0 : i32
      %dma_start3A_94 = tpu.memref_slice %arg11[%add3A_33, %dma_start3A_93] : memref<10240x128xf32, #tpu.memory_space<vmem_shared>> -> memref<64x128xf32, #tpu.memory_space<vmem_shared>>
      tpu.enqueue_dma source(%arg9 : memref<64x128xf32, #tpu.memory_space<vmem>>) target(%dma_start3A_94 : memref<64x128xf32, #tpu.memory_space<vmem_shared>>) target_semaphore(%run_scoped3A : memref<!tpu.dma_semaphore, #tpu.memory_space<semaphore_mem>>)
      %dma_wait3A = arith.constant 0 : i32
      %dma_wait3A_95 = tpu.memref_slice %arg11[%add3A_33, %dma_wait3A] : memref<10240x128xf32, #tpu.memory_space<vmem_shared>> -> memref<64x128xf32, #tpu.memory_space<vmem_shared>>
      %dma_wait3A_96 = arith.constant 0 : i32
      %dma_wait3A_97 = tpu.memref_slice %arg11[%add3A_33, %dma_wait3A_96] : memref<10240x128xf32, #tpu.memory_space<vmem_shared>> -> memref<64x128xf32, #tpu.memory_space<vmem_shared>>
      tpu.wait_dma2 semaphore(%run_scoped3A : memref<!tpu.dma_semaphore, #tpu.memory_space<semaphore_mem>>) src(%arg9 : memref<64x128xf32, #tpu.memory_space<vmem>>) dst(%dma_wait3A_97 : memref<64x128xf32, #tpu.memory_space<vmem_shared>>)
      tpu.yield
    }) : () -> ()
    %mul3A_34 = arith.constant 640 : i32
    %mul3A_35 = arith.muli %arg1, %mul3A_34 : i32
    %add3A_36 = arith.constant 448 : i32
    %add3A_37 = arith.addi %mul3A_35, %add3A_36 : i32
    "tpu.region"() ({
      %run_scoped3A = tpu.sem_alloc : memref<!tpu.dma_semaphore, #tpu.memory_space<semaphore_mem>>
      %dma_start3A = arith.constant 0 : i32
      %dma_start3A_92 = tpu.memref_slice %arg11[%add3A_37, %dma_start3A] : memref<10240x128xf32, #tpu.memory_space<vmem_shared>> -> memref<64x128xf32, #tpu.memory_space<vmem_shared>>
      %dma_start3A_93 = arith.constant 0 : i32
      %dma_start3A_94 = tpu.memref_slice %arg11[%add3A_37, %dma_start3A_93] : memref<10240x128xf32, #tpu.memory_space<vmem_shared>> -> memref<64x128xf32, #tpu.memory_space<vmem_shared>>
      tpu.enqueue_dma source(%arg9 : memref<64x128xf32, #tpu.memory_space<vmem>>) target(%dma_start3A_94 : memref<64x128xf32, #tpu.memory_space<vmem_shared>>) target_semaphore(%run_scoped3A : memref<!tpu.dma_semaphore, #tpu.memory_space<semaphore_mem>>)
      %dma_wait3A = arith.constant 0 : i32
      %dma_wait3A_95 = tpu.memref_slice %arg11[%add3A_37, %dma_wait3A] : memref<10240x128xf32, #tpu.memory_space<vmem_shared>> -> memref<64x128xf32, #tpu.memory_space<vmem_shared>>
      %dma_wait3A_96 = arith.constant 0 : i32
      %dma_wait3A_97 = tpu.memref_slice %arg11[%add3A_37, %dma_wait3A_96] : memref<10240x128xf32, #tpu.memory_space<vmem_shared>> -> memref<64x128xf32, #tpu.memory_space<vmem_shared>>
      tpu.wait_dma2 semaphore(%run_scoped3A : memref<!tpu.dma_semaphore, #tpu.memory_space<semaphore_mem>>) src(%arg9 : memref<64x128xf32, #tpu.memory_space<vmem>>) dst(%dma_wait3A_97 : memref<64x128xf32, #tpu.memory_space<vmem_shared>>)
      tpu.yield
    }) : () -> ()
    %mul3A_38 = arith.constant 640 : i32
    %mul3A_39 = arith.muli %arg1, %mul3A_38 : i32
    %add3A_40 = arith.constant 512 : i32
    %add3A_41 = arith.addi %mul3A_39, %add3A_40 : i32
    "tpu.region"() ({
      %run_scoped3A = tpu.sem_alloc : memref<!tpu.dma_semaphore, #tpu.memory_space<semaphore_mem>>
      %dma_start3A = arith.constant 0 : i32
      %dma_start3A_92 = tpu.memref_slice %arg11[%add3A_41, %dma_start3A] : memref<10240x128xf32, #tpu.memory_space<vmem_shared>> -> memref<64x128xf32, #tpu.memory_space<vmem_shared>>
      %dma_start3A_93 = arith.constant 0 : i32
      %dma_start3A_94 = tpu.memref_slice %arg11[%add3A_41, %dma_start3A_93] : memref<10240x128xf32, #tpu.memory_space<vmem_shared>> -> memref<64x128xf32, #tpu.memory_space<vmem_shared>>
      tpu.enqueue_dma source(%arg9 : memref<64x128xf32, #tpu.memory_space<vmem>>) target(%dma_start3A_94 : memref<64x128xf32, #tpu.memory_space<vmem_shared>>) target_semaphore(%run_scoped3A : memref<!tpu.dma_semaphore, #tpu.memory_space<semaphore_mem>>)
      %dma_wait3A = arith.constant 0 : i32
      %dma_wait3A_95 = tpu.memref_slice %arg11[%add3A_41, %dma_wait3A] : memref<10240x128xf32, #tpu.memory_space<vmem_shared>> -> memref<64x128xf32, #tpu.memory_space<vmem_shared>>
      %dma_wait3A_96 = arith.constant 0 : i32
      %dma_wait3A_97 = tpu.memref_slice %arg11[%add3A_41, %dma_wait3A_96] : memref<10240x128xf32, #tpu.memory_space<vmem_shared>> -> memref<64x128xf32, #tpu.memory_space<vmem_shared>>
      tpu.wait_dma2 semaphore(%run_scoped3A : memref<!tpu.dma_semaphore, #tpu.memory_space<semaphore_mem>>) src(%arg9 : memref<64x128xf32, #tpu.memory_space<vmem>>) dst(%dma_wait3A_97 : memref<64x128xf32, #tpu.memory_space<vmem_shared>>)
      tpu.yield
    }) : () -> ()
    %mul3A_42 = arith.constant 640 : i32
    %mul3A_43 = arith.muli %arg1, %mul3A_42 : i32
    %add3A_44 = arith.constant 576 : i32
    %add3A_45 = arith.addi %mul3A_43, %add3A_44 : i32
    "tpu.region"() ({
      %run_scoped3A = tpu.sem_alloc : memref<!tpu.dma_semaphore, #tpu.memory_space<semaphore_mem>>
      %dma_start3A = arith.constant 0 : i32
      %dma_start3A_92 = tpu.memref_slice %arg11[%add3A_45, %dma_start3A] : memref<10240x128xf32, #tpu.memory_space<vmem_shared>> -> memref<64x128xf32, #tpu.memory_space<vmem_shared>>
      %dma_start3A_93 = arith.constant 0 : i32
      %dma_start3A_94 = tpu.memref_slice %arg11[%add3A_45, %dma_start3A_93] : memref<10240x128xf32, #tpu.memory_space<vmem_shared>> -> memref<64x128xf32, #tpu.memory_space<vmem_shared>>
      tpu.enqueue_dma source(%arg9 : memref<64x128xf32, #tpu.memory_space<vmem>>) target(%dma_start3A_94 : memref<64x128xf32, #tpu.memory_space<vmem_shared>>) target_semaphore(%run_scoped3A : memref<!tpu.dma_semaphore, #tpu.memory_space<semaphore_mem>>)
      %dma_wait3A = arith.constant 0 : i32
      %dma_wait3A_95 = tpu.memref_slice %arg11[%add3A_45, %dma_wait3A] : memref<10240x128xf32, #tpu.memory_space<vmem_shared>> -> memref<64x128xf32, #tpu.memory_space<vmem_shared>>
      %dma_wait3A_96 = arith.constant 0 : i32
      %dma_wait3A_97 = tpu.memref_slice %arg11[%add3A_45, %dma_wait3A_96] : memref<10240x128xf32, #tpu.memory_space<vmem_shared>> -> memref<64x128xf32, #tpu.memory_space<vmem_shared>>
      tpu.wait_dma2 semaphore(%run_scoped3A : memref<!tpu.dma_semaphore, #tpu.memory_space<semaphore_mem>>) src(%arg9 : memref<64x128xf32, #tpu.memory_space<vmem>>) dst(%dma_wait3A_97 : memref<64x128xf32, #tpu.memory_space<vmem_shared>>)
      tpu.yield
    }) : () -> ()
    %barrier3A = arith.constant 0 : index
    tpu.barrier barrier_id(%barrier3A)
    %scan3A_46 = arith.constant 0 : i32
    %scan3A_47 = arith.constant 157 : i32
    %scan3A_48 = arith.addi %scan3A_46, %scan3A_47 : i32
    %scan3A_49 = arith.constant 1 : i32
    scf.for %scan3A_92 = %scan3A_46 to %scan3A_48 step %scan3A_49  : i32 {
      %mul3A_93 = arith.constant 1 : i32
      %mul3A_94 = arith.muli %scan3A_92, %mul3A_93 : i32
      %add3A_95 = arith.constant 0 : i32
      %add3A_96 = arith.addi %add3A_95, %mul3A_94 : i32
      %run_scoped3A = arith.constant 0 : i32
      "tpu.region"() ({
        %run_scoped3A_121 = tpu.sem_alloc : memref<!tpu.dma_semaphore, #tpu.memory_space<semaphore_mem>>
        %dma_start3A_122 = arith.constant 0 : i32
        %dma_start3A_123 = tpu.memref_slice %arg7[%run_scoped3A, %dma_start3A_122] : memref<1x64xi32, #tpu.memory_space<vmem>> -> memref<1x64xi32, #tpu.memory_space<vmem>>
        %dma_start3A_124 = tpu.memref_squeeze %dma_start3A_123 : memref<1x64xi32, #tpu.memory_space<vmem>> -> memref<64xi32, #tpu.memory_space<vmem>>
        %dma_start3A_125 = arith.constant 0 : i32
        %dma_start3A_126 = tpu.memref_slice %arg4[%add3A, %add3A_96, %dma_start3A_125] : memref<32x157x64xi32, #tpu.memory_space<hbm>> -> memref<1x1x64xi32, #tpu.memory_space<hbm>>
        %dma_start3A_127 = tpu.memref_squeeze %dma_start3A_126 : memref<1x1x64xi32, #tpu.memory_space<hbm>> -> memref<64xi32, #tpu.memory_space<hbm>>
        %dma_start3A_128 = arith.constant 0 : i32
        %dma_start3A_129 = tpu.memref_slice %arg7[%run_scoped3A, %dma_start3A_128] : memref<1x64xi32, #tpu.memory_space<vmem>> -> memref<1x64xi32, #tpu.memory_space<vmem>>
        %dma_start3A_130 = tpu.memref_squeeze %dma_start3A_129 : memref<1x64xi32, #tpu.memory_space<vmem>> -> memref<64xi32, #tpu.memory_space<vmem>>
        %dma_start3A_131 = arith.constant 0 : i32
        %dma_start3A_132 = tpu.memref_slice %arg4[%add3A, %add3A_96, %dma_start3A_131] : memref<32x157x64xi32, #tpu.memory_space<hbm>> -> memref<1x1x64xi32, #tpu.memory_space<hbm>>
        %dma_start3A_133 = tpu.memref_squeeze %dma_start3A_132 : memref<1x1x64xi32, #tpu.memory_space<hbm>> -> memref<64xi32, #tpu.memory_space<hbm>>
        tpu.enqueue_dma source(%dma_start3A_133 : memref<64xi32, #tpu.memory_space<hbm>>) target(%dma_start3A_130 : memref<64xi32, #tpu.memory_space<vmem>>) target_semaphore(%run_scoped3A_121 : memref<!tpu.dma_semaphore, #tpu.memory_space<semaphore_mem>>)
        %dma_wait3A_134 = arith.constant 0 : i32
        %dma_wait3A_135 = tpu.memref_slice %arg7[%run_scoped3A, %dma_wait3A_134] : memref<1x64xi32, #tpu.memory_space<vmem>> -> memref<1x64xi32, #tpu.memory_space<vmem>>
        %dma_wait3A_136 = tpu.memref_squeeze %dma_wait3A_135 : memref<1x64xi32, #tpu.memory_space<vmem>> -> memref<64xi32, #tpu.memory_space<vmem>>
        %dma_wait3A_137 = arith.constant 0 : i32
        %dma_wait3A_138 = tpu.memref_slice %arg4[%add3A, %add3A_96, %dma_wait3A_137] : memref<32x157x64xi32, #tpu.memory_space<hbm>> -> memref<1x1x64xi32, #tpu.memory_space<hbm>>
        %dma_wait3A_139 = tpu.memref_squeeze %dma_wait3A_138 : memref<1x1x64xi32, #tpu.memory_space<hbm>> -> memref<64xi32, #tpu.memory_space<hbm>>
        %dma_wait3A_140 = arith.constant 0 : i32
        %dma_wait3A_141 = tpu.memref_slice %arg7[%run_scoped3A, %dma_wait3A_140] : memref<1x64xi32, #tpu.memory_space<vmem>> -> memref<1x64xi32, #tpu.memory_space<vmem>>
        %dma_wait3A_142 = tpu.memref_squeeze %dma_wait3A_141 : memref<1x64xi32, #tpu.memory_space<vmem>> -> memref<64xi32, #tpu.memory_space<vmem>>
        %dma_wait3A_143 = arith.constant 0 : i32
        %dma_wait3A_144 = tpu.memref_slice %arg4[%add3A, %add3A_96, %dma_wait3A_143] : memref<32x157x64xi32, #tpu.memory_space<hbm>> -> memref<1x1x64xi32, #tpu.memory_space<hbm>>
        %dma_wait3A_145 = tpu.memref_squeeze %dma_wait3A_144 : memref<1x1x64xi32, #tpu.memory_space<hbm>> -> memref<64xi32, #tpu.memory_space<hbm>>
        tpu.wait_dma2 semaphore(%run_scoped3A_121 : memref<!tpu.dma_semaphore, #tpu.memory_space<semaphore_mem>>) src(%dma_wait3A_145 : memref<64xi32, #tpu.memory_space<hbm>>) dst(%dma_wait3A_142 : memref<64xi32, #tpu.memory_space<vmem>>)
        tpu.yield
      }) : () -> ()
      %run_scoped3A_97 = arith.constant 0 : i32
      "tpu.region"() ({
        %run_scoped3A_121 = tpu.sem_alloc : memref<!tpu.dma_semaphore, #tpu.memory_space<semaphore_mem>>
        %dma_start3A_122 = arith.constant 0 : i32
        %dma_start3A_123 = tpu.memref_slice %arg8[%run_scoped3A_97, %dma_start3A_122] : memref<1x64xi32, #tpu.memory_space<vmem>> -> memref<1x64xi32, #tpu.memory_space<vmem>>
        %dma_start3A_124 = tpu.memref_squeeze %dma_start3A_123 : memref<1x64xi32, #tpu.memory_space<vmem>> -> memref<64xi32, #tpu.memory_space<vmem>>
        %dma_start3A_125 = arith.constant 0 : i32
        %dma_start3A_126 = tpu.memref_slice %arg5[%add3A, %add3A_96, %dma_start3A_125] : memref<32x157x64xi32, #tpu.memory_space<hbm>> -> memref<1x1x64xi32, #tpu.memory_space<hbm>>
        %dma_start3A_127 = tpu.memref_squeeze %dma_start3A_126 : memref<1x1x64xi32, #tpu.memory_space<hbm>> -> memref<64xi32, #tpu.memory_space<hbm>>
        %dma_start3A_128 = arith.constant 0 : i32
        %dma_start3A_129 = tpu.memref_slice %arg8[%run_scoped3A_97, %dma_start3A_128] : memref<1x64xi32, #tpu.memory_space<vmem>> -> memref<1x64xi32, #tpu.memory_space<vmem>>
        %dma_start3A_130 = tpu.memref_squeeze %dma_start3A_129 : memref<1x64xi32, #tpu.memory_space<vmem>> -> memref<64xi32, #tpu.memory_space<vmem>>
        %dma_start3A_131 = arith.constant 0 : i32
        %dma_start3A_132 = tpu.memref_slice %arg5[%add3A, %add3A_96, %dma_start3A_131] : memref<32x157x64xi32, #tpu.memory_space<hbm>> -> memref<1x1x64xi32, #tpu.memory_space<hbm>>
        %dma_start3A_133 = tpu.memref_squeeze %dma_start3A_132 : memref<1x1x64xi32, #tpu.memory_space<hbm>> -> memref<64xi32, #tpu.memory_space<hbm>>
        tpu.enqueue_dma source(%dma_start3A_133 : memref<64xi32, #tpu.memory_space<hbm>>) target(%dma_start3A_130 : memref<64xi32, #tpu.memory_space<vmem>>) target_semaphore(%run_scoped3A_121 : memref<!tpu.dma_semaphore, #tpu.memory_space<semaphore_mem>>)
        %dma_wait3A_134 = arith.constant 0 : i32
        %dma_wait3A_135 = tpu.memref_slice %arg8[%run_scoped3A_97, %dma_wait3A_134] : memref<1x64xi32, #tpu.memory_space<vmem>> -> memref<1x64xi32, #tpu.memory_space<vmem>>
        %dma_wait3A_136 = tpu.memref_squeeze %dma_wait3A_135 : memref<1x64xi32, #tpu.memory_space<vmem>> -> memref<64xi32, #tpu.memory_space<vmem>>
        %dma_wait3A_137 = arith.constant 0 : i32
        %dma_wait3A_138 = tpu.memref_slice %arg5[%add3A, %add3A_96, %dma_wait3A_137] : memref<32x157x64xi32, #tpu.memory_space<hbm>> -> memref<1x1x64xi32, #tpu.memory_space<hbm>>
        %dma_wait3A_139 = tpu.memref_squeeze %dma_wait3A_138 : memref<1x1x64xi32, #tpu.memory_space<hbm>> -> memref<64xi32, #tpu.memory_space<hbm>>
        %dma_wait3A_140 = arith.constant 0 : i32
        %dma_wait3A_141 = tpu.memref_slice %arg8[%run_scoped3A_97, %dma_wait3A_140] : memref<1x64xi32, #tpu.memory_space<vmem>> -> memref<1x64xi32, #tpu.memory_space<vmem>>
        %dma_wait3A_142 = tpu.memref_squeeze %dma_wait3A_141 : memref<1x64xi32, #tpu.memory_space<vmem>> -> memref<64xi32, #tpu.memory_space<vmem>>
        %dma_wait3A_143 = arith.constant 0 : i32
        %dma_wait3A_144 = tpu.memref_slice %arg5[%add3A, %add3A_96, %dma_wait3A_143] : memref<32x157x64xi32, #tpu.memory_space<hbm>> -> memref<1x1x64xi32, #tpu.memory_space<hbm>>
        %dma_wait3A_145 = tpu.memref_squeeze %dma_wait3A_144 : memref<1x1x64xi32, #tpu.memory_space<hbm>> -> memref<64xi32, #tpu.memory_space<hbm>>
        tpu.wait_dma2 semaphore(%run_scoped3A_121 : memref<!tpu.dma_semaphore, #tpu.memory_space<semaphore_mem>>) src(%dma_wait3A_145 : memref<64xi32, #tpu.memory_space<hbm>>) dst(%dma_wait3A_142 : memref<64xi32, #tpu.memory_space<vmem>>)
        tpu.yield
      }) : () -> ()
      %dma_start3A = arith.constant 0 : i32
      %dma_start3A_98 = arith.constant 0 : i32
      %dma_start3A_99 = tpu.memref_slice %arg7[%dma_start3A, %dma_start3A_98] : memref<1x64xi32, #tpu.memory_space<vmem>> -> memref<1x64xi32, #tpu.memory_space<vmem>>
      %dma_start3A_100 = tpu.memref_squeeze %dma_start3A_99 : memref<1x64xi32, #tpu.memory_space<vmem>> -> memref<64xi32, #tpu.memory_space<vmem>>
      %dma_start3A_101 = arith.constant 0 : i32
      %dma_start3A_102 = arith.constant 0 : i32
      %dma_start3A_103 = tpu.memref_slice %arg2[%dma_start3A_101, %dma_start3A_102] : memref<10240x128xf32, #tpu.memory_space<hbm>> -> memref<10240x128xf32, #tpu.memory_space<hbm>>
      tpu.enqueue_indirect_dma source(%dma_start3A_103 : memref<10240x128xf32, #tpu.memory_space<hbm>>) target(%arg9 : memref<64x128xf32, #tpu.memory_space<vmem>>) offsets(%dma_start3A_100 : memref<64xi32, #tpu.memory_space<vmem>>) semaphore(%arg12 : memref<!tpu.dma_semaphore, #tpu.memory_space<semaphore_mem>>)
      %dma_wait3A = arith.constant 0 : i32
      %dma_wait3A_104 = arith.constant 0 : i32
      %dma_wait3A_105 = tpu.memref_slice %arg7[%dma_wait3A, %dma_wait3A_104] : memref<1x64xi32, #tpu.memory_space<vmem>> -> memref<1x64xi32, #tpu.memory_space<vmem>>
      %dma_wait3A_106 = tpu.memref_squeeze %dma_wait3A_105 : memref<1x64xi32, #tpu.memory_space<vmem>> -> memref<64xi32, #tpu.memory_space<vmem>>
      %dma_wait3A_107 = arith.constant 0 : i32
      %dma_wait3A_108 = arith.constant 0 : i32
      %dma_wait3A_109 = tpu.memref_slice %arg2[%dma_wait3A_107, %dma_wait3A_108] : memref<10240x128xf32, #tpu.memory_space<hbm>> -> memref<10240x128xf32, #tpu.memory_space<hbm>>
      tpu.wait_indirect_dma semaphore(%arg12 : memref<!tpu.dma_semaphore, #tpu.memory_space<semaphore_mem>>) src(%dma_wait3A_109 : memref<10240x128xf32, #tpu.memory_space<hbm>>) dst(%arg9 : memref<64x128xf32, #tpu.memory_space<vmem>>)
      %mul3A_110 = arith.constant 157 : i32
      %mul3A_111 = arith.muli %add3A, %mul3A_110 : i32
      %add3A_112 = arith.addi %mul3A_111, %add3A_96 : i32
      %mul3A_113 = arith.constant 64 : i32
      %mul3A_114 = arith.muli %add3A_112, %mul3A_113 : i32
      "tpu.region"() ({
        %run_scoped3A_121 = tpu.sem_alloc : memref<!tpu.dma_semaphore, #tpu.memory_space<semaphore_mem>>
        %dma_start3A_122 = arith.constant 0 : i32
        %dma_start3A_123 = tpu.memref_slice %arg3[%mul3A_114, %dma_start3A_122] : memref<321536x128xf32, #tpu.memory_space<hbm>> -> memref<64x128xf32, #tpu.memory_space<hbm>>
        %dma_start3A_124 = arith.constant 0 : i32
        %dma_start3A_125 = tpu.memref_slice %arg3[%mul3A_114, %dma_start3A_124] : memref<321536x128xf32, #tpu.memory_space<hbm>> -> memref<64x128xf32, #tpu.memory_space<hbm>>
        tpu.enqueue_dma source(%dma_start3A_125 : memref<64x128xf32, #tpu.memory_space<hbm>>) target(%arg10 : memref<64x128xf32, #tpu.memory_space<vmem>>) target_semaphore(%run_scoped3A_121 : memref<!tpu.dma_semaphore, #tpu.memory_space<semaphore_mem>>)
        %dma_wait3A_126 = arith.constant 0 : i32
        %dma_wait3A_127 = tpu.memref_slice %arg3[%mul3A_114, %dma_wait3A_126] : memref<321536x128xf32, #tpu.memory_space<hbm>> -> memref<64x128xf32, #tpu.memory_space<hbm>>
        %dma_wait3A_128 = arith.constant 0 : i32
        %dma_wait3A_129 = tpu.memref_slice %arg3[%mul3A_114, %dma_wait3A_128] : memref<321536x128xf32, #tpu.memory_space<hbm>> -> memref<64x128xf32, #tpu.memory_space<hbm>>
        tpu.wait_dma2 semaphore(%run_scoped3A_121 : memref<!tpu.dma_semaphore, #tpu.memory_space<semaphore_mem>>) src(%dma_wait3A_129 : memref<64x128xf32, #tpu.memory_space<hbm>>) dst(%arg10 : memref<64x128xf32, #tpu.memory_space<vmem>>)
        tpu.yield
      }) : () -> ()
      %scan3A_115 = arith.constant 0 : i32
      %scan3A_116 = arith.constant 64 : i32
      %scan3A_117 = arith.addi %scan3A_115, %scan3A_116 : i32
      %scan3A_118 = arith.constant 1 : i32
      scf.for %scan3A_121 = %scan3A_115 to %scan3A_117 step %scan3A_118  : i32 {
        %mul3A_122 = arith.constant 1 : i32
        %mul3A_123 = arith.muli %scan3A_121, %mul3A_122 : i32
        %add3A_124 = arith.constant 0 : i32
        %add3A_125 = arith.addi %add3A_124, %mul3A_123 : i32
        %get3A = arith.index_cast %add3A_125 : i32 to index
        %get3A_126 = arith.constant 0 : index
        %get3A_127 = tpu.vector_load %arg9[%get3A, %get3A_126] {strides = array<i32>} : memref<64x128xf32, #tpu.memory_space<vmem>>, vector<1x16xf32>,
        %get3A_128 = vector.shape_cast %get3A_127 : vector<1x16xf32> to vector<16xf32>
        %get3A_129 = arith.index_cast %add3A_125 : i32 to index
        %get3A_130 = arith.constant 0 : index
        %get3A_131 = tpu.vector_load %arg10[%get3A_129, %get3A_130] {strides = array<i32>} : memref<64x128xf32, #tpu.memory_space<vmem>>, vector<1x16xf32>,
        %get3A_132 = vector.shape_cast %get3A_131 : vector<1x16xf32> to vector<16xf32>
        %add3A_133 = arith.addf %get3A_128, %get3A_132 : vector<16xf32>
        %max3A = arith.constant 0.000000e+00 : f32
        %max3A_134 = vector.broadcast %max3A : f32 to vector<16xf32>
        %max3A_135 = arith.maximumf %add3A_133, %max3A_134 : vector<16xf32>
        %swap3A = arith.index_cast %add3A_125 : i32 to index
        %swap3A_136 = arith.constant 0 : index
        %swap3A_137 = tpu.vector_load %arg9[%swap3A, %swap3A_136] {strides = array<i32>} : memref<64x128xf32, #tpu.memory_space<vmem>>, vector<1x16xf32>,
        %swap3A_138 = vector.shape_cast %swap3A_137 : vector<1x16xf32> to vector<16xf32>
        %swap3A_139 = vector.shape_cast %max3A_135 : vector<16xf32> to vector<1x16xf32>
        tpu.vector_store %arg9[%swap3A, %swap3A_136], %swap3A_139 {strides = array<i32>} : memref<64x128xf32, #tpu.memory_space<vmem>>, vector<1x16xf32>,
        %get3A_140 = arith.index_cast %add3A_125 : i32 to index
        %get3A_141 = arith.constant 16 : index
        %get3A_142 = tpu.vector_load %arg9[%get3A_140, %get3A_141] {strides = array<i32>} : memref<64x128xf32, #tpu.memory_space<vmem>>, vector<1x16xf32>,
        %get3A_143 = vector.shape_cast %get3A_142 : vector<1x16xf32> to vector<16xf32>
        %get3A_144 = arith.index_cast %add3A_125 : i32 to index
        %get3A_145 = arith.constant 16 : index
        %get3A_146 = tpu.vector_load %arg10[%get3A_144, %get3A_145] {strides = array<i32>} : memref<64x128xf32, #tpu.memory_space<vmem>>, vector<1x16xf32>,
        %get3A_147 = vector.shape_cast %get3A_146 : vector<1x16xf32> to vector<16xf32>
        %add3A_148 = arith.addf %get3A_143, %get3A_147 : vector<16xf32>
        %max3A_149 = arith.constant 0.000000e+00 : f32
        %max3A_150 = vector.broadcast %max3A_149 : f32 to vector<16xf32>
        %max3A_151 = arith.maximumf %add3A_148, %max3A_150 : vector<16xf32>
        %swap3A_152 = arith.index_cast %add3A_125 : i32 to index
        %swap3A_153 = arith.constant 16 : index
        %swap3A_154 = tpu.vector_load %arg9[%swap3A_152, %swap3A_153] {strides = array<i32>} : memref<64x128xf32, #tpu.memory_space<vmem>>, vector<1x16xf32>,
        %swap3A_155 = vector.shape_cast %swap3A_154 : vector<1x16xf32> to vector<16xf32>
        %swap3A_156 = vector.shape_cast %max3A_151 : vector<16xf32> to vector<1x16xf32>
        tpu.vector_store %arg9[%swap3A_152, %swap3A_153], %swap3A_156 {strides = array<i32>} : memref<64x128xf32, #tpu.memory_space<vmem>>, vector<1x16xf32>,
        %get3A_157 = arith.index_cast %add3A_125 : i32 to index
        %get3A_158 = arith.constant 32 : index
        %get3A_159 = tpu.vector_load %arg9[%get3A_157, %get3A_158] {strides = array<i32>} : memref<64x128xf32, #tpu.memory_space<vmem>>, vector<1x16xf32>,
        %get3A_160 = vector.shape_cast %get3A_159 : vector<1x16xf32> to vector<16xf32>
        %get3A_161 = arith.index_cast %add3A_125 : i32 to index
        %get3A_162 = arith.constant 32 : index
        %get3A_163 = tpu.vector_load %arg10[%get3A_161, %get3A_162] {strides = array<i32>} : memref<64x128xf32, #tpu.memory_space<vmem>>, vector<1x16xf32>,
        %get3A_164 = vector.shape_cast %get3A_163 : vector<1x16xf32> to vector<16xf32>
        %add3A_165 = arith.addf %get3A_160, %get3A_164 : vector<16xf32>
        %max3A_166 = arith.constant 0.000000e+00 : f32
        %max3A_167 = vector.broadcast %max3A_166 : f32 to vector<16xf32>
        %max3A_168 = arith.maximumf %add3A_165, %max3A_167 : vector<16xf32>
        %swap3A_169 = arith.index_cast %add3A_125 : i32 to index
        %swap3A_170 = arith.constant 32 : index
        %swap3A_171 = tpu.vector_load %arg9[%swap3A_169, %swap3A_170] {strides = array<i32>} : memref<64x128xf32, #tpu.memory_space<vmem>>, vector<1x16xf32>,
        %swap3A_172 = vector.shape_cast %swap3A_171 : vector<1x16xf32> to vector<16xf32>
        %swap3A_173 = vector.shape_cast %max3A_168 : vector<16xf32> to vector<1x16xf32>
        tpu.vector_store %arg9[%swap3A_169, %swap3A_170], %swap3A_173 {strides = array<i32>} : memref<64x128xf32, #tpu.memory_space<vmem>>, vector<1x16xf32>,
        %get3A_174 = arith.index_cast %add3A_125 : i32 to index
        %get3A_175 = arith.constant 48 : index
        %get3A_176 = tpu.vector_load %arg9[%get3A_174, %get3A_175] {strides = array<i32>} : memref<64x128xf32, #tpu.memory_space<vmem>>, vector<1x16xf32>,
        %get3A_177 = vector.shape_cast %get3A_176 : vector<1x16xf32> to vector<16xf32>
        %get3A_178 = arith.index_cast %add3A_125 : i32 to index
        %get3A_179 = arith.constant 48 : index
        %get3A_180 = tpu.vector_load %arg10[%get3A_178, %get3A_179] {strides = array<i32>} : memref<64x128xf32, #tpu.memory_space<vmem>>, vector<1x16xf32>,
        %get3A_181 = vector.shape_cast %get3A_180 : vector<1x16xf32> to vector<16xf32>
        %add3A_182 = arith.addf %get3A_177, %get3A_181 : vector<16xf32>
        %max3A_183 = arith.constant 0.000000e+00 : f32
        %max3A_184 = vector.broadcast %max3A_183 : f32 to vector<16xf32>
        %max3A_185 = arith.maximumf %add3A_182, %max3A_184 : vector<16xf32>
        %swap3A_186 = arith.index_cast %add3A_125 : i32 to index
        %swap3A_187 = arith.constant 48 : index
        %swap3A_188 = tpu.vector_load %arg9[%swap3A_186, %swap3A_187] {strides = array<i32>} : memref<64x128xf32, #tpu.memory_space<vmem>>, vector<1x16xf32>,
        %swap3A_189 = vector.shape_cast %swap3A_188 : vector<1x16xf32> to vector<16xf32>
        %swap3A_190 = vector.shape_cast %max3A_185 : vector<16xf32> to vector<1x16xf32>
        tpu.vector_store %arg9[%swap3A_186, %swap3A_187], %swap3A_190 {strides = array<i32>} : memref<64x128xf32, #tpu.memory_space<vmem>>, vector<1x16xf32>,
        %get3A_191 = arith.index_cast %add3A_125 : i32 to index
        %get3A_192 = arith.constant 64 : index
        %get3A_193 = tpu.vector_load %arg9[%get3A_191, %get3A_192] {strides = array<i32>} : memref<64x128xf32, #tpu.memory_space<vmem>>, vector<1x16xf32>,
        %get3A_194 = vector.shape_cast %get3A_193 : vector<1x16xf32> to vector<16xf32>
        %get3A_195 = arith.index_cast %add3A_125 : i32 to index
        %get3A_196 = arith.constant 64 : index
        %get3A_197 = tpu.vector_load %arg10[%get3A_195, %get3A_196] {strides = array<i32>} : memref<64x128xf32, #tpu.memory_space<vmem>>, vector<1x16xf32>,
        %get3A_198 = vector.shape_cast %get3A_197 : vector<1x16xf32> to vector<16xf32>
        %add3A_199 = arith.addf %get3A_194, %get3A_198 : vector<16xf32>
        %max3A_200 = arith.constant 0.000000e+00 : f32
        %max3A_201 = vector.broadcast %max3A_200 : f32 to vector<16xf32>
        %max3A_202 = arith.maximumf %add3A_199, %max3A_201 : vector<16xf32>
        %swap3A_203 = arith.index_cast %add3A_125 : i32 to index
        %swap3A_204 = arith.constant 64 : index
        %swap3A_205 = tpu.vector_load %arg9[%swap3A_203, %swap3A_204] {strides = array<i32>} : memref<64x128xf32, #tpu.memory_space<vmem>>, vector<1x16xf32>,
        %swap3A_206 = vector.shape_cast %swap3A_205 : vector<1x16xf32> to vector<16xf32>
        %swap3A_207 = vector.shape_cast %max3A_202 : vector<16xf32> to vector<1x16xf32>
        tpu.vector_store %arg9[%swap3A_203, %swap3A_204], %swap3A_207 {strides = array<i32>} : memref<64x128xf32, #tpu.memory_space<vmem>>, vector<1x16xf32>,
        %get3A_208 = arith.index_cast %add3A_125 : i32 to index
        %get3A_209 = arith.constant 80 : index
        %get3A_210 = tpu.vector_load %arg9[%get3A_208, %get3A_209] {strides = array<i32>} : memref<64x128xf32, #tpu.memory_space<vmem>>, vector<1x16xf32>,
        %get3A_211 = vector.shape_cast %get3A_210 : vector<1x16xf32> to vector<16xf32>
        %get3A_212 = arith.index_cast %add3A_125 : i32 to index
        %get3A_213 = arith.constant 80 : index
        %get3A_214 = tpu.vector_load %arg10[%get3A_212, %get3A_213] {strides = array<i32>} : memref<64x128xf32, #tpu.memory_space<vmem>>, vector<1x16xf32>,
        %get3A_215 = vector.shape_cast %get3A_214 : vector<1x16xf32> to vector<16xf32>
        %add3A_216 = arith.addf %get3A_211, %get3A_215 : vector<16xf32>
        %max3A_217 = arith.constant 0.000000e+00 : f32
        %max3A_218 = vector.broadcast %max3A_217 : f32 to vector<16xf32>
        %max3A_219 = arith.maximumf %add3A_216, %max3A_218 : vector<16xf32>
        %swap3A_220 = arith.index_cast %add3A_125 : i32 to index
        %swap3A_221 = arith.constant 80 : index
        %swap3A_222 = tpu.vector_load %arg9[%swap3A_220, %swap3A_221] {strides = array<i32>} : memref<64x128xf32, #tpu.memory_space<vmem>>, vector<1x16xf32>,
        %swap3A_223 = vector.shape_cast %swap3A_222 : vector<1x16xf32> to vector<16xf32>
        %swap3A_224 = vector.shape_cast %max3A_219 : vector<16xf32> to vector<1x16xf32>
        tpu.vector_store %arg9[%swap3A_220, %swap3A_221], %swap3A_224 {strides = array<i32>} : memref<64x128xf32, #tpu.memory_space<vmem>>, vector<1x16xf32>,
        %get3A_225 = arith.index_cast %add3A_125 : i32 to index
        %get3A_226 = arith.constant 96 : index
        %get3A_227 = tpu.vector_load %arg9[%get3A_225, %get3A_226] {strides = array<i32>} : memref<64x128xf32, #tpu.memory_space<vmem>>, vector<1x16xf32>,
        %get3A_228 = vector.shape_cast %get3A_227 : vector<1x16xf32> to vector<16xf32>
        %get3A_229 = arith.index_cast %add3A_125 : i32 to index
        %get3A_230 = arith.constant 96 : index
        %get3A_231 = tpu.vector_load %arg10[%get3A_229, %get3A_230] {strides = array<i32>} : memref<64x128xf32, #tpu.memory_space<vmem>>, vector<1x16xf32>,
        %get3A_232 = vector.shape_cast %get3A_231 : vector<1x16xf32> to vector<16xf32>
        %add3A_233 = arith.addf %get3A_228, %get3A_232 : vector<16xf32>
        %max3A_234 = arith.constant 0.000000e+00 : f32
        %max3A_235 = vector.broadcast %max3A_234 : f32 to vector<16xf32>
        %max3A_236 = arith.maximumf %add3A_233, %max3A_235 : vector<16xf32>
        %swap3A_237 = arith.index_cast %add3A_125 : i32 to index
        %swap3A_238 = arith.constant 96 : index
        %swap3A_239 = tpu.vector_load %arg9[%swap3A_237, %swap3A_238] {strides = array<i32>} : memref<64x128xf32, #tpu.memory_space<vmem>>, vector<1x16xf32>,
        %swap3A_240 = vector.shape_cast %swap3A_239 : vector<1x16xf32> to vector<16xf32>
        %swap3A_241 = vector.shape_cast %max3A_236 : vector<16xf32> to vector<1x16xf32>
        tpu.vector_store %arg9[%swap3A_237, %swap3A_238], %swap3A_241 {strides = array<i32>} : memref<64x128xf32, #tpu.memory_space<vmem>>, vector<1x16xf32>,
        %get3A_242 = arith.index_cast %add3A_125 : i32 to index
        %get3A_243 = arith.constant 112 : index
        %get3A_244 = tpu.vector_load %arg9[%get3A_242, %get3A_243] {strides = array<i32>} : memref<64x128xf32, #tpu.memory_space<vmem>>, vector<1x16xf32>,
        %get3A_245 = vector.shape_cast %get3A_244 : vector<1x16xf32> to vector<16xf32>
        %get3A_246 = arith.index_cast %add3A_125 : i32 to index
        %get3A_247 = arith.constant 112 : index
        %get3A_248 = tpu.vector_load %arg10[%get3A_246, %get3A_247] {strides = array<i32>} : memref<64x128xf32, #tpu.memory_space<vmem>>, vector<1x16xf32>,
        %get3A_249 = vector.shape_cast %get3A_248 : vector<1x16xf32> to vector<16xf32>
        %add3A_250 = arith.addf %get3A_245, %get3A_249 : vector<16xf32>
        %max3A_251 = arith.constant 0.000000e+00 : f32
        %max3A_252 = vector.broadcast %max3A_251 : f32 to vector<16xf32>
        %max3A_253 = arith.maximumf %add3A_250, %max3A_252 : vector<16xf32>
        %swap3A_254 = arith.index_cast %add3A_125 : i32 to index
        %swap3A_255 = arith.constant 112 : index
        %swap3A_256 = tpu.vector_load %arg9[%swap3A_254, %swap3A_255] {strides = array<i32>} : memref<64x128xf32, #tpu.memory_space<vmem>>, vector<1x16xf32>,
        %swap3A_257 = vector.shape_cast %swap3A_256 : vector<1x16xf32> to vector<16xf32>
        %swap3A_258 = vector.shape_cast %max3A_253 : vector<16xf32> to vector<1x16xf32>
        tpu.vector_store %arg9[%swap3A_254, %swap3A_255], %swap3A_258 {strides = array<i32>} : memref<64x128xf32, #tpu.memory_space<vmem>>, vector<1x16xf32>,
      }
      %scan3A_119 = arith.constant 64 : i32
      %run_scoped3A_120 = arith.constant 0 : i32
      "tpu.region"() ({
        %run_scoped3A_121 = tpu.sem_alloc : memref<!tpu.dma_semaphore, #tpu.memory_space<semaphore_mem>>
        %dma_start3A_122 = arith.constant 0 : i32
        %dma_start3A_123 = tpu.memref_slice %arg8[%run_scoped3A_120, %dma_start3A_122] : memref<1x64xi32, #tpu.memory_space<vmem>> -> memref<1x64xi32, #tpu.memory_space<vmem>>
        %dma_start3A_124 = tpu.memref_squeeze %dma_start3A_123 : memref<1x64xi32, #tpu.memory_space<vmem>> -> memref<64xi32, #tpu.memory_space<vmem>>
        %dma_start3A_125 = arith.constant 0 : i32
        %dma_start3A_126 = arith.constant 0 : i32
        %dma_start3A_127 = tpu.memref_slice %arg11[%dma_start3A_125, %dma_start3A_126] : memref<10240x128xf32, #tpu.memory_space<vmem_shared>> -> memref<10240x128xf32, #tpu.memory_space<vmem_shared>>
        tpu.enqueue_indirect_dma source(%arg9 : memref<64x128xf32, #tpu.memory_space<vmem>>) target(%dma_start3A_127 : memref<10240x128xf32, #tpu.memory_space<vmem_shared>>) offsets(%dma_start3A_124 : memref<64xi32, #tpu.memory_space<vmem>>) semaphore(%run_scoped3A_121 : memref<!tpu.dma_semaphore, #tpu.memory_space<semaphore_mem>>) {add = true}
        %dma_wait3A_128 = arith.constant 0 : i32
        %dma_wait3A_129 = tpu.memref_slice %arg8[%run_scoped3A_120, %dma_wait3A_128] : memref<1x64xi32, #tpu.memory_space<vmem>> -> memref<1x64xi32, #tpu.memory_space<vmem>>
        %dma_wait3A_130 = tpu.memref_squeeze %dma_wait3A_129 : memref<1x64xi32, #tpu.memory_space<vmem>> -> memref<64xi32, #tpu.memory_space<vmem>>
        %dma_wait3A_131 = arith.constant 0 : i32
        %dma_wait3A_132 = arith.constant 0 : i32
        %dma_wait3A_133 = tpu.memref_slice %arg11[%dma_wait3A_131, %dma_wait3A_132] : memref<10240x128xf32, #tpu.memory_space<vmem_shared>> -> memref<10240x128xf32, #tpu.memory_space<vmem_shared>>
        tpu.wait_indirect_dma semaphore(%run_scoped3A_121 : memref<!tpu.dma_semaphore, #tpu.memory_space<semaphore_mem>>) src(%arg9 : memref<64x128xf32, #tpu.memory_space<vmem>>) dst(%dma_wait3A_133 : memref<10240x128xf32, #tpu.memory_space<vmem_shared>>)
        tpu.yield
      }) : () -> ()
    }
    %scan3A_50 = arith.constant 157 : i32
    %barrier3A_51 = arith.constant 0 : index
    tpu.barrier barrier_id(%barrier3A_51)
    %mul3A_52 = arith.constant 640 : i32
    %mul3A_53 = arith.muli %arg1, %mul3A_52 : i32
    %add3A_54 = arith.constant 0 : i32
    %add3A_55 = arith.addi %mul3A_53, %add3A_54 : i32
    "tpu.region"() ({
      %run_scoped3A = tpu.sem_alloc : memref<!tpu.dma_semaphore, #tpu.memory_space<semaphore_mem>>
      %dma_start3A = arith.constant 0 : i32
      %dma_start3A_92 = tpu.memref_slice %arg11[%add3A_55, %dma_start3A] : memref<10240x128xf32, #tpu.memory_space<vmem_shared>> -> memref<64x128xf32, #tpu.memory_space<vmem_shared>>
      %dma_start3A_93 = arith.constant 0 : i32
      %dma_start3A_94 = tpu.memref_slice %arg11[%add3A_55, %dma_start3A_93] : memref<10240x128xf32, #tpu.memory_space<vmem_shared>> -> memref<64x128xf32, #tpu.memory_space<vmem_shared>>
      tpu.enqueue_dma source(%dma_start3A_94 : memref<64x128xf32, #tpu.memory_space<vmem_shared>>) target(%arg9 : memref<64x128xf32, #tpu.memory_space<vmem>>) target_semaphore(%run_scoped3A : memref<!tpu.dma_semaphore, #tpu.memory_space<semaphore_mem>>)
      %dma_wait3A = arith.constant 0 : i32
      %dma_wait3A_95 = tpu.memref_slice %arg11[%add3A_55, %dma_wait3A] : memref<10240x128xf32, #tpu.memory_space<vmem_shared>> -> memref<64x128xf32, #tpu.memory_space<vmem_shared>>
      %dma_wait3A_96 = arith.constant 0 : i32
      %dma_wait3A_97 = tpu.memref_slice %arg11[%add3A_55, %dma_wait3A_96] : memref<10240x128xf32, #tpu.memory_space<vmem_shared>> -> memref<64x128xf32, #tpu.memory_space<vmem_shared>>
      tpu.wait_dma2 semaphore(%run_scoped3A : memref<!tpu.dma_semaphore, #tpu.memory_space<semaphore_mem>>) src(%dma_wait3A_97 : memref<64x128xf32, #tpu.memory_space<vmem_shared>>) dst(%arg9 : memref<64x128xf32, #tpu.memory_space<vmem>>)
      tpu.yield
    }) : () -> ()
    "tpu.region"() ({
      %run_scoped3A = tpu.sem_alloc : memref<!tpu.dma_semaphore, #tpu.memory_space<semaphore_mem>>
      %dma_start3A = arith.constant 0 : i32
      %dma_start3A_92 = tpu.memref_slice %arg6[%arg0, %add3A_55, %dma_start3A] : memref<2x10240x128xf32, #tpu.memory_space<hbm>> -> memref<1x64x128xf32, #tpu.memory_space<hbm>>
      %dma_start3A_93 = tpu.memref_squeeze %dma_start3A_92 : memref<1x64x128xf32, #tpu.memory_space<hbm>> -> memref<64x128xf32, #tpu.memory_space<hbm>>
      %dma_start3A_94 = arith.constant 0 : i32
      %dma_start3A_95 = tpu.memref_slice %arg6[%arg0, %add3A_55, %dma_start3A_94] : memref<2x10240x128xf32, #tpu.memory_space<hbm>> -> memref<1x64x128xf32, #tpu.memory_space<hbm>>
      %dma_start3A_96 = tpu.memref_squeeze %dma_start3A_95 : memref<1x64x128xf32, #tpu.memory_space<hbm>> -> memref<64x128xf32, #tpu.memory_space<hbm>>
      tpu.enqueue_dma source(%arg9 : memref<64x128xf32, #tpu.memory_space<vmem>>) target(%dma_start3A_96 : memref<64x128xf32, #tpu.memory_space<hbm>>) target_semaphore(%run_scoped3A : memref<!tpu.dma_semaphore, #tpu.memory_space<semaphore_mem>>)
      %dma_wait3A = arith.constant 0 : i32
      %dma_wait3A_97 = tpu.memref_slice %arg6[%arg0, %add3A_55, %dma_wait3A] : memref<2x10240x128xf32, #tpu.memory_space<hbm>> -> memref<1x64x128xf32, #tpu.memory_space<hbm>>
      %dma_wait3A_98 = tpu.memref_squeeze %dma_wait3A_97 : memref<1x64x128xf32, #tpu.memory_space<hbm>> -> memref<64x128xf32, #tpu.memory_space<hbm>>
      %dma_wait3A_99 = arith.constant 0 : i32
      %dma_wait3A_100 = tpu.memref_slice %arg6[%arg0, %add3A_55, %dma_wait3A_99] : memref<2x10240x128xf32, #tpu.memory_space<hbm>> -> memref<1x64x128xf32, #tpu.memory_space<hbm>>
      %dma_wait3A_101 = tpu.memref_squeeze %dma_wait3A_100 : memref<1x64x128xf32, #tpu.memory_space<hbm>> -> memref<64x128xf32, #tpu.memory_space<hbm>>
      tpu.wait_dma2 semaphore(%run_scoped3A : memref<!tpu.dma_semaphore, #tpu.memory_space<semaphore_mem>>) src(%arg9 : memref<64x128xf32, #tpu.memory_space<vmem>>) dst(%dma_wait3A_101 : memref<64x128xf32, #tpu.memory_space<hbm>>)
      tpu.yield
    }) : () -> ()
    %mul3A_56 = arith.constant 640 : i32
    %mul3A_57 = arith.muli %arg1, %mul3A_56 : i32
    %add3A_58 = arith.constant 64 : i32
    %add3A_59 = arith.addi %mul3A_57, %add3A_58 : i32
    "tpu.region"() ({
      %run_scoped3A = tpu.sem_alloc : memref<!tpu.dma_semaphore, #tpu.memory_space<semaphore_mem>>
      %dma_start3A = arith.constant 0 : i32
      %dma_start3A_92 = tpu.memref_slice %arg11[%add3A_59, %dma_start3A] : memref<10240x128xf32, #tpu.memory_space<vmem_shared>> -> memref<64x128xf32, #tpu.memory_space<vmem_shared>>
      %dma_start3A_93 = arith.constant 0 : i32
      %dma_start3A_94 = tpu.memref_slice %arg11[%add3A_59, %dma_start3A_93] : memref<10240x128xf32, #tpu.memory_space<vmem_shared>> -> memref<64x128xf32, #tpu.memory_space<vmem_shared>>
      tpu.enqueue_dma source(%dma_start3A_94 : memref<64x128xf32, #tpu.memory_space<vmem_shared>>) target(%arg9 : memref<64x128xf32, #tpu.memory_space<vmem>>) target_semaphore(%run_scoped3A : memref<!tpu.dma_semaphore, #tpu.memory_space<semaphore_mem>>)
      %dma_wait3A = arith.constant 0 : i32
      %dma_wait3A_95 = tpu.memref_slice %arg11[%add3A_59, %dma_wait3A] : memref<10240x128xf32, #tpu.memory_space<vmem_shared>> -> memref<64x128xf32, #tpu.memory_space<vmem_shared>>
      %dma_wait3A_96 = arith.constant 0 : i32
      %dma_wait3A_97 = tpu.memref_slice %arg11[%add3A_59, %dma_wait3A_96] : memref<10240x128xf32, #tpu.memory_space<vmem_shared>> -> memref<64x128xf32, #tpu.memory_space<vmem_shared>>
      tpu.wait_dma2 semaphore(%run_scoped3A : memref<!tpu.dma_semaphore, #tpu.memory_space<semaphore_mem>>) src(%dma_wait3A_97 : memref<64x128xf32, #tpu.memory_space<vmem_shared>>) dst(%arg9 : memref<64x128xf32, #tpu.memory_space<vmem>>)
      tpu.yield
    }) : () -> ()
    "tpu.region"() ({
      %run_scoped3A = tpu.sem_alloc : memref<!tpu.dma_semaphore, #tpu.memory_space<semaphore_mem>>
      %dma_start3A = arith.constant 0 : i32
      %dma_start3A_92 = tpu.memref_slice %arg6[%arg0, %add3A_59, %dma_start3A] : memref<2x10240x128xf32, #tpu.memory_space<hbm>> -> memref<1x64x128xf32, #tpu.memory_space<hbm>>
      %dma_start3A_93 = tpu.memref_squeeze %dma_start3A_92 : memref<1x64x128xf32, #tpu.memory_space<hbm>> -> memref<64x128xf32, #tpu.memory_space<hbm>>
      %dma_start3A_94 = arith.constant 0 : i32
      %dma_start3A_95 = tpu.memref_slice %arg6[%arg0, %add3A_59, %dma_start3A_94] : memref<2x10240x128xf32, #tpu.memory_space<hbm>> -> memref<1x64x128xf32, #tpu.memory_space<hbm>>
      %dma_start3A_96 = tpu.memref_squeeze %dma_start3A_95 : memref<1x64x128xf32, #tpu.memory_space<hbm>> -> memref<64x128xf32, #tpu.memory_space<hbm>>
      tpu.enqueue_dma source(%arg9 : memref<64x128xf32, #tpu.memory_space<vmem>>) target(%dma_start3A_96 : memref<64x128xf32, #tpu.memory_space<hbm>>) target_semaphore(%run_scoped3A : memref<!tpu.dma_semaphore, #tpu.memory_space<semaphore_mem>>)
      %dma_wait3A = arith.constant 0 : i32
      %dma_wait3A_97 = tpu.memref_slice %arg6[%arg0, %add3A_59, %dma_wait3A] : memref<2x10240x128xf32, #tpu.memory_space<hbm>> -> memref<1x64x128xf32, #tpu.memory_space<hbm>>
      %dma_wait3A_98 = tpu.memref_squeeze %dma_wait3A_97 : memref<1x64x128xf32, #tpu.memory_space<hbm>> -> memref<64x128xf32, #tpu.memory_space<hbm>>
      %dma_wait3A_99 = arith.constant 0 : i32
      %dma_wait3A_100 = tpu.memref_slice %arg6[%arg0, %add3A_59, %dma_wait3A_99] : memref<2x10240x128xf32, #tpu.memory_space<hbm>> -> memref<1x64x128xf32, #tpu.memory_space<hbm>>
      %dma_wait3A_101 = tpu.memref_squeeze %dma_wait3A_100 : memref<1x64x128xf32, #tpu.memory_space<hbm>> -> memref<64x128xf32, #tpu.memory_space<hbm>>
      tpu.wait_dma2 semaphore(%run_scoped3A : memref<!tpu.dma_semaphore, #tpu.memory_space<semaphore_mem>>) src(%arg9 : memref<64x128xf32, #tpu.memory_space<vmem>>) dst(%dma_wait3A_101 : memref<64x128xf32, #tpu.memory_space<hbm>>)
      tpu.yield
    }) : () -> ()
    %mul3A_60 = arith.constant 640 : i32
    %mul3A_61 = arith.muli %arg1, %mul3A_60 : i32
    %add3A_62 = arith.constant 128 : i32
    %add3A_63 = arith.addi %mul3A_61, %add3A_62 : i32
    "tpu.region"() ({
      %run_scoped3A = tpu.sem_alloc : memref<!tpu.dma_semaphore, #tpu.memory_space<semaphore_mem>>
      %dma_start3A = arith.constant 0 : i32
      %dma_start3A_92 = tpu.memref_slice %arg11[%add3A_63, %dma_start3A] : memref<10240x128xf32, #tpu.memory_space<vmem_shared>> -> memref<64x128xf32, #tpu.memory_space<vmem_shared>>
      %dma_start3A_93 = arith.constant 0 : i32
      %dma_start3A_94 = tpu.memref_slice %arg11[%add3A_63, %dma_start3A_93] : memref<10240x128xf32, #tpu.memory_space<vmem_shared>> -> memref<64x128xf32, #tpu.memory_space<vmem_shared>>
      tpu.enqueue_dma source(%dma_start3A_94 : memref<64x128xf32, #tpu.memory_space<vmem_shared>>) target(%arg9 : memref<64x128xf32, #tpu.memory_space<vmem>>) target_semaphore(%run_scoped3A : memref<!tpu.dma_semaphore, #tpu.memory_space<semaphore_mem>>)
      %dma_wait3A = arith.constant 0 : i32
      %dma_wait3A_95 = tpu.memref_slice %arg11[%add3A_63, %dma_wait3A] : memref<10240x128xf32, #tpu.memory_space<vmem_shared>> -> memref<64x128xf32, #tpu.memory_space<vmem_shared>>
      %dma_wait3A_96 = arith.constant 0 : i32
      %dma_wait3A_97 = tpu.memref_slice %arg11[%add3A_63, %dma_wait3A_96] : memref<10240x128xf32, #tpu.memory_space<vmem_shared>> -> memref<64x128xf32, #tpu.memory_space<vmem_shared>>
      tpu.wait_dma2 semaphore(%run_scoped3A : memref<!tpu.dma_semaphore, #tpu.memory_space<semaphore_mem>>) src(%dma_wait3A_97 : memref<64x128xf32, #tpu.memory_space<vmem_shared>>) dst(%arg9 : memref<64x128xf32, #tpu.memory_space<vmem>>)
      tpu.yield
    }) : () -> ()
    "tpu.region"() ({
      %run_scoped3A = tpu.sem_alloc : memref<!tpu.dma_semaphore, #tpu.memory_space<semaphore_mem>>
      %dma_start3A = arith.constant 0 : i32
      %dma_start3A_92 = tpu.memref_slice %arg6[%arg0, %add3A_63, %dma_start3A] : memref<2x10240x128xf32, #tpu.memory_space<hbm>> -> memref<1x64x128xf32, #tpu.memory_space<hbm>>
      %dma_start3A_93 = tpu.memref_squeeze %dma_start3A_92 : memref<1x64x128xf32, #tpu.memory_space<hbm>> -> memref<64x128xf32, #tpu.memory_space<hbm>>
      %dma_start3A_94 = arith.constant 0 : i32
      %dma_start3A_95 = tpu.memref_slice %arg6[%arg0, %add3A_63, %dma_start3A_94] : memref<2x10240x128xf32, #tpu.memory_space<hbm>> -> memref<1x64x128xf32, #tpu.memory_space<hbm>>
      %dma_start3A_96 = tpu.memref_squeeze %dma_start3A_95 : memref<1x64x128xf32, #tpu.memory_space<hbm>> -> memref<64x128xf32, #tpu.memory_space<hbm>>
      tpu.enqueue_dma source(%arg9 : memref<64x128xf32, #tpu.memory_space<vmem>>) target(%dma_start3A_96 : memref<64x128xf32, #tpu.memory_space<hbm>>) target_semaphore(%run_scoped3A : memref<!tpu.dma_semaphore, #tpu.memory_space<semaphore_mem>>)
      %dma_wait3A = arith.constant 0 : i32
      %dma_wait3A_97 = tpu.memref_slice %arg6[%arg0, %add3A_63, %dma_wait3A] : memref<2x10240x128xf32, #tpu.memory_space<hbm>> -> memref<1x64x128xf32, #tpu.memory_space<hbm>>
      %dma_wait3A_98 = tpu.memref_squeeze %dma_wait3A_97 : memref<1x64x128xf32, #tpu.memory_space<hbm>> -> memref<64x128xf32, #tpu.memory_space<hbm>>
      %dma_wait3A_99 = arith.constant 0 : i32
      %dma_wait3A_100 = tpu.memref_slice %arg6[%arg0, %add3A_63, %dma_wait3A_99] : memref<2x10240x128xf32, #tpu.memory_space<hbm>> -> memref<1x64x128xf32, #tpu.memory_space<hbm>>
      %dma_wait3A_101 = tpu.memref_squeeze %dma_wait3A_100 : memref<1x64x128xf32, #tpu.memory_space<hbm>> -> memref<64x128xf32, #tpu.memory_space<hbm>>
      tpu.wait_dma2 semaphore(%run_scoped3A : memref<!tpu.dma_semaphore, #tpu.memory_space<semaphore_mem>>) src(%arg9 : memref<64x128xf32, #tpu.memory_space<vmem>>) dst(%dma_wait3A_101 : memref<64x128xf32, #tpu.memory_space<hbm>>)
      tpu.yield
    }) : () -> ()
    %mul3A_64 = arith.constant 640 : i32
    %mul3A_65 = arith.muli %arg1, %mul3A_64 : i32
    %add3A_66 = arith.constant 192 : i32
    %add3A_67 = arith.addi %mul3A_65, %add3A_66 : i32
    "tpu.region"() ({
      %run_scoped3A = tpu.sem_alloc : memref<!tpu.dma_semaphore, #tpu.memory_space<semaphore_mem>>
      %dma_start3A = arith.constant 0 : i32
      %dma_start3A_92 = tpu.memref_slice %arg11[%add3A_67, %dma_start3A] : memref<10240x128xf32, #tpu.memory_space<vmem_shared>> -> memref<64x128xf32, #tpu.memory_space<vmem_shared>>
      %dma_start3A_93 = arith.constant 0 : i32
      %dma_start3A_94 = tpu.memref_slice %arg11[%add3A_67, %dma_start3A_93] : memref<10240x128xf32, #tpu.memory_space<vmem_shared>> -> memref<64x128xf32, #tpu.memory_space<vmem_shared>>
      tpu.enqueue_dma source(%dma_start3A_94 : memref<64x128xf32, #tpu.memory_space<vmem_shared>>) target(%arg9 : memref<64x128xf32, #tpu.memory_space<vmem>>) target_semaphore(%run_scoped3A : memref<!tpu.dma_semaphore, #tpu.memory_space<semaphore_mem>>)
      %dma_wait3A = arith.constant 0 : i32
      %dma_wait3A_95 = tpu.memref_slice %arg11[%add3A_67, %dma_wait3A] : memref<10240x128xf32, #tpu.memory_space<vmem_shared>> -> memref<64x128xf32, #tpu.memory_space<vmem_shared>>
      %dma_wait3A_96 = arith.constant 0 : i32
      %dma_wait3A_97 = tpu.memref_slice %arg11[%add3A_67, %dma_wait3A_96] : memref<10240x128xf32, #tpu.memory_space<vmem_shared>> -> memref<64x128xf32, #tpu.memory_space<vmem_shared>>
      tpu.wait_dma2 semaphore(%run_scoped3A : memref<!tpu.dma_semaphore, #tpu.memory_space<semaphore_mem>>) src(%dma_wait3A_97 : memref<64x128xf32, #tpu.memory_space<vmem_shared>>) dst(%arg9 : memref<64x128xf32, #tpu.memory_space<vmem>>)
      tpu.yield
    }) : () -> ()
    "tpu.region"() ({
      %run_scoped3A = tpu.sem_alloc : memref<!tpu.dma_semaphore, #tpu.memory_space<semaphore_mem>>
      %dma_start3A = arith.constant 0 : i32
      %dma_start3A_92 = tpu.memref_slice %arg6[%arg0, %add3A_67, %dma_start3A] : memref<2x10240x128xf32, #tpu.memory_space<hbm>> -> memref<1x64x128xf32, #tpu.memory_space<hbm>>
      %dma_start3A_93 = tpu.memref_squeeze %dma_start3A_92 : memref<1x64x128xf32, #tpu.memory_space<hbm>> -> memref<64x128xf32, #tpu.memory_space<hbm>>
      %dma_start3A_94 = arith.constant 0 : i32
      %dma_start3A_95 = tpu.memref_slice %arg6[%arg0, %add3A_67, %dma_start3A_94] : memref<2x10240x128xf32, #tpu.memory_space<hbm>> -> memref<1x64x128xf32, #tpu.memory_space<hbm>>
      %dma_start3A_96 = tpu.memref_squeeze %dma_start3A_95 : memref<1x64x128xf32, #tpu.memory_space<hbm>> -> memref<64x128xf32, #tpu.memory_space<hbm>>
      tpu.enqueue_dma source(%arg9 : memref<64x128xf32, #tpu.memory_space<vmem>>) target(%dma_start3A_96 : memref<64x128xf32, #tpu.memory_space<hbm>>) target_semaphore(%run_scoped3A : memref<!tpu.dma_semaphore, #tpu.memory_space<semaphore_mem>>)
      %dma_wait3A = arith.constant 0 : i32
      %dma_wait3A_97 = tpu.memref_slice %arg6[%arg0, %add3A_67, %dma_wait3A] : memref<2x10240x128xf32, #tpu.memory_space<hbm>> -> memref<1x64x128xf32, #tpu.memory_space<hbm>>
      %dma_wait3A_98 = tpu.memref_squeeze %dma_wait3A_97 : memref<1x64x128xf32, #tpu.memory_space<hbm>> -> memref<64x128xf32, #tpu.memory_space<hbm>>
      %dma_wait3A_99 = arith.constant 0 : i32
      %dma_wait3A_100 = tpu.memref_slice %arg6[%arg0, %add3A_67, %dma_wait3A_99] : memref<2x10240x128xf32, #tpu.memory_space<hbm>> -> memref<1x64x128xf32, #tpu.memory_space<hbm>>
      %dma_wait3A_101 = tpu.memref_squeeze %dma_wait3A_100 : memref<1x64x128xf32, #tpu.memory_space<hbm>> -> memref<64x128xf32, #tpu.memory_space<hbm>>
      tpu.wait_dma2 semaphore(%run_scoped3A : memref<!tpu.dma_semaphore, #tpu.memory_space<semaphore_mem>>) src(%arg9 : memref<64x128xf32, #tpu.memory_space<vmem>>) dst(%dma_wait3A_101 : memref<64x128xf32, #tpu.memory_space<hbm>>)
      tpu.yield
    }) : () -> ()
    %mul3A_68 = arith.constant 640 : i32
    %mul3A_69 = arith.muli %arg1, %mul3A_68 : i32
    %add3A_70 = arith.constant 256 : i32
    %add3A_71 = arith.addi %mul3A_69, %add3A_70 : i32
    "tpu.region"() ({
      %run_scoped3A = tpu.sem_alloc : memref<!tpu.dma_semaphore, #tpu.memory_space<semaphore_mem>>
      %dma_start3A = arith.constant 0 : i32
      %dma_start3A_92 = tpu.memref_slice %arg11[%add3A_71, %dma_start3A] : memref<10240x128xf32, #tpu.memory_space<vmem_shared>> -> memref<64x128xf32, #tpu.memory_space<vmem_shared>>
      %dma_start3A_93 = arith.constant 0 : i32
      %dma_start3A_94 = tpu.memref_slice %arg11[%add3A_71, %dma_start3A_93] : memref<10240x128xf32, #tpu.memory_space<vmem_shared>> -> memref<64x128xf32, #tpu.memory_space<vmem_shared>>
      tpu.enqueue_dma source(%dma_start3A_94 : memref<64x128xf32, #tpu.memory_space<vmem_shared>>) target(%arg9 : memref<64x128xf32, #tpu.memory_space<vmem>>) target_semaphore(%run_scoped3A : memref<!tpu.dma_semaphore, #tpu.memory_space<semaphore_mem>>)
      %dma_wait3A = arith.constant 0 : i32
      %dma_wait3A_95 = tpu.memref_slice %arg11[%add3A_71, %dma_wait3A] : memref<10240x128xf32, #tpu.memory_space<vmem_shared>> -> memref<64x128xf32, #tpu.memory_space<vmem_shared>>
      %dma_wait3A_96 = arith.constant 0 : i32
      %dma_wait3A_97 = tpu.memref_slice %arg11[%add3A_71, %dma_wait3A_96] : memref<10240x128xf32, #tpu.memory_space<vmem_shared>> -> memref<64x128xf32, #tpu.memory_space<vmem_shared>>
      tpu.wait_dma2 semaphore(%run_scoped3A : memref<!tpu.dma_semaphore, #tpu.memory_space<semaphore_mem>>) src(%dma_wait3A_97 : memref<64x128xf32, #tpu.memory_space<vmem_shared>>) dst(%arg9 : memref<64x128xf32, #tpu.memory_space<vmem>>)
      tpu.yield
    }) : () -> ()
    "tpu.region"() ({
      %run_scoped3A = tpu.sem_alloc : memref<!tpu.dma_semaphore, #tpu.memory_space<semaphore_mem>>
      %dma_start3A = arith.constant 0 : i32
      %dma_start3A_92 = tpu.memref_slice %arg6[%arg0, %add3A_71, %dma_start3A] : memref<2x10240x128xf32, #tpu.memory_space<hbm>> -> memref<1x64x128xf32, #tpu.memory_space<hbm>>
      %dma_start3A_93 = tpu.memref_squeeze %dma_start3A_92 : memref<1x64x128xf32, #tpu.memory_space<hbm>> -> memref<64x128xf32, #tpu.memory_space<hbm>>
      %dma_start3A_94 = arith.constant 0 : i32
      %dma_start3A_95 = tpu.memref_slice %arg6[%arg0, %add3A_71, %dma_start3A_94] : memref<2x10240x128xf32, #tpu.memory_space<hbm>> -> memref<1x64x128xf32, #tpu.memory_space<hbm>>
      %dma_start3A_96 = tpu.memref_squeeze %dma_start3A_95 : memref<1x64x128xf32, #tpu.memory_space<hbm>> -> memref<64x128xf32, #tpu.memory_space<hbm>>
      tpu.enqueue_dma source(%arg9 : memref<64x128xf32, #tpu.memory_space<vmem>>) target(%dma_start3A_96 : memref<64x128xf32, #tpu.memory_space<hbm>>) target_semaphore(%run_scoped3A : memref<!tpu.dma_semaphore, #tpu.memory_space<semaphore_mem>>)
      %dma_wait3A = arith.constant 0 : i32
      %dma_wait3A_97 = tpu.memref_slice %arg6[%arg0, %add3A_71, %dma_wait3A] : memref<2x10240x128xf32, #tpu.memory_space<hbm>> -> memref<1x64x128xf32, #tpu.memory_space<hbm>>
      %dma_wait3A_98 = tpu.memref_squeeze %dma_wait3A_97 : memref<1x64x128xf32, #tpu.memory_space<hbm>> -> memref<64x128xf32, #tpu.memory_space<hbm>>
      %dma_wait3A_99 = arith.constant 0 : i32
      %dma_wait3A_100 = tpu.memref_slice %arg6[%arg0, %add3A_71, %dma_wait3A_99] : memref<2x10240x128xf32, #tpu.memory_space<hbm>> -> memref<1x64x128xf32, #tpu.memory_space<hbm>>
      %dma_wait3A_101 = tpu.memref_squeeze %dma_wait3A_100 : memref<1x64x128xf32, #tpu.memory_space<hbm>> -> memref<64x128xf32, #tpu.memory_space<hbm>>
      tpu.wait_dma2 semaphore(%run_scoped3A : memref<!tpu.dma_semaphore, #tpu.memory_space<semaphore_mem>>) src(%arg9 : memref<64x128xf32, #tpu.memory_space<vmem>>) dst(%dma_wait3A_101 : memref<64x128xf32, #tpu.memory_space<hbm>>)
      tpu.yield
    }) : () -> ()
    %mul3A_72 = arith.constant 640 : i32
    %mul3A_73 = arith.muli %arg1, %mul3A_72 : i32
    %add3A_74 = arith.constant 320 : i32
    %add3A_75 = arith.addi %mul3A_73, %add3A_74 : i32
    "tpu.region"() ({
      %run_scoped3A = tpu.sem_alloc : memref<!tpu.dma_semaphore, #tpu.memory_space<semaphore_mem>>
      %dma_start3A = arith.constant 0 : i32
      %dma_start3A_92 = tpu.memref_slice %arg11[%add3A_75, %dma_start3A] : memref<10240x128xf32, #tpu.memory_space<vmem_shared>> -> memref<64x128xf32, #tpu.memory_space<vmem_shared>>
      %dma_start3A_93 = arith.constant 0 : i32
      %dma_start3A_94 = tpu.memref_slice %arg11[%add3A_75, %dma_start3A_93] : memref<10240x128xf32, #tpu.memory_space<vmem_shared>> -> memref<64x128xf32, #tpu.memory_space<vmem_shared>>
      tpu.enqueue_dma source(%dma_start3A_94 : memref<64x128xf32, #tpu.memory_space<vmem_shared>>) target(%arg9 : memref<64x128xf32, #tpu.memory_space<vmem>>) target_semaphore(%run_scoped3A : memref<!tpu.dma_semaphore, #tpu.memory_space<semaphore_mem>>)
      %dma_wait3A = arith.constant 0 : i32
      %dma_wait3A_95 = tpu.memref_slice %arg11[%add3A_75, %dma_wait3A] : memref<10240x128xf32, #tpu.memory_space<vmem_shared>> -> memref<64x128xf32, #tpu.memory_space<vmem_shared>>
      %dma_wait3A_96 = arith.constant 0 : i32
      %dma_wait3A_97 = tpu.memref_slice %arg11[%add3A_75, %dma_wait3A_96] : memref<10240x128xf32, #tpu.memory_space<vmem_shared>> -> memref<64x128xf32, #tpu.memory_space<vmem_shared>>
      tpu.wait_dma2 semaphore(%run_scoped3A : memref<!tpu.dma_semaphore, #tpu.memory_space<semaphore_mem>>) src(%dma_wait3A_97 : memref<64x128xf32, #tpu.memory_space<vmem_shared>>) dst(%arg9 : memref<64x128xf32, #tpu.memory_space<vmem>>)
      tpu.yield
    }) : () -> ()
    "tpu.region"() ({
      %run_scoped3A = tpu.sem_alloc : memref<!tpu.dma_semaphore, #tpu.memory_space<semaphore_mem>>
      %dma_start3A = arith.constant 0 : i32
      %dma_start3A_92 = tpu.memref_slice %arg6[%arg0, %add3A_75, %dma_start3A] : memref<2x10240x128xf32, #tpu.memory_space<hbm>> -> memref<1x64x128xf32, #tpu.memory_space<hbm>>
      %dma_start3A_93 = tpu.memref_squeeze %dma_start3A_92 : memref<1x64x128xf32, #tpu.memory_space<hbm>> -> memref<64x128xf32, #tpu.memory_space<hbm>>
      %dma_start3A_94 = arith.constant 0 : i32
      %dma_start3A_95 = tpu.memref_slice %arg6[%arg0, %add3A_75, %dma_start3A_94] : memref<2x10240x128xf32, #tpu.memory_space<hbm>> -> memref<1x64x128xf32, #tpu.memory_space<hbm>>
      %dma_start3A_96 = tpu.memref_squeeze %dma_start3A_95 : memref<1x64x128xf32, #tpu.memory_space<hbm>> -> memref<64x128xf32, #tpu.memory_space<hbm>>
      tpu.enqueue_dma source(%arg9 : memref<64x128xf32, #tpu.memory_space<vmem>>) target(%dma_start3A_96 : memref<64x128xf32, #tpu.memory_space<hbm>>) target_semaphore(%run_scoped3A : memref<!tpu.dma_semaphore, #tpu.memory_space<semaphore_mem>>)
      %dma_wait3A = arith.constant 0 : i32
      %dma_wait3A_97 = tpu.memref_slice %arg6[%arg0, %add3A_75, %dma_wait3A] : memref<2x10240x128xf32, #tpu.memory_space<hbm>> -> memref<1x64x128xf32, #tpu.memory_space<hbm>>
      %dma_wait3A_98 = tpu.memref_squeeze %dma_wait3A_97 : memref<1x64x128xf32, #tpu.memory_space<hbm>> -> memref<64x128xf32, #tpu.memory_space<hbm>>
      %dma_wait3A_99 = arith.constant 0 : i32
      %dma_wait3A_100 = tpu.memref_slice %arg6[%arg0, %add3A_75, %dma_wait3A_99] : memref<2x10240x128xf32, #tpu.memory_space<hbm>> -> memref<1x64x128xf32, #tpu.memory_space<hbm>>
      %dma_wait3A_101 = tpu.memref_squeeze %dma_wait3A_100 : memref<1x64x128xf32, #tpu.memory_space<hbm>> -> memref<64x128xf32, #tpu.memory_space<hbm>>
      tpu.wait_dma2 semaphore(%run_scoped3A : memref<!tpu.dma_semaphore, #tpu.memory_space<semaphore_mem>>) src(%arg9 : memref<64x128xf32, #tpu.memory_space<vmem>>) dst(%dma_wait3A_101 : memref<64x128xf32, #tpu.memory_space<hbm>>)
      tpu.yield
    }) : () -> ()
    %mul3A_76 = arith.constant 640 : i32
    %mul3A_77 = arith.muli %arg1, %mul3A_76 : i32
    %add3A_78 = arith.constant 384 : i32
    %add3A_79 = arith.addi %mul3A_77, %add3A_78 : i32
    "tpu.region"() ({
      %run_scoped3A = tpu.sem_alloc : memref<!tpu.dma_semaphore, #tpu.memory_space<semaphore_mem>>
      %dma_start3A = arith.constant 0 : i32
      %dma_start3A_92 = tpu.memref_slice %arg11[%add3A_79, %dma_start3A] : memref<10240x128xf32, #tpu.memory_space<vmem_shared>> -> memref<64x128xf32, #tpu.memory_space<vmem_shared>>
      %dma_start3A_93 = arith.constant 0 : i32
      %dma_start3A_94 = tpu.memref_slice %arg11[%add3A_79, %dma_start3A_93] : memref<10240x128xf32, #tpu.memory_space<vmem_shared>> -> memref<64x128xf32, #tpu.memory_space<vmem_shared>>
      tpu.enqueue_dma source(%dma_start3A_94 : memref<64x128xf32, #tpu.memory_space<vmem_shared>>) target(%arg9 : memref<64x128xf32, #tpu.memory_space<vmem>>) target_semaphore(%run_scoped3A : memref<!tpu.dma_semaphore, #tpu.memory_space<semaphore_mem>>)
      %dma_wait3A = arith.constant 0 : i32
      %dma_wait3A_95 = tpu.memref_slice %arg11[%add3A_79, %dma_wait3A] : memref<10240x128xf32, #tpu.memory_space<vmem_shared>> -> memref<64x128xf32, #tpu.memory_space<vmem_shared>>
      %dma_wait3A_96 = arith.constant 0 : i32
      %dma_wait3A_97 = tpu.memref_slice %arg11[%add3A_79, %dma_wait3A_96] : memref<10240x128xf32, #tpu.memory_space<vmem_shared>> -> memref<64x128xf32, #tpu.memory_space<vmem_shared>>
      tpu.wait_dma2 semaphore(%run_scoped3A : memref<!tpu.dma_semaphore, #tpu.memory_space<semaphore_mem>>) src(%dma_wait3A_97 : memref<64x128xf32, #tpu.memory_space<vmem_shared>>) dst(%arg9 : memref<64x128xf32, #tpu.memory_space<vmem>>)
      tpu.yield
    }) : () -> ()
    "tpu.region"() ({
      %run_scoped3A = tpu.sem_alloc : memref<!tpu.dma_semaphore, #tpu.memory_space<semaphore_mem>>
      %dma_start3A = arith.constant 0 : i32
      %dma_start3A_92 = tpu.memref_slice %arg6[%arg0, %add3A_79, %dma_start3A] : memref<2x10240x128xf32, #tpu.memory_space<hbm>> -> memref<1x64x128xf32, #tpu.memory_space<hbm>>
      %dma_start3A_93 = tpu.memref_squeeze %dma_start3A_92 : memref<1x64x128xf32, #tpu.memory_space<hbm>> -> memref<64x128xf32, #tpu.memory_space<hbm>>
      %dma_start3A_94 = arith.constant 0 : i32
      %dma_start3A_95 = tpu.memref_slice %arg6[%arg0, %add3A_79, %dma_start3A_94] : memref<2x10240x128xf32, #tpu.memory_space<hbm>> -> memref<1x64x128xf32, #tpu.memory_space<hbm>>
      %dma_start3A_96 = tpu.memref_squeeze %dma_start3A_95 : memref<1x64x128xf32, #tpu.memory_space<hbm>> -> memref<64x128xf32, #tpu.memory_space<hbm>>
      tpu.enqueue_dma source(%arg9 : memref<64x128xf32, #tpu.memory_space<vmem>>) target(%dma_start3A_96 : memref<64x128xf32, #tpu.memory_space<hbm>>) target_semaphore(%run_scoped3A : memref<!tpu.dma_semaphore, #tpu.memory_space<semaphore_mem>>)
      %dma_wait3A = arith.constant 0 : i32
      %dma_wait3A_97 = tpu.memref_slice %arg6[%arg0, %add3A_79, %dma_wait3A] : memref<2x10240x128xf32, #tpu.memory_space<hbm>> -> memref<1x64x128xf32, #tpu.memory_space<hbm>>
      %dma_wait3A_98 = tpu.memref_squeeze %dma_wait3A_97 : memref<1x64x128xf32, #tpu.memory_space<hbm>> -> memref<64x128xf32, #tpu.memory_space<hbm>>
      %dma_wait3A_99 = arith.constant 0 : i32
      %dma_wait3A_100 = tpu.memref_slice %arg6[%arg0, %add3A_79, %dma_wait3A_99] : memref<2x10240x128xf32, #tpu.memory_space<hbm>> -> memref<1x64x128xf32, #tpu.memory_space<hbm>>
      %dma_wait3A_101 = tpu.memref_squeeze %dma_wait3A_100 : memref<1x64x128xf32, #tpu.memory_space<hbm>> -> memref<64x128xf32, #tpu.memory_space<hbm>>
      tpu.wait_dma2 semaphore(%run_scoped3A : memref<!tpu.dma_semaphore, #tpu.memory_space<semaphore_mem>>) src(%arg9 : memref<64x128xf32, #tpu.memory_space<vmem>>) dst(%dma_wait3A_101 : memref<64x128xf32, #tpu.memory_space<hbm>>)
      tpu.yield
    }) : () -> ()
    %mul3A_80 = arith.constant 640 : i32
    %mul3A_81 = arith.muli %arg1, %mul3A_80 : i32
    %add3A_82 = arith.constant 448 : i32
    %add3A_83 = arith.addi %mul3A_81, %add3A_82 : i32
    "tpu.region"() ({
      %run_scoped3A = tpu.sem_alloc : memref<!tpu.dma_semaphore, #tpu.memory_space<semaphore_mem>>
      %dma_start3A = arith.constant 0 : i32
      %dma_start3A_92 = tpu.memref_slice %arg11[%add3A_83, %dma_start3A] : memref<10240x128xf32, #tpu.memory_space<vmem_shared>> -> memref<64x128xf32, #tpu.memory_space<vmem_shared>>
      %dma_start3A_93 = arith.constant 0 : i32
      %dma_start3A_94 = tpu.memref_slice %arg11[%add3A_83, %dma_start3A_93] : memref<10240x128xf32, #tpu.memory_space<vmem_shared>> -> memref<64x128xf32, #tpu.memory_space<vmem_shared>>
      tpu.enqueue_dma source(%dma_start3A_94 : memref<64x128xf32, #tpu.memory_space<vmem_shared>>) target(%arg9 : memref<64x128xf32, #tpu.memory_space<vmem>>) target_semaphore(%run_scoped3A : memref<!tpu.dma_semaphore, #tpu.memory_space<semaphore_mem>>)
      %dma_wait3A = arith.constant 0 : i32
      %dma_wait3A_95 = tpu.memref_slice %arg11[%add3A_83, %dma_wait3A] : memref<10240x128xf32, #tpu.memory_space<vmem_shared>> -> memref<64x128xf32, #tpu.memory_space<vmem_shared>>
      %dma_wait3A_96 = arith.constant 0 : i32
      %dma_wait3A_97 = tpu.memref_slice %arg11[%add3A_83, %dma_wait3A_96] : memref<10240x128xf32, #tpu.memory_space<vmem_shared>> -> memref<64x128xf32, #tpu.memory_space<vmem_shared>>
      tpu.wait_dma2 semaphore(%run_scoped3A : memref<!tpu.dma_semaphore, #tpu.memory_space<semaphore_mem>>) src(%dma_wait3A_97 : memref<64x128xf32, #tpu.memory_space<vmem_shared>>) dst(%arg9 : memref<64x128xf32, #tpu.memory_space<vmem>>)
      tpu.yield
    }) : () -> ()
    "tpu.region"() ({
      %run_scoped3A = tpu.sem_alloc : memref<!tpu.dma_semaphore, #tpu.memory_space<semaphore_mem>>
      %dma_start3A = arith.constant 0 : i32
      %dma_start3A_92 = tpu.memref_slice %arg6[%arg0, %add3A_83, %dma_start3A] : memref<2x10240x128xf32, #tpu.memory_space<hbm>> -> memref<1x64x128xf32, #tpu.memory_space<hbm>>
      %dma_start3A_93 = tpu.memref_squeeze %dma_start3A_92 : memref<1x64x128xf32, #tpu.memory_space<hbm>> -> memref<64x128xf32, #tpu.memory_space<hbm>>
      %dma_start3A_94 = arith.constant 0 : i32
      %dma_start3A_95 = tpu.memref_slice %arg6[%arg0, %add3A_83, %dma_start3A_94] : memref<2x10240x128xf32, #tpu.memory_space<hbm>> -> memref<1x64x128xf32, #tpu.memory_space<hbm>>
      %dma_start3A_96 = tpu.memref_squeeze %dma_start3A_95 : memref<1x64x128xf32, #tpu.memory_space<hbm>> -> memref<64x128xf32, #tpu.memory_space<hbm>>
      tpu.enqueue_dma source(%arg9 : memref<64x128xf32, #tpu.memory_space<vmem>>) target(%dma_start3A_96 : memref<64x128xf32, #tpu.memory_space<hbm>>) target_semaphore(%run_scoped3A : memref<!tpu.dma_semaphore, #tpu.memory_space<semaphore_mem>>)
      %dma_wait3A = arith.constant 0 : i32
      %dma_wait3A_97 = tpu.memref_slice %arg6[%arg0, %add3A_83, %dma_wait3A] : memref<2x10240x128xf32, #tpu.memory_space<hbm>> -> memref<1x64x128xf32, #tpu.memory_space<hbm>>
      %dma_wait3A_98 = tpu.memref_squeeze %dma_wait3A_97 : memref<1x64x128xf32, #tpu.memory_space<hbm>> -> memref<64x128xf32, #tpu.memory_space<hbm>>
      %dma_wait3A_99 = arith.constant 0 : i32
      %dma_wait3A_100 = tpu.memref_slice %arg6[%arg0, %add3A_83, %dma_wait3A_99] : memref<2x10240x128xf32, #tpu.memory_space<hbm>> -> memref<1x64x128xf32, #tpu.memory_space<hbm>>
      %dma_wait3A_101 = tpu.memref_squeeze %dma_wait3A_100 : memref<1x64x128xf32, #tpu.memory_space<hbm>> -> memref<64x128xf32, #tpu.memory_space<hbm>>
      tpu.wait_dma2 semaphore(%run_scoped3A : memref<!tpu.dma_semaphore, #tpu.memory_space<semaphore_mem>>) src(%arg9 : memref<64x128xf32, #tpu.memory_space<vmem>>) dst(%dma_wait3A_101 : memref<64x128xf32, #tpu.memory_space<hbm>>)
      tpu.yield
    }) : () -> ()
    %mul3A_84 = arith.constant 640 : i32
    %mul3A_85 = arith.muli %arg1, %mul3A_84 : i32
    %add3A_86 = arith.constant 512 : i32
    %add3A_87 = arith.addi %mul3A_85, %add3A_86 : i32
    "tpu.region"() ({
      %run_scoped3A = tpu.sem_alloc : memref<!tpu.dma_semaphore, #tpu.memory_space<semaphore_mem>>
      %dma_start3A = arith.constant 0 : i32
      %dma_start3A_92 = tpu.memref_slice %arg11[%add3A_87, %dma_start3A] : memref<10240x128xf32, #tpu.memory_space<vmem_shared>> -> memref<64x128xf32, #tpu.memory_space<vmem_shared>>
      %dma_start3A_93 = arith.constant 0 : i32
      %dma_start3A_94 = tpu.memref_slice %arg11[%add3A_87, %dma_start3A_93] : memref<10240x128xf32, #tpu.memory_space<vmem_shared>> -> memref<64x128xf32, #tpu.memory_space<vmem_shared>>
      tpu.enqueue_dma source(%dma_start3A_94 : memref<64x128xf32, #tpu.memory_space<vmem_shared>>) target(%arg9 : memref<64x128xf32, #tpu.memory_space<vmem>>) target_semaphore(%run_scoped3A : memref<!tpu.dma_semaphore, #tpu.memory_space<semaphore_mem>>)
      %dma_wait3A = arith.constant 0 : i32
      %dma_wait3A_95 = tpu.memref_slice %arg11[%add3A_87, %dma_wait3A] : memref<10240x128xf32, #tpu.memory_space<vmem_shared>> -> memref<64x128xf32, #tpu.memory_space<vmem_shared>>
      %dma_wait3A_96 = arith.constant 0 : i32
      %dma_wait3A_97 = tpu.memref_slice %arg11[%add3A_87, %dma_wait3A_96] : memref<10240x128xf32, #tpu.memory_space<vmem_shared>> -> memref<64x128xf32, #tpu.memory_space<vmem_shared>>
      tpu.wait_dma2 semaphore(%run_scoped3A : memref<!tpu.dma_semaphore, #tpu.memory_space<semaphore_mem>>) src(%dma_wait3A_97 : memref<64x128xf32, #tpu.memory_space<vmem_shared>>) dst(%arg9 : memref<64x128xf32, #tpu.memory_space<vmem>>)
      tpu.yield
    }) : () -> ()
    "tpu.region"() ({
      %run_scoped3A = tpu.sem_alloc : memref<!tpu.dma_semaphore, #tpu.memory_space<semaphore_mem>>
      %dma_start3A = arith.constant 0 : i32
      %dma_start3A_92 = tpu.memref_slice %arg6[%arg0, %add3A_87, %dma_start3A] : memref<2x10240x128xf32, #tpu.memory_space<hbm>> -> memref<1x64x128xf32, #tpu.memory_space<hbm>>
      %dma_start3A_93 = tpu.memref_squeeze %dma_start3A_92 : memref<1x64x128xf32, #tpu.memory_space<hbm>> -> memref<64x128xf32, #tpu.memory_space<hbm>>
      %dma_start3A_94 = arith.constant 0 : i32
      %dma_start3A_95 = tpu.memref_slice %arg6[%arg0, %add3A_87, %dma_start3A_94] : memref<2x10240x128xf32, #tpu.memory_space<hbm>> -> memref<1x64x128xf32, #tpu.memory_space<hbm>>
      %dma_start3A_96 = tpu.memref_squeeze %dma_start3A_95 : memref<1x64x128xf32, #tpu.memory_space<hbm>> -> memref<64x128xf32, #tpu.memory_space<hbm>>
      tpu.enqueue_dma source(%arg9 : memref<64x128xf32, #tpu.memory_space<vmem>>) target(%dma_start3A_96 : memref<64x128xf32, #tpu.memory_space<hbm>>) target_semaphore(%run_scoped3A : memref<!tpu.dma_semaphore, #tpu.memory_space<semaphore_mem>>)
      %dma_wait3A = arith.constant 0 : i32
      %dma_wait3A_97 = tpu.memref_slice %arg6[%arg0, %add3A_87, %dma_wait3A] : memref<2x10240x128xf32, #tpu.memory_space<hbm>> -> memref<1x64x128xf32, #tpu.memory_space<hbm>>
      %dma_wait3A_98 = tpu.memref_squeeze %dma_wait3A_97 : memref<1x64x128xf32, #tpu.memory_space<hbm>> -> memref<64x128xf32, #tpu.memory_space<hbm>>
      %dma_wait3A_99 = arith.constant 0 : i32
      %dma_wait3A_100 = tpu.memref_slice %arg6[%arg0, %add3A_87, %dma_wait3A_99] : memref<2x10240x128xf32, #tpu.memory_space<hbm>> -> memref<1x64x128xf32, #tpu.memory_space<hbm>>
      %dma_wait3A_101 = tpu.memref_squeeze %dma_wait3A_100 : memref<1x64x128xf32, #tpu.memory_space<hbm>> -> memref<64x128xf32, #tpu.memory_space<hbm>>
      tpu.wait_dma2 semaphore(%run_scoped3A : memref<!tpu.dma_semaphore, #tpu.memory_space<semaphore_mem>>) src(%arg9 : memref<64x128xf32, #tpu.memory_space<vmem>>) dst(%dma_wait3A_101 : memref<64x128xf32, #tpu.memory_space<hbm>>)
      tpu.yield
    }) : () -> ()
    %mul3A_88 = arith.constant 640 : i32
    %mul3A_89 = arith.muli %arg1, %mul3A_88 : i32
    %add3A_90 = arith.constant 576 : i32
    %add3A_91 = arith.addi %mul3A_89, %add3A_90 : i32
    "tpu.region"() ({
      %run_scoped3A = tpu.sem_alloc : memref<!tpu.dma_semaphore, #tpu.memory_space<semaphore_mem>>
      %dma_start3A = arith.constant 0 : i32
      %dma_start3A_92 = tpu.memref_slice %arg11[%add3A_91, %dma_start3A] : memref<10240x128xf32, #tpu.memory_space<vmem_shared>> -> memref<64x128xf32, #tpu.memory_space<vmem_shared>>
      %dma_start3A_93 = arith.constant 0 : i32
      %dma_start3A_94 = tpu.memref_slice %arg11[%add3A_91, %dma_start3A_93] : memref<10240x128xf32, #tpu.memory_space<vmem_shared>> -> memref<64x128xf32, #tpu.memory_space<vmem_shared>>
      tpu.enqueue_dma source(%dma_start3A_94 : memref<64x128xf32, #tpu.memory_space<vmem_shared>>) target(%arg9 : memref<64x128xf32, #tpu.memory_space<vmem>>) target_semaphore(%run_scoped3A : memref<!tpu.dma_semaphore, #tpu.memory_space<semaphore_mem>>)
      %dma_wait3A = arith.constant 0 : i32
      %dma_wait3A_95 = tpu.memref_slice %arg11[%add3A_91, %dma_wait3A] : memref<10240x128xf32, #tpu.memory_space<vmem_shared>> -> memref<64x128xf32, #tpu.memory_space<vmem_shared>>
      %dma_wait3A_96 = arith.constant 0 : i32
      %dma_wait3A_97 = tpu.memref_slice %arg11[%add3A_91, %dma_wait3A_96] : memref<10240x128xf32, #tpu.memory_space<vmem_shared>> -> memref<64x128xf32, #tpu.memory_space<vmem_shared>>
      tpu.wait_dma2 semaphore(%run_scoped3A : memref<!tpu.dma_semaphore, #tpu.memory_space<semaphore_mem>>) src(%dma_wait3A_97 : memref<64x128xf32, #tpu.memory_space<vmem_shared>>) dst(%arg9 : memref<64x128xf32, #tpu.memory_space<vmem>>)
      tpu.yield
    }) : () -> ()
    "tpu.region"() ({
      %run_scoped3A = tpu.sem_alloc : memref<!tpu.dma_semaphore, #tpu.memory_space<semaphore_mem>>
      %dma_start3A = arith.constant 0 : i32
      %dma_start3A_92 = tpu.memref_slice %arg6[%arg0, %add3A_91, %dma_start3A] : memref<2x10240x128xf32, #tpu.memory_space<hbm>> -> memref<1x64x128xf32, #tpu.memory_space<hbm>>
      %dma_start3A_93 = tpu.memref_squeeze %dma_start3A_92 : memref<1x64x128xf32, #tpu.memory_space<hbm>> -> memref<64x128xf32, #tpu.memory_space<hbm>>
      %dma_start3A_94 = arith.constant 0 : i32
      %dma_start3A_95 = tpu.memref_slice %arg6[%arg0, %add3A_91, %dma_start3A_94] : memref<2x10240x128xf32, #tpu.memory_space<hbm>> -> memref<1x64x128xf32, #tpu.memory_space<hbm>>
      %dma_start3A_96 = tpu.memref_squeeze %dma_start3A_95 : memref<1x64x128xf32, #tpu.memory_space<hbm>> -> memref<64x128xf32, #tpu.memory_space<hbm>>
      tpu.enqueue_dma source(%arg9 : memref<64x128xf32, #tpu.memory_space<vmem>>) target(%dma_start3A_96 : memref<64x128xf32, #tpu.memory_space<hbm>>) target_semaphore(%run_scoped3A : memref<!tpu.dma_semaphore, #tpu.memory_space<semaphore_mem>>)
      %dma_wait3A = arith.constant 0 : i32
      %dma_wait3A_97 = tpu.memref_slice %arg6[%arg0, %add3A_91, %dma_wait3A] : memref<2x10240x128xf32, #tpu.memory_space<hbm>> -> memref<1x64x128xf32, #tpu.memory_space<hbm>>
      %dma_wait3A_98 = tpu.memref_squeeze %dma_wait3A_97 : memref<1x64x128xf32, #tpu.memory_space<hbm>> -> memref<64x128xf32, #tpu.memory_space<hbm>>
      %dma_wait3A_99 = arith.constant 0 : i32
      %dma_wait3A_100 = tpu.memref_slice %arg6[%arg0, %add3A_91, %dma_wait3A_99] : memref<2x10240x128xf32, #tpu.memory_space<hbm>> -> memref<1x64x128xf32, #tpu.memory_space<hbm>>
      %dma_wait3A_101 = tpu.memref_squeeze %dma_wait3A_100 : memref<1x64x128xf32, #tpu.memory_space<hbm>> -> memref<64x128xf32, #tpu.memory_space<hbm>>
      tpu.wait_dma2 semaphore(%run_scoped3A : memref<!tpu.dma_semaphore, #tpu.memory_space<semaphore_mem>>) src(%arg9 : memref<64x128xf32, #tpu.memory_space<vmem>>) dst(%dma_wait3A_101 : memref<64x128xf32, #tpu.memory_space<hbm>>)
      tpu.yield
    }) : () -> ()
    return
  }
}

#map = affine_map<(d0, d1) -> (0, 0, 0)>
module attributes {stable_mosaic.version = 14 : i64} {
  func.func @_sc_edge_cnt(%arg0: i32, %arg1: i32, %arg2: memref<32x157x64xi32, #tpu.memory_space<hbm>>, %arg3: memref<2x10240x128xf32, #tpu.memory_space<hbm>>, %arg4: memref<1x64xi32, #tpu.memory_space<vmem>>, %arg5: memref<64x128xf32, #tpu.memory_space<vmem>>, %arg6: memref<10240x128xf32, #tpu.memory_space<vmem_shared>>) attributes {dimension_semantics = [#tpu.dimension_semantics<core_parallel>, #tpu.dimension_semantics<subcore_parallel>], iteration_bounds = array<i64: 2, 16>, scalar_prefetch = 0 : i64, scratch_operands = 3 : i64, tpu.core_type = #tpu.core_type<sc_vector_subcore>, window_params = [{transform_indices = #map}, {transform_indices = #map}]} {
    %mul3A = arith.constant 2 : i32
    %mul3A_0 = arith.muli %arg1, %mul3A : i32
    %add3A = arith.addi %mul3A_0, %arg0 : i32
    %broadcast_in_dim3A = arith.constant 0.000000e+00 : f32
    %broadcast_in_dim3A_1 = vector.broadcast %broadcast_in_dim3A : f32 to vector<16xf32>
    %iota3A = tpu.iota {dimensions = array<i32: 0>} : vector<16xi32>
    %eq3A = arith.constant 0 : i32
    %eq3A_2 = vector.broadcast %eq3A : i32 to vector<16xi32>
    %eq3A_3 = arith.cmpi eq, %iota3A, %eq3A_2 : vector<16xi32>
    %jit3A = arith.constant 1.000000e+00 : f32
    %jit3A_4 = arith.constant 0.000000e+00 : f32
    %broadcast_in_dim3A_5 = vector.broadcast %jit3A : f32 to vector<16xf32>
    %broadcast_in_dim3A_6 = vector.broadcast %jit3A_4 : f32 to vector<16xf32>
    %select_n3A = arith.select %eq3A_3, %broadcast_in_dim3A_5, %broadcast_in_dim3A_6 : vector<16xi1>, vector<16xf32>
    %scan3A = arith.constant 0 : i32
    %scan3A_7 = arith.constant 64 : i32
    %scan3A_8 = arith.addi %scan3A, %scan3A_7 : i32
    %scan3A_9 = arith.constant 1 : i32
    scf.for %scan3A_107 = %scan3A to %scan3A_8 step %scan3A_9  : i32 {
      %mul3A_108 = arith.constant 1 : i32
      %mul3A_109 = arith.muli %scan3A_107, %mul3A_108 : i32
      %add3A_110 = arith.constant 0 : i32
      %add3A_111 = arith.addi %add3A_110, %mul3A_109 : i32
      %swap3A = arith.index_cast %add3A_111 : i32 to index
      %swap3A_112 = arith.constant 0 : index
      %swap3A_113 = tpu.vector_load %arg5[%swap3A, %swap3A_112] {strides = array<i32>} : memref<64x128xf32, #tpu.memory_space<vmem>>, vector<1x16xf32>,
      %swap3A_114 = vector.shape_cast %swap3A_113 : vector<1x16xf32> to vector<16xf32>
      %swap3A_115 = vector.shape_cast %select_n3A : vector<16xf32> to vector<1x16xf32>
      tpu.vector_store %arg5[%swap3A, %swap3A_112], %swap3A_115 {strides = array<i32>} : memref<64x128xf32, #tpu.memory_space<vmem>>, vector<1x16xf32>,
      %swap3A_116 = arith.index_cast %add3A_111 : i32 to index
      %swap3A_117 = arith.constant 16 : index
      %swap3A_118 = tpu.vector_load %arg5[%swap3A_116, %swap3A_117] {strides = array<i32>} : memref<64x128xf32, #tpu.memory_space<vmem>>, vector<1x16xf32>,
      %swap3A_119 = vector.shape_cast %swap3A_118 : vector<1x16xf32> to vector<16xf32>
      %swap3A_120 = vector.shape_cast %broadcast_in_dim3A_1 : vector<16xf32> to vector<1x16xf32>
      tpu.vector_store %arg5[%swap3A_116, %swap3A_117], %swap3A_120 {strides = array<i32>} : memref<64x128xf32, #tpu.memory_space<vmem>>, vector<1x16xf32>,
      %swap3A_121 = arith.index_cast %add3A_111 : i32 to index
      %swap3A_122 = arith.constant 32 : index
      %swap3A_123 = tpu.vector_load %arg5[%swap3A_121, %swap3A_122] {strides = array<i32>} : memref<64x128xf32, #tpu.memory_space<vmem>>, vector<1x16xf32>,
      %swap3A_124 = vector.shape_cast %swap3A_123 : vector<1x16xf32> to vector<16xf32>
      %swap3A_125 = vector.shape_cast %broadcast_in_dim3A_1 : vector<16xf32> to vector<1x16xf32>
      tpu.vector_store %arg5[%swap3A_121, %swap3A_122], %swap3A_125 {strides = array<i32>} : memref<64x128xf32, #tpu.memory_space<vmem>>, vector<1x16xf32>,
      %swap3A_126 = arith.index_cast %add3A_111 : i32 to index
      %swap3A_127 = arith.constant 48 : index
      %swap3A_128 = tpu.vector_load %arg5[%swap3A_126, %swap3A_127] {strides = array<i32>} : memref<64x128xf32, #tpu.memory_space<vmem>>, vector<1x16xf32>,
      %swap3A_129 = vector.shape_cast %swap3A_128 : vector<1x16xf32> to vector<16xf32>
      %swap3A_130 = vector.shape_cast %broadcast_in_dim3A_1 : vector<16xf32> to vector<1x16xf32>
      tpu.vector_store %arg5[%swap3A_126, %swap3A_127], %swap3A_130 {strides = array<i32>} : memref<64x128xf32, #tpu.memory_space<vmem>>, vector<1x16xf32>,
      %swap3A_131 = arith.index_cast %add3A_111 : i32 to index
      %swap3A_132 = arith.constant 64 : index
      %swap3A_133 = tpu.vector_load %arg5[%swap3A_131, %swap3A_132] {strides = array<i32>} : memref<64x128xf32, #tpu.memory_space<vmem>>, vector<1x16xf32>,
      %swap3A_134 = vector.shape_cast %swap3A_133 : vector<1x16xf32> to vector<16xf32>
      %swap3A_135 = vector.shape_cast %broadcast_in_dim3A_1 : vector<16xf32> to vector<1x16xf32>
      tpu.vector_store %arg5[%swap3A_131, %swap3A_132], %swap3A_135 {strides = array<i32>} : memref<64x128xf32, #tpu.memory_space<vmem>>, vector<1x16xf32>,
      %swap3A_136 = arith.index_cast %add3A_111 : i32 to index
      %swap3A_137 = arith.constant 80 : index
      %swap3A_138 = tpu.vector_load %arg5[%swap3A_136, %swap3A_137] {strides = array<i32>} : memref<64x128xf32, #tpu.memory_space<vmem>>, vector<1x16xf32>,
      %swap3A_139 = vector.shape_cast %swap3A_138 : vector<1x16xf32> to vector<16xf32>
      %swap3A_140 = vector.shape_cast %broadcast_in_dim3A_1 : vector<16xf32> to vector<1x16xf32>
      tpu.vector_store %arg5[%swap3A_136, %swap3A_137], %swap3A_140 {strides = array<i32>} : memref<64x128xf32, #tpu.memory_space<vmem>>, vector<1x16xf32>,
      %swap3A_141 = arith.index_cast %add3A_111 : i32 to index
      %swap3A_142 = arith.constant 96 : index
      %swap3A_143 = tpu.vector_load %arg5[%swap3A_141, %swap3A_142] {strides = array<i32>} : memref<64x128xf32, #tpu.memory_space<vmem>>, vector<1x16xf32>,
      %swap3A_144 = vector.shape_cast %swap3A_143 : vector<1x16xf32> to vector<16xf32>
      %swap3A_145 = vector.shape_cast %broadcast_in_dim3A_1 : vector<16xf32> to vector<1x16xf32>
      tpu.vector_store %arg5[%swap3A_141, %swap3A_142], %swap3A_145 {strides = array<i32>} : memref<64x128xf32, #tpu.memory_space<vmem>>, vector<1x16xf32>,
      %swap3A_146 = arith.index_cast %add3A_111 : i32 to index
      %swap3A_147 = arith.constant 112 : index
      %swap3A_148 = tpu.vector_load %arg5[%swap3A_146, %swap3A_147] {strides = array<i32>} : memref<64x128xf32, #tpu.memory_space<vmem>>, vector<1x16xf32>,
      %swap3A_149 = vector.shape_cast %swap3A_148 : vector<1x16xf32> to vector<16xf32>
      %swap3A_150 = vector.shape_cast %broadcast_in_dim3A_1 : vector<16xf32> to vector<1x16xf32>
      tpu.vector_store %arg5[%swap3A_146, %swap3A_147], %swap3A_150 {strides = array<i32>} : memref<64x128xf32, #tpu.memory_space<vmem>>, vector<1x16xf32>,
    }
    %scan3A_10 = arith.constant 64 : i32
    %scan3A_11 = arith.constant 0 : i32
    %scan3A_12 = arith.constant 64 : i32
    %scan3A_13 = arith.addi %scan3A_11, %scan3A_12 : i32
    %scan3A_14 = arith.constant 1 : i32
    scf.for %scan3A_107 = %scan3A_11 to %scan3A_13 step %scan3A_14  : i32 {
      %mul3A_108 = arith.constant 1 : i32
      %mul3A_109 = arith.muli %scan3A_107, %mul3A_108 : i32
      %add3A_110 = arith.constant 0 : i32
      %add3A_111 = arith.addi %add3A_110, %mul3A_109 : i32
      %swap3A = arith.index_cast %add3A_111 : i32 to index
      %swap3A_112 = arith.constant 0 : index
      %swap3A_113 = tpu.vector_load %arg5[%swap3A, %swap3A_112] {strides = array<i32>} : memref<64x128xf32, #tpu.memory_space<vmem>>, vector<1x16xf32>,
      %swap3A_114 = vector.shape_cast %swap3A_113 : vector<1x16xf32> to vector<16xf32>
      %swap3A_115 = vector.shape_cast %broadcast_in_dim3A_1 : vector<16xf32> to vector<1x16xf32>
      tpu.vector_store %arg5[%swap3A, %swap3A_112], %swap3A_115 {strides = array<i32>} : memref<64x128xf32, #tpu.memory_space<vmem>>, vector<1x16xf32>,
    }
    %scan3A_15 = arith.constant 64 : i32
    %mul3A_16 = arith.constant 640 : i32
    %mul3A_17 = arith.muli %arg1, %mul3A_16 : i32
    %add3A_18 = arith.constant 0 : i32
    %add3A_19 = arith.addi %mul3A_17, %add3A_18 : i32
    "tpu.region"() ({
      %run_scoped3A = tpu.sem_alloc : memref<!tpu.dma_semaphore, #tpu.memory_space<semaphore_mem>>
      %dma_start3A = arith.constant 0 : i32
      %dma_start3A_107 = tpu.memref_slice %arg6[%add3A_19, %dma_start3A] : memref<10240x128xf32, #tpu.memory_space<vmem_shared>> -> memref<64x128xf32, #tpu.memory_space<vmem_shared>>
      %dma_start3A_108 = arith.constant 0 : i32
      %dma_start3A_109 = tpu.memref_slice %arg6[%add3A_19, %dma_start3A_108] : memref<10240x128xf32, #tpu.memory_space<vmem_shared>> -> memref<64x128xf32, #tpu.memory_space<vmem_shared>>
      tpu.enqueue_dma source(%arg5 : memref<64x128xf32, #tpu.memory_space<vmem>>) target(%dma_start3A_109 : memref<64x128xf32, #tpu.memory_space<vmem_shared>>) target_semaphore(%run_scoped3A : memref<!tpu.dma_semaphore, #tpu.memory_space<semaphore_mem>>)
      %dma_wait3A = arith.constant 0 : i32
      %dma_wait3A_110 = tpu.memref_slice %arg6[%add3A_19, %dma_wait3A] : memref<10240x128xf32, #tpu.memory_space<vmem_shared>> -> memref<64x128xf32, #tpu.memory_space<vmem_shared>>
      %dma_wait3A_111 = arith.constant 0 : i32
      %dma_wait3A_112 = tpu.memref_slice %arg6[%add3A_19, %dma_wait3A_111] : memref<10240x128xf32, #tpu.memory_space<vmem_shared>> -> memref<64x128xf32, #tpu.memory_space<vmem_shared>>
      tpu.wait_dma2 semaphore(%run_scoped3A : memref<!tpu.dma_semaphore, #tpu.memory_space<semaphore_mem>>) src(%arg5 : memref<64x128xf32, #tpu.memory_space<vmem>>) dst(%dma_wait3A_112 : memref<64x128xf32, #tpu.memory_space<vmem_shared>>)
      tpu.yield
    }) : () -> ()
    %mul3A_20 = arith.constant 640 : i32
    %mul3A_21 = arith.muli %arg1, %mul3A_20 : i32
    %add3A_22 = arith.constant 64 : i32
    %add3A_23 = arith.addi %mul3A_21, %add3A_22 : i32
    "tpu.region"() ({
      %run_scoped3A = tpu.sem_alloc : memref<!tpu.dma_semaphore, #tpu.memory_space<semaphore_mem>>
      %dma_start3A = arith.constant 0 : i32
      %dma_start3A_107 = tpu.memref_slice %arg6[%add3A_23, %dma_start3A] : memref<10240x128xf32, #tpu.memory_space<vmem_shared>> -> memref<64x128xf32, #tpu.memory_space<vmem_shared>>
      %dma_start3A_108 = arith.constant 0 : i32
      %dma_start3A_109 = tpu.memref_slice %arg6[%add3A_23, %dma_start3A_108] : memref<10240x128xf32, #tpu.memory_space<vmem_shared>> -> memref<64x128xf32, #tpu.memory_space<vmem_shared>>
      tpu.enqueue_dma source(%arg5 : memref<64x128xf32, #tpu.memory_space<vmem>>) target(%dma_start3A_109 : memref<64x128xf32, #tpu.memory_space<vmem_shared>>) target_semaphore(%run_scoped3A : memref<!tpu.dma_semaphore, #tpu.memory_space<semaphore_mem>>)
      %dma_wait3A = arith.constant 0 : i32
      %dma_wait3A_110 = tpu.memref_slice %arg6[%add3A_23, %dma_wait3A] : memref<10240x128xf32, #tpu.memory_space<vmem_shared>> -> memref<64x128xf32, #tpu.memory_space<vmem_shared>>
      %dma_wait3A_111 = arith.constant 0 : i32
      %dma_wait3A_112 = tpu.memref_slice %arg6[%add3A_23, %dma_wait3A_111] : memref<10240x128xf32, #tpu.memory_space<vmem_shared>> -> memref<64x128xf32, #tpu.memory_space<vmem_shared>>
      tpu.wait_dma2 semaphore(%run_scoped3A : memref<!tpu.dma_semaphore, #tpu.memory_space<semaphore_mem>>) src(%arg5 : memref<64x128xf32, #tpu.memory_space<vmem>>) dst(%dma_wait3A_112 : memref<64x128xf32, #tpu.memory_space<vmem_shared>>)
      tpu.yield
    }) : () -> ()
    %mul3A_24 = arith.constant 640 : i32
    %mul3A_25 = arith.muli %arg1, %mul3A_24 : i32
    %add3A_26 = arith.constant 128 : i32
    %add3A_27 = arith.addi %mul3A_25, %add3A_26 : i32
    "tpu.region"() ({
      %run_scoped3A = tpu.sem_alloc : memref<!tpu.dma_semaphore, #tpu.memory_space<semaphore_mem>>
      %dma_start3A = arith.constant 0 : i32
      %dma_start3A_107 = tpu.memref_slice %arg6[%add3A_27, %dma_start3A] : memref<10240x128xf32, #tpu.memory_space<vmem_shared>> -> memref<64x128xf32, #tpu.memory_space<vmem_shared>>
      %dma_start3A_108 = arith.constant 0 : i32
      %dma_start3A_109 = tpu.memref_slice %arg6[%add3A_27, %dma_start3A_108] : memref<10240x128xf32, #tpu.memory_space<vmem_shared>> -> memref<64x128xf32, #tpu.memory_space<vmem_shared>>
      tpu.enqueue_dma source(%arg5 : memref<64x128xf32, #tpu.memory_space<vmem>>) target(%dma_start3A_109 : memref<64x128xf32, #tpu.memory_space<vmem_shared>>) target_semaphore(%run_scoped3A : memref<!tpu.dma_semaphore, #tpu.memory_space<semaphore_mem>>)
      %dma_wait3A = arith.constant 0 : i32
      %dma_wait3A_110 = tpu.memref_slice %arg6[%add3A_27, %dma_wait3A] : memref<10240x128xf32, #tpu.memory_space<vmem_shared>> -> memref<64x128xf32, #tpu.memory_space<vmem_shared>>
      %dma_wait3A_111 = arith.constant 0 : i32
      %dma_wait3A_112 = tpu.memref_slice %arg6[%add3A_27, %dma_wait3A_111] : memref<10240x128xf32, #tpu.memory_space<vmem_shared>> -> memref<64x128xf32, #tpu.memory_space<vmem_shared>>
      tpu.wait_dma2 semaphore(%run_scoped3A : memref<!tpu.dma_semaphore, #tpu.memory_space<semaphore_mem>>) src(%arg5 : memref<64x128xf32, #tpu.memory_space<vmem>>) dst(%dma_wait3A_112 : memref<64x128xf32, #tpu.memory_space<vmem_shared>>)
      tpu.yield
    }) : () -> ()
    %mul3A_28 = arith.constant 640 : i32
    %mul3A_29 = arith.muli %arg1, %mul3A_28 : i32
    %add3A_30 = arith.constant 192 : i32
    %add3A_31 = arith.addi %mul3A_29, %add3A_30 : i32
    "tpu.region"() ({
      %run_scoped3A = tpu.sem_alloc : memref<!tpu.dma_semaphore, #tpu.memory_space<semaphore_mem>>
      %dma_start3A = arith.constant 0 : i32
      %dma_start3A_107 = tpu.memref_slice %arg6[%add3A_31, %dma_start3A] : memref<10240x128xf32, #tpu.memory_space<vmem_shared>> -> memref<64x128xf32, #tpu.memory_space<vmem_shared>>
      %dma_start3A_108 = arith.constant 0 : i32
      %dma_start3A_109 = tpu.memref_slice %arg6[%add3A_31, %dma_start3A_108] : memref<10240x128xf32, #tpu.memory_space<vmem_shared>> -> memref<64x128xf32, #tpu.memory_space<vmem_shared>>
      tpu.enqueue_dma source(%arg5 : memref<64x128xf32, #tpu.memory_space<vmem>>) target(%dma_start3A_109 : memref<64x128xf32, #tpu.memory_space<vmem_shared>>) target_semaphore(%run_scoped3A : memref<!tpu.dma_semaphore, #tpu.memory_space<semaphore_mem>>)
      %dma_wait3A = arith.constant 0 : i32
      %dma_wait3A_110 = tpu.memref_slice %arg6[%add3A_31, %dma_wait3A] : memref<10240x128xf32, #tpu.memory_space<vmem_shared>> -> memref<64x128xf32, #tpu.memory_space<vmem_shared>>
      %dma_wait3A_111 = arith.constant 0 : i32
      %dma_wait3A_112 = tpu.memref_slice %arg6[%add3A_31, %dma_wait3A_111] : memref<10240x128xf32, #tpu.memory_space<vmem_shared>> -> memref<64x128xf32, #tpu.memory_space<vmem_shared>>
      tpu.wait_dma2 semaphore(%run_scoped3A : memref<!tpu.dma_semaphore, #tpu.memory_space<semaphore_mem>>) src(%arg5 : memref<64x128xf32, #tpu.memory_space<vmem>>) dst(%dma_wait3A_112 : memref<64x128xf32, #tpu.memory_space<vmem_shared>>)
      tpu.yield
    }) : () -> ()
    %mul3A_32 = arith.constant 640 : i32
    %mul3A_33 = arith.muli %arg1, %mul3A_32 : i32
    %add3A_34 = arith.constant 256 : i32
    %add3A_35 = arith.addi %mul3A_33, %add3A_34 : i32
    "tpu.region"() ({
      %run_scoped3A = tpu.sem_alloc : memref<!tpu.dma_semaphore, #tpu.memory_space<semaphore_mem>>
      %dma_start3A = arith.constant 0 : i32
      %dma_start3A_107 = tpu.memref_slice %arg6[%add3A_35, %dma_start3A] : memref<10240x128xf32, #tpu.memory_space<vmem_shared>> -> memref<64x128xf32, #tpu.memory_space<vmem_shared>>
      %dma_start3A_108 = arith.constant 0 : i32
      %dma_start3A_109 = tpu.memref_slice %arg6[%add3A_35, %dma_start3A_108] : memref<10240x128xf32, #tpu.memory_space<vmem_shared>> -> memref<64x128xf32, #tpu.memory_space<vmem_shared>>
      tpu.enqueue_dma source(%arg5 : memref<64x128xf32, #tpu.memory_space<vmem>>) target(%dma_start3A_109 : memref<64x128xf32, #tpu.memory_space<vmem_shared>>) target_semaphore(%run_scoped3A : memref<!tpu.dma_semaphore, #tpu.memory_space<semaphore_mem>>)
      %dma_wait3A = arith.constant 0 : i32
      %dma_wait3A_110 = tpu.memref_slice %arg6[%add3A_35, %dma_wait3A] : memref<10240x128xf32, #tpu.memory_space<vmem_shared>> -> memref<64x128xf32, #tpu.memory_space<vmem_shared>>
      %dma_wait3A_111 = arith.constant 0 : i32
      %dma_wait3A_112 = tpu.memref_slice %arg6[%add3A_35, %dma_wait3A_111] : memref<10240x128xf32, #tpu.memory_space<vmem_shared>> -> memref<64x128xf32, #tpu.memory_space<vmem_shared>>
      tpu.wait_dma2 semaphore(%run_scoped3A : memref<!tpu.dma_semaphore, #tpu.memory_space<semaphore_mem>>) src(%arg5 : memref<64x128xf32, #tpu.memory_space<vmem>>) dst(%dma_wait3A_112 : memref<64x128xf32, #tpu.memory_space<vmem_shared>>)
      tpu.yield
    }) : () -> ()
    %mul3A_36 = arith.constant 640 : i32
    %mul3A_37 = arith.muli %arg1, %mul3A_36 : i32
    %add3A_38 = arith.constant 320 : i32
    %add3A_39 = arith.addi %mul3A_37, %add3A_38 : i32
    "tpu.region"() ({
      %run_scoped3A = tpu.sem_alloc : memref<!tpu.dma_semaphore, #tpu.memory_space<semaphore_mem>>
      %dma_start3A = arith.constant 0 : i32
      %dma_start3A_107 = tpu.memref_slice %arg6[%add3A_39, %dma_start3A] : memref<10240x128xf32, #tpu.memory_space<vmem_shared>> -> memref<64x128xf32, #tpu.memory_space<vmem_shared>>
      %dma_start3A_108 = arith.constant 0 : i32
      %dma_start3A_109 = tpu.memref_slice %arg6[%add3A_39, %dma_start3A_108] : memref<10240x128xf32, #tpu.memory_space<vmem_shared>> -> memref<64x128xf32, #tpu.memory_space<vmem_shared>>
      tpu.enqueue_dma source(%arg5 : memref<64x128xf32, #tpu.memory_space<vmem>>) target(%dma_start3A_109 : memref<64x128xf32, #tpu.memory_space<vmem_shared>>) target_semaphore(%run_scoped3A : memref<!tpu.dma_semaphore, #tpu.memory_space<semaphore_mem>>)
      %dma_wait3A = arith.constant 0 : i32
      %dma_wait3A_110 = tpu.memref_slice %arg6[%add3A_39, %dma_wait3A] : memref<10240x128xf32, #tpu.memory_space<vmem_shared>> -> memref<64x128xf32, #tpu.memory_space<vmem_shared>>
      %dma_wait3A_111 = arith.constant 0 : i32
      %dma_wait3A_112 = tpu.memref_slice %arg6[%add3A_39, %dma_wait3A_111] : memref<10240x128xf32, #tpu.memory_space<vmem_shared>> -> memref<64x128xf32, #tpu.memory_space<vmem_shared>>
      tpu.wait_dma2 semaphore(%run_scoped3A : memref<!tpu.dma_semaphore, #tpu.memory_space<semaphore_mem>>) src(%arg5 : memref<64x128xf32, #tpu.memory_space<vmem>>) dst(%dma_wait3A_112 : memref<64x128xf32, #tpu.memory_space<vmem_shared>>)
      tpu.yield
    }) : () -> ()
    %mul3A_40 = arith.constant 640 : i32
    %mul3A_41 = arith.muli %arg1, %mul3A_40 : i32
    %add3A_42 = arith.constant 384 : i32
    %add3A_43 = arith.addi %mul3A_41, %add3A_42 : i32
    "tpu.region"() ({
      %run_scoped3A = tpu.sem_alloc : memref<!tpu.dma_semaphore, #tpu.memory_space<semaphore_mem>>
      %dma_start3A = arith.constant 0 : i32
      %dma_start3A_107 = tpu.memref_slice %arg6[%add3A_43, %dma_start3A] : memref<10240x128xf32, #tpu.memory_space<vmem_shared>> -> memref<64x128xf32, #tpu.memory_space<vmem_shared>>
      %dma_start3A_108 = arith.constant 0 : i32
      %dma_start3A_109 = tpu.memref_slice %arg6[%add3A_43, %dma_start3A_108] : memref<10240x128xf32, #tpu.memory_space<vmem_shared>> -> memref<64x128xf32, #tpu.memory_space<vmem_shared>>
      tpu.enqueue_dma source(%arg5 : memref<64x128xf32, #tpu.memory_space<vmem>>) target(%dma_start3A_109 : memref<64x128xf32, #tpu.memory_space<vmem_shared>>) target_semaphore(%run_scoped3A : memref<!tpu.dma_semaphore, #tpu.memory_space<semaphore_mem>>)
      %dma_wait3A = arith.constant 0 : i32
      %dma_wait3A_110 = tpu.memref_slice %arg6[%add3A_43, %dma_wait3A] : memref<10240x128xf32, #tpu.memory_space<vmem_shared>> -> memref<64x128xf32, #tpu.memory_space<vmem_shared>>
      %dma_wait3A_111 = arith.constant 0 : i32
      %dma_wait3A_112 = tpu.memref_slice %arg6[%add3A_43, %dma_wait3A_111] : memref<10240x128xf32, #tpu.memory_space<vmem_shared>> -> memref<64x128xf32, #tpu.memory_space<vmem_shared>>
      tpu.wait_dma2 semaphore(%run_scoped3A : memref<!tpu.dma_semaphore, #tpu.memory_space<semaphore_mem>>) src(%arg5 : memref<64x128xf32, #tpu.memory_space<vmem>>) dst(%dma_wait3A_112 : memref<64x128xf32, #tpu.memory_space<vmem_shared>>)
      tpu.yield
    }) : () -> ()
    %mul3A_44 = arith.constant 640 : i32
    %mul3A_45 = arith.muli %arg1, %mul3A_44 : i32
    %add3A_46 = arith.constant 448 : i32
    %add3A_47 = arith.addi %mul3A_45, %add3A_46 : i32
    "tpu.region"() ({
      %run_scoped3A = tpu.sem_alloc : memref<!tpu.dma_semaphore, #tpu.memory_space<semaphore_mem>>
      %dma_start3A = arith.constant 0 : i32
      %dma_start3A_107 = tpu.memref_slice %arg6[%add3A_47, %dma_start3A] : memref<10240x128xf32, #tpu.memory_space<vmem_shared>> -> memref<64x128xf32, #tpu.memory_space<vmem_shared>>
      %dma_start3A_108 = arith.constant 0 : i32
      %dma_start3A_109 = tpu.memref_slice %arg6[%add3A_47, %dma_start3A_108] : memref<10240x128xf32, #tpu.memory_space<vmem_shared>> -> memref<64x128xf32, #tpu.memory_space<vmem_shared>>
      tpu.enqueue_dma source(%arg5 : memref<64x128xf32, #tpu.memory_space<vmem>>) target(%dma_start3A_109 : memref<64x128xf32, #tpu.memory_space<vmem_shared>>) target_semaphore(%run_scoped3A : memref<!tpu.dma_semaphore, #tpu.memory_space<semaphore_mem>>)
      %dma_wait3A = arith.constant 0 : i32
      %dma_wait3A_110 = tpu.memref_slice %arg6[%add3A_47, %dma_wait3A] : memref<10240x128xf32, #tpu.memory_space<vmem_shared>> -> memref<64x128xf32, #tpu.memory_space<vmem_shared>>
      %dma_wait3A_111 = arith.constant 0 : i32
      %dma_wait3A_112 = tpu.memref_slice %arg6[%add3A_47, %dma_wait3A_111] : memref<10240x128xf32, #tpu.memory_space<vmem_shared>> -> memref<64x128xf32, #tpu.memory_space<vmem_shared>>
      tpu.wait_dma2 semaphore(%run_scoped3A : memref<!tpu.dma_semaphore, #tpu.memory_space<semaphore_mem>>) src(%arg5 : memref<64x128xf32, #tpu.memory_space<vmem>>) dst(%dma_wait3A_112 : memref<64x128xf32, #tpu.memory_space<vmem_shared>>)
      tpu.yield
    }) : () -> ()
    %mul3A_48 = arith.constant 640 : i32
    %mul3A_49 = arith.muli %arg1, %mul3A_48 : i32
    %add3A_50 = arith.constant 512 : i32
    %add3A_51 = arith.addi %mul3A_49, %add3A_50 : i32
    "tpu.region"() ({
      %run_scoped3A = tpu.sem_alloc : memref<!tpu.dma_semaphore, #tpu.memory_space<semaphore_mem>>
      %dma_start3A = arith.constant 0 : i32
      %dma_start3A_107 = tpu.memref_slice %arg6[%add3A_51, %dma_start3A] : memref<10240x128xf32, #tpu.memory_space<vmem_shared>> -> memref<64x128xf32, #tpu.memory_space<vmem_shared>>
      %dma_start3A_108 = arith.constant 0 : i32
      %dma_start3A_109 = tpu.memref_slice %arg6[%add3A_51, %dma_start3A_108] : memref<10240x128xf32, #tpu.memory_space<vmem_shared>> -> memref<64x128xf32, #tpu.memory_space<vmem_shared>>
      tpu.enqueue_dma source(%arg5 : memref<64x128xf32, #tpu.memory_space<vmem>>) target(%dma_start3A_109 : memref<64x128xf32, #tpu.memory_space<vmem_shared>>) target_semaphore(%run_scoped3A : memref<!tpu.dma_semaphore, #tpu.memory_space<semaphore_mem>>)
      %dma_wait3A = arith.constant 0 : i32
      %dma_wait3A_110 = tpu.memref_slice %arg6[%add3A_51, %dma_wait3A] : memref<10240x128xf32, #tpu.memory_space<vmem_shared>> -> memref<64x128xf32, #tpu.memory_space<vmem_shared>>
      %dma_wait3A_111 = arith.constant 0 : i32
      %dma_wait3A_112 = tpu.memref_slice %arg6[%add3A_51, %dma_wait3A_111] : memref<10240x128xf32, #tpu.memory_space<vmem_shared>> -> memref<64x128xf32, #tpu.memory_space<vmem_shared>>
      tpu.wait_dma2 semaphore(%run_scoped3A : memref<!tpu.dma_semaphore, #tpu.memory_space<semaphore_mem>>) src(%arg5 : memref<64x128xf32, #tpu.memory_space<vmem>>) dst(%dma_wait3A_112 : memref<64x128xf32, #tpu.memory_space<vmem_shared>>)
      tpu.yield
    }) : () -> ()
    %mul3A_52 = arith.constant 640 : i32
    %mul3A_53 = arith.muli %arg1, %mul3A_52 : i32
    %add3A_54 = arith.constant 576 : i32
    %add3A_55 = arith.addi %mul3A_53, %add3A_54 : i32
    "tpu.region"() ({
      %run_scoped3A = tpu.sem_alloc : memref<!tpu.dma_semaphore, #tpu.memory_space<semaphore_mem>>
      %dma_start3A = arith.constant 0 : i32
      %dma_start3A_107 = tpu.memref_slice %arg6[%add3A_55, %dma_start3A] : memref<10240x128xf32, #tpu.memory_space<vmem_shared>> -> memref<64x128xf32, #tpu.memory_space<vmem_shared>>
      %dma_start3A_108 = arith.constant 0 : i32
      %dma_start3A_109 = tpu.memref_slice %arg6[%add3A_55, %dma_start3A_108] : memref<10240x128xf32, #tpu.memory_space<vmem_shared>> -> memref<64x128xf32, #tpu.memory_space<vmem_shared>>
      tpu.enqueue_dma source(%arg5 : memref<64x128xf32, #tpu.memory_space<vmem>>) target(%dma_start3A_109 : memref<64x128xf32, #tpu.memory_space<vmem_shared>>) target_semaphore(%run_scoped3A : memref<!tpu.dma_semaphore, #tpu.memory_space<semaphore_mem>>)
      %dma_wait3A = arith.constant 0 : i32
      %dma_wait3A_110 = tpu.memref_slice %arg6[%add3A_55, %dma_wait3A] : memref<10240x128xf32, #tpu.memory_space<vmem_shared>> -> memref<64x128xf32, #tpu.memory_space<vmem_shared>>
      %dma_wait3A_111 = arith.constant 0 : i32
      %dma_wait3A_112 = tpu.memref_slice %arg6[%add3A_55, %dma_wait3A_111] : memref<10240x128xf32, #tpu.memory_space<vmem_shared>> -> memref<64x128xf32, #tpu.memory_space<vmem_shared>>
      tpu.wait_dma2 semaphore(%run_scoped3A : memref<!tpu.dma_semaphore, #tpu.memory_space<semaphore_mem>>) src(%arg5 : memref<64x128xf32, #tpu.memory_space<vmem>>) dst(%dma_wait3A_112 : memref<64x128xf32, #tpu.memory_space<vmem_shared>>)
      tpu.yield
    }) : () -> ()
    %scan3A_56 = arith.constant 0 : i32
    %scan3A_57 = arith.constant 64 : i32
    %scan3A_58 = arith.addi %scan3A_56, %scan3A_57 : i32
    %scan3A_59 = arith.constant 1 : i32
    scf.for %scan3A_107 = %scan3A_56 to %scan3A_58 step %scan3A_59  : i32 {
      %mul3A_108 = arith.constant 1 : i32
      %mul3A_109 = arith.muli %scan3A_107, %mul3A_108 : i32
      %add3A_110 = arith.constant 0 : i32
      %add3A_111 = arith.addi %add3A_110, %mul3A_109 : i32
      %swap3A = arith.index_cast %add3A_111 : i32 to index
      %swap3A_112 = arith.constant 0 : index
      %swap3A_113 = tpu.vector_load %arg5[%swap3A, %swap3A_112] {strides = array<i32>} : memref<64x128xf32, #tpu.memory_space<vmem>>, vector<1x16xf32>,
      %swap3A_114 = vector.shape_cast %swap3A_113 : vector<1x16xf32> to vector<16xf32>
      %swap3A_115 = vector.shape_cast %select_n3A : vector<16xf32> to vector<1x16xf32>
      tpu.vector_store %arg5[%swap3A, %swap3A_112], %swap3A_115 {strides = array<i32>} : memref<64x128xf32, #tpu.memory_space<vmem>>, vector<1x16xf32>,
    }
    %scan3A_60 = arith.constant 64 : i32
    %barrier3A = arith.constant 0 : index
    tpu.barrier barrier_id(%barrier3A)
    %scan3A_61 = arith.constant 0 : i32
    %scan3A_62 = arith.constant 157 : i32
    %scan3A_63 = arith.addi %scan3A_61, %scan3A_62 : i32
    %scan3A_64 = arith.constant 1 : i32
    scf.for %scan3A_107 = %scan3A_61 to %scan3A_63 step %scan3A_64  : i32 {
      %mul3A_108 = arith.constant 1 : i32
      %mul3A_109 = arith.muli %scan3A_107, %mul3A_108 : i32
      %add3A_110 = arith.constant 0 : i32
      %add3A_111 = arith.addi %add3A_110, %mul3A_109 : i32
      %run_scoped3A = arith.constant 0 : i32
      "tpu.region"() ({
        %run_scoped3A_113 = tpu.sem_alloc : memref<!tpu.dma_semaphore, #tpu.memory_space<semaphore_mem>>
        %dma_start3A = arith.constant 0 : i32
        %dma_start3A_114 = tpu.memref_slice %arg4[%run_scoped3A, %dma_start3A] : memref<1x64xi32, #tpu.memory_space<vmem>> -> memref<1x64xi32, #tpu.memory_space<vmem>>
        %dma_start3A_115 = tpu.memref_squeeze %dma_start3A_114 : memref<1x64xi32, #tpu.memory_space<vmem>> -> memref<64xi32, #tpu.memory_space<vmem>>
        %dma_start3A_116 = arith.constant 0 : i32
        %dma_start3A_117 = tpu.memref_slice %arg2[%add3A, %add3A_111, %dma_start3A_116] : memref<32x157x64xi32, #tpu.memory_space<hbm>> -> memref<1x1x64xi32, #tpu.memory_space<hbm>>
        %dma_start3A_118 = tpu.memref_squeeze %dma_start3A_117 : memref<1x1x64xi32, #tpu.memory_space<hbm>> -> memref<64xi32, #tpu.memory_space<hbm>>
        %dma_start3A_119 = arith.constant 0 : i32
        %dma_start3A_120 = tpu.memref_slice %arg4[%run_scoped3A, %dma_start3A_119] : memref<1x64xi32, #tpu.memory_space<vmem>> -> memref<1x64xi32, #tpu.memory_space<vmem>>
        %dma_start3A_121 = tpu.memref_squeeze %dma_start3A_120 : memref<1x64xi32, #tpu.memory_space<vmem>> -> memref<64xi32, #tpu.memory_space<vmem>>
        %dma_start3A_122 = arith.constant 0 : i32
        %dma_start3A_123 = tpu.memref_slice %arg2[%add3A, %add3A_111, %dma_start3A_122] : memref<32x157x64xi32, #tpu.memory_space<hbm>> -> memref<1x1x64xi32, #tpu.memory_space<hbm>>
        %dma_start3A_124 = tpu.memref_squeeze %dma_start3A_123 : memref<1x1x64xi32, #tpu.memory_space<hbm>> -> memref<64xi32, #tpu.memory_space<hbm>>
        tpu.enqueue_dma source(%dma_start3A_124 : memref<64xi32, #tpu.memory_space<hbm>>) target(%dma_start3A_121 : memref<64xi32, #tpu.memory_space<vmem>>) target_semaphore(%run_scoped3A_113 : memref<!tpu.dma_semaphore, #tpu.memory_space<semaphore_mem>>)
        %dma_wait3A = arith.constant 0 : i32
        %dma_wait3A_125 = tpu.memref_slice %arg4[%run_scoped3A, %dma_wait3A] : memref<1x64xi32, #tpu.memory_space<vmem>> -> memref<1x64xi32, #tpu.memory_space<vmem>>
        %dma_wait3A_126 = tpu.memref_squeeze %dma_wait3A_125 : memref<1x64xi32, #tpu.memory_space<vmem>> -> memref<64xi32, #tpu.memory_space<vmem>>
        %dma_wait3A_127 = arith.constant 0 : i32
        %dma_wait3A_128 = tpu.memref_slice %arg2[%add3A, %add3A_111, %dma_wait3A_127] : memref<32x157x64xi32, #tpu.memory_space<hbm>> -> memref<1x1x64xi32, #tpu.memory_space<hbm>>
        %dma_wait3A_129 = tpu.memref_squeeze %dma_wait3A_128 : memref<1x1x64xi32, #tpu.memory_space<hbm>> -> memref<64xi32, #tpu.memory_space<hbm>>
        %dma_wait3A_130 = arith.constant 0 : i32
        %dma_wait3A_131 = tpu.memref_slice %arg4[%run_scoped3A, %dma_wait3A_130] : memref<1x64xi32, #tpu.memory_space<vmem>> -> memref<1x64xi32, #tpu.memory_space<vmem>>
        %dma_wait3A_132 = tpu.memref_squeeze %dma_wait3A_131 : memref<1x64xi32, #tpu.memory_space<vmem>> -> memref<64xi32, #tpu.memory_space<vmem>>
        %dma_wait3A_133 = arith.constant 0 : i32
        %dma_wait3A_134 = tpu.memref_slice %arg2[%add3A, %add3A_111, %dma_wait3A_133] : memref<32x157x64xi32, #tpu.memory_space<hbm>> -> memref<1x1x64xi32, #tpu.memory_space<hbm>>
        %dma_wait3A_135 = tpu.memref_squeeze %dma_wait3A_134 : memref<1x1x64xi32, #tpu.memory_space<hbm>> -> memref<64xi32, #tpu.memory_space<hbm>>
        tpu.wait_dma2 semaphore(%run_scoped3A_113 : memref<!tpu.dma_semaphore, #tpu.memory_space<semaphore_mem>>) src(%dma_wait3A_135 : memref<64xi32, #tpu.memory_space<hbm>>) dst(%dma_wait3A_132 : memref<64xi32, #tpu.memory_space<vmem>>)
        tpu.yield
      }) : () -> ()
      %run_scoped3A_112 = arith.constant 0 : i32
      "tpu.region"() ({
        %run_scoped3A_113 = tpu.sem_alloc : memref<!tpu.dma_semaphore, #tpu.memory_space<semaphore_mem>>
        %dma_start3A = arith.constant 0 : i32
        %dma_start3A_114 = tpu.memref_slice %arg4[%run_scoped3A_112, %dma_start3A] : memref<1x64xi32, #tpu.memory_space<vmem>> -> memref<1x64xi32, #tpu.memory_space<vmem>>
        %dma_start3A_115 = tpu.memref_squeeze %dma_start3A_114 : memref<1x64xi32, #tpu.memory_space<vmem>> -> memref<64xi32, #tpu.memory_space<vmem>>
        %dma_start3A_116 = arith.constant 0 : i32
        %dma_start3A_117 = arith.constant 0 : i32
        %dma_start3A_118 = tpu.memref_slice %arg6[%dma_start3A_116, %dma_start3A_117] : memref<10240x128xf32, #tpu.memory_space<vmem_shared>> -> memref<10240x128xf32, #tpu.memory_space<vmem_shared>>
        tpu.enqueue_indirect_dma source(%arg5 : memref<64x128xf32, #tpu.memory_space<vmem>>) target(%dma_start3A_118 : memref<10240x128xf32, #tpu.memory_space<vmem_shared>>) offsets(%dma_start3A_115 : memref<64xi32, #tpu.memory_space<vmem>>) semaphore(%run_scoped3A_113 : memref<!tpu.dma_semaphore, #tpu.memory_space<semaphore_mem>>) {add = true}
        %dma_wait3A = arith.constant 0 : i32
        %dma_wait3A_119 = tpu.memref_slice %arg4[%run_scoped3A_112, %dma_wait3A] : memref<1x64xi32, #tpu.memory_space<vmem>> -> memref<1x64xi32, #tpu.memory_space<vmem>>
        %dma_wait3A_120 = tpu.memref_squeeze %dma_wait3A_119 : memref<1x64xi32, #tpu.memory_space<vmem>> -> memref<64xi32, #tpu.memory_space<vmem>>
        %dma_wait3A_121 = arith.constant 0 : i32
        %dma_wait3A_122 = arith.constant 0 : i32
        %dma_wait3A_123 = tpu.memref_slice %arg6[%dma_wait3A_121, %dma_wait3A_122] : memref<10240x128xf32, #tpu.memory_space<vmem_shared>> -> memref<10240x128xf32, #tpu.memory_space<vmem_shared>>
        tpu.wait_indirect_dma semaphore(%run_scoped3A_113 : memref<!tpu.dma_semaphore, #tpu.memory_space<semaphore_mem>>) src(%arg5 : memref<64x128xf32, #tpu.memory_space<vmem>>) dst(%dma_wait3A_123 : memref<10240x128xf32, #tpu.memory_space<vmem_shared>>)
        tpu.yield
      }) : () -> ()
    }
    %scan3A_65 = arith.constant 157 : i32
    %barrier3A_66 = arith.constant 0 : index
    tpu.barrier barrier_id(%barrier3A_66)
    %mul3A_67 = arith.constant 640 : i32
    %mul3A_68 = arith.muli %arg1, %mul3A_67 : i32
    %add3A_69 = arith.constant 0 : i32
    %add3A_70 = arith.addi %mul3A_68, %add3A_69 : i32
    "tpu.region"() ({
      %run_scoped3A = tpu.sem_alloc : memref<!tpu.dma_semaphore, #tpu.memory_space<semaphore_mem>>
      %dma_start3A = arith.constant 0 : i32
      %dma_start3A_107 = tpu.memref_slice %arg6[%add3A_70, %dma_start3A] : memref<10240x128xf32, #tpu.memory_space<vmem_shared>> -> memref<64x128xf32, #tpu.memory_space<vmem_shared>>
      %dma_start3A_108 = arith.constant 0 : i32
      %dma_start3A_109 = tpu.memref_slice %arg6[%add3A_70, %dma_start3A_108] : memref<10240x128xf32, #tpu.memory_space<vmem_shared>> -> memref<64x128xf32, #tpu.memory_space<vmem_shared>>
      tpu.enqueue_dma source(%dma_start3A_109 : memref<64x128xf32, #tpu.memory_space<vmem_shared>>) target(%arg5 : memref<64x128xf32, #tpu.memory_space<vmem>>) target_semaphore(%run_scoped3A : memref<!tpu.dma_semaphore, #tpu.memory_space<semaphore_mem>>)
      %dma_wait3A = arith.constant 0 : i32
      %dma_wait3A_110 = tpu.memref_slice %arg6[%add3A_70, %dma_wait3A] : memref<10240x128xf32, #tpu.memory_space<vmem_shared>> -> memref<64x128xf32, #tpu.memory_space<vmem_shared>>
      %dma_wait3A_111 = arith.constant 0 : i32
      %dma_wait3A_112 = tpu.memref_slice %arg6[%add3A_70, %dma_wait3A_111] : memref<10240x128xf32, #tpu.memory_space<vmem_shared>> -> memref<64x128xf32, #tpu.memory_space<vmem_shared>>
      tpu.wait_dma2 semaphore(%run_scoped3A : memref<!tpu.dma_semaphore, #tpu.memory_space<semaphore_mem>>) src(%dma_wait3A_112 : memref<64x128xf32, #tpu.memory_space<vmem_shared>>) dst(%arg5 : memref<64x128xf32, #tpu.memory_space<vmem>>)
      tpu.yield
    }) : () -> ()
    "tpu.region"() ({
      %run_scoped3A = tpu.sem_alloc : memref<!tpu.dma_semaphore, #tpu.memory_space<semaphore_mem>>
      %dma_start3A = arith.constant 0 : i32
      %dma_start3A_107 = tpu.memref_slice %arg3[%arg0, %add3A_70, %dma_start3A] : memref<2x10240x128xf32, #tpu.memory_space<hbm>> -> memref<1x64x128xf32, #tpu.memory_space<hbm>>
      %dma_start3A_108 = tpu.memref_squeeze %dma_start3A_107 : memref<1x64x128xf32, #tpu.memory_space<hbm>> -> memref<64x128xf32, #tpu.memory_space<hbm>>
      %dma_start3A_109 = arith.constant 0 : i32
      %dma_start3A_110 = tpu.memref_slice %arg3[%arg0, %add3A_70, %dma_start3A_109] : memref<2x10240x128xf32, #tpu.memory_space<hbm>> -> memref<1x64x128xf32, #tpu.memory_space<hbm>>
      %dma_start3A_111 = tpu.memref_squeeze %dma_start3A_110 : memref<1x64x128xf32, #tpu.memory_space<hbm>> -> memref<64x128xf32, #tpu.memory_space<hbm>>
      tpu.enqueue_dma source(%arg5 : memref<64x128xf32, #tpu.memory_space<vmem>>) target(%dma_start3A_111 : memref<64x128xf32, #tpu.memory_space<hbm>>) target_semaphore(%run_scoped3A : memref<!tpu.dma_semaphore, #tpu.memory_space<semaphore_mem>>)
      %dma_wait3A = arith.constant 0 : i32
      %dma_wait3A_112 = tpu.memref_slice %arg3[%arg0, %add3A_70, %dma_wait3A] : memref<2x10240x128xf32, #tpu.memory_space<hbm>> -> memref<1x64x128xf32, #tpu.memory_space<hbm>>
      %dma_wait3A_113 = tpu.memref_squeeze %dma_wait3A_112 : memref<1x64x128xf32, #tpu.memory_space<hbm>> -> memref<64x128xf32, #tpu.memory_space<hbm>>
      %dma_wait3A_114 = arith.constant 0 : i32
      %dma_wait3A_115 = tpu.memref_slice %arg3[%arg0, %add3A_70, %dma_wait3A_114] : memref<2x10240x128xf32, #tpu.memory_space<hbm>> -> memref<1x64x128xf32, #tpu.memory_space<hbm>>
      %dma_wait3A_116 = tpu.memref_squeeze %dma_wait3A_115 : memref<1x64x128xf32, #tpu.memory_space<hbm>> -> memref<64x128xf32, #tpu.memory_space<hbm>>
      tpu.wait_dma2 semaphore(%run_scoped3A : memref<!tpu.dma_semaphore, #tpu.memory_space<semaphore_mem>>) src(%arg5 : memref<64x128xf32, #tpu.memory_space<vmem>>) dst(%dma_wait3A_116 : memref<64x128xf32, #tpu.memory_space<hbm>>)
      tpu.yield
    }) : () -> ()
    %mul3A_71 = arith.constant 640 : i32
    %mul3A_72 = arith.muli %arg1, %mul3A_71 : i32
    %add3A_73 = arith.constant 64 : i32
    %add3A_74 = arith.addi %mul3A_72, %add3A_73 : i32
    "tpu.region"() ({
      %run_scoped3A = tpu.sem_alloc : memref<!tpu.dma_semaphore, #tpu.memory_space<semaphore_mem>>
      %dma_start3A = arith.constant 0 : i32
      %dma_start3A_107 = tpu.memref_slice %arg6[%add3A_74, %dma_start3A] : memref<10240x128xf32, #tpu.memory_space<vmem_shared>> -> memref<64x128xf32, #tpu.memory_space<vmem_shared>>
      %dma_start3A_108 = arith.constant 0 : i32
      %dma_start3A_109 = tpu.memref_slice %arg6[%add3A_74, %dma_start3A_108] : memref<10240x128xf32, #tpu.memory_space<vmem_shared>> -> memref<64x128xf32, #tpu.memory_space<vmem_shared>>
      tpu.enqueue_dma source(%dma_start3A_109 : memref<64x128xf32, #tpu.memory_space<vmem_shared>>) target(%arg5 : memref<64x128xf32, #tpu.memory_space<vmem>>) target_semaphore(%run_scoped3A : memref<!tpu.dma_semaphore, #tpu.memory_space<semaphore_mem>>)
      %dma_wait3A = arith.constant 0 : i32
      %dma_wait3A_110 = tpu.memref_slice %arg6[%add3A_74, %dma_wait3A] : memref<10240x128xf32, #tpu.memory_space<vmem_shared>> -> memref<64x128xf32, #tpu.memory_space<vmem_shared>>
      %dma_wait3A_111 = arith.constant 0 : i32
      %dma_wait3A_112 = tpu.memref_slice %arg6[%add3A_74, %dma_wait3A_111] : memref<10240x128xf32, #tpu.memory_space<vmem_shared>> -> memref<64x128xf32, #tpu.memory_space<vmem_shared>>
      tpu.wait_dma2 semaphore(%run_scoped3A : memref<!tpu.dma_semaphore, #tpu.memory_space<semaphore_mem>>) src(%dma_wait3A_112 : memref<64x128xf32, #tpu.memory_space<vmem_shared>>) dst(%arg5 : memref<64x128xf32, #tpu.memory_space<vmem>>)
      tpu.yield
    }) : () -> ()
    "tpu.region"() ({
      %run_scoped3A = tpu.sem_alloc : memref<!tpu.dma_semaphore, #tpu.memory_space<semaphore_mem>>
      %dma_start3A = arith.constant 0 : i32
      %dma_start3A_107 = tpu.memref_slice %arg3[%arg0, %add3A_74, %dma_start3A] : memref<2x10240x128xf32, #tpu.memory_space<hbm>> -> memref<1x64x128xf32, #tpu.memory_space<hbm>>
      %dma_start3A_108 = tpu.memref_squeeze %dma_start3A_107 : memref<1x64x128xf32, #tpu.memory_space<hbm>> -> memref<64x128xf32, #tpu.memory_space<hbm>>
      %dma_start3A_109 = arith.constant 0 : i32
      %dma_start3A_110 = tpu.memref_slice %arg3[%arg0, %add3A_74, %dma_start3A_109] : memref<2x10240x128xf32, #tpu.memory_space<hbm>> -> memref<1x64x128xf32, #tpu.memory_space<hbm>>
      %dma_start3A_111 = tpu.memref_squeeze %dma_start3A_110 : memref<1x64x128xf32, #tpu.memory_space<hbm>> -> memref<64x128xf32, #tpu.memory_space<hbm>>
      tpu.enqueue_dma source(%arg5 : memref<64x128xf32, #tpu.memory_space<vmem>>) target(%dma_start3A_111 : memref<64x128xf32, #tpu.memory_space<hbm>>) target_semaphore(%run_scoped3A : memref<!tpu.dma_semaphore, #tpu.memory_space<semaphore_mem>>)
      %dma_wait3A = arith.constant 0 : i32
      %dma_wait3A_112 = tpu.memref_slice %arg3[%arg0, %add3A_74, %dma_wait3A] : memref<2x10240x128xf32, #tpu.memory_space<hbm>> -> memref<1x64x128xf32, #tpu.memory_space<hbm>>
      %dma_wait3A_113 = tpu.memref_squeeze %dma_wait3A_112 : memref<1x64x128xf32, #tpu.memory_space<hbm>> -> memref<64x128xf32, #tpu.memory_space<hbm>>
      %dma_wait3A_114 = arith.constant 0 : i32
      %dma_wait3A_115 = tpu.memref_slice %arg3[%arg0, %add3A_74, %dma_wait3A_114] : memref<2x10240x128xf32, #tpu.memory_space<hbm>> -> memref<1x64x128xf32, #tpu.memory_space<hbm>>
      %dma_wait3A_116 = tpu.memref_squeeze %dma_wait3A_115 : memref<1x64x128xf32, #tpu.memory_space<hbm>> -> memref<64x128xf32, #tpu.memory_space<hbm>>
      tpu.wait_dma2 semaphore(%run_scoped3A : memref<!tpu.dma_semaphore, #tpu.memory_space<semaphore_mem>>) src(%arg5 : memref<64x128xf32, #tpu.memory_space<vmem>>) dst(%dma_wait3A_116 : memref<64x128xf32, #tpu.memory_space<hbm>>)
      tpu.yield
    }) : () -> ()
    %mul3A_75 = arith.constant 640 : i32
    %mul3A_76 = arith.muli %arg1, %mul3A_75 : i32
    %add3A_77 = arith.constant 128 : i32
    %add3A_78 = arith.addi %mul3A_76, %add3A_77 : i32
    "tpu.region"() ({
      %run_scoped3A = tpu.sem_alloc : memref<!tpu.dma_semaphore, #tpu.memory_space<semaphore_mem>>
      %dma_start3A = arith.constant 0 : i32
      %dma_start3A_107 = tpu.memref_slice %arg6[%add3A_78, %dma_start3A] : memref<10240x128xf32, #tpu.memory_space<vmem_shared>> -> memref<64x128xf32, #tpu.memory_space<vmem_shared>>
      %dma_start3A_108 = arith.constant 0 : i32
      %dma_start3A_109 = tpu.memref_slice %arg6[%add3A_78, %dma_start3A_108] : memref<10240x128xf32, #tpu.memory_space<vmem_shared>> -> memref<64x128xf32, #tpu.memory_space<vmem_shared>>
      tpu.enqueue_dma source(%dma_start3A_109 : memref<64x128xf32, #tpu.memory_space<vmem_shared>>) target(%arg5 : memref<64x128xf32, #tpu.memory_space<vmem>>) target_semaphore(%run_scoped3A : memref<!tpu.dma_semaphore, #tpu.memory_space<semaphore_mem>>)
      %dma_wait3A = arith.constant 0 : i32
      %dma_wait3A_110 = tpu.memref_slice %arg6[%add3A_78, %dma_wait3A] : memref<10240x128xf32, #tpu.memory_space<vmem_shared>> -> memref<64x128xf32, #tpu.memory_space<vmem_shared>>
      %dma_wait3A_111 = arith.constant 0 : i32
      %dma_wait3A_112 = tpu.memref_slice %arg6[%add3A_78, %dma_wait3A_111] : memref<10240x128xf32, #tpu.memory_space<vmem_shared>> -> memref<64x128xf32, #tpu.memory_space<vmem_shared>>
      tpu.wait_dma2 semaphore(%run_scoped3A : memref<!tpu.dma_semaphore, #tpu.memory_space<semaphore_mem>>) src(%dma_wait3A_112 : memref<64x128xf32, #tpu.memory_space<vmem_shared>>) dst(%arg5 : memref<64x128xf32, #tpu.memory_space<vmem>>)
      tpu.yield
    }) : () -> ()
    "tpu.region"() ({
      %run_scoped3A = tpu.sem_alloc : memref<!tpu.dma_semaphore, #tpu.memory_space<semaphore_mem>>
      %dma_start3A = arith.constant 0 : i32
      %dma_start3A_107 = tpu.memref_slice %arg3[%arg0, %add3A_78, %dma_start3A] : memref<2x10240x128xf32, #tpu.memory_space<hbm>> -> memref<1x64x128xf32, #tpu.memory_space<hbm>>
      %dma_start3A_108 = tpu.memref_squeeze %dma_start3A_107 : memref<1x64x128xf32, #tpu.memory_space<hbm>> -> memref<64x128xf32, #tpu.memory_space<hbm>>
      %dma_start3A_109 = arith.constant 0 : i32
      %dma_start3A_110 = tpu.memref_slice %arg3[%arg0, %add3A_78, %dma_start3A_109] : memref<2x10240x128xf32, #tpu.memory_space<hbm>> -> memref<1x64x128xf32, #tpu.memory_space<hbm>>
      %dma_start3A_111 = tpu.memref_squeeze %dma_start3A_110 : memref<1x64x128xf32, #tpu.memory_space<hbm>> -> memref<64x128xf32, #tpu.memory_space<hbm>>
      tpu.enqueue_dma source(%arg5 : memref<64x128xf32, #tpu.memory_space<vmem>>) target(%dma_start3A_111 : memref<64x128xf32, #tpu.memory_space<hbm>>) target_semaphore(%run_scoped3A : memref<!tpu.dma_semaphore, #tpu.memory_space<semaphore_mem>>)
      %dma_wait3A = arith.constant 0 : i32
      %dma_wait3A_112 = tpu.memref_slice %arg3[%arg0, %add3A_78, %dma_wait3A] : memref<2x10240x128xf32, #tpu.memory_space<hbm>> -> memref<1x64x128xf32, #tpu.memory_space<hbm>>
      %dma_wait3A_113 = tpu.memref_squeeze %dma_wait3A_112 : memref<1x64x128xf32, #tpu.memory_space<hbm>> -> memref<64x128xf32, #tpu.memory_space<hbm>>
      %dma_wait3A_114 = arith.constant 0 : i32
      %dma_wait3A_115 = tpu.memref_slice %arg3[%arg0, %add3A_78, %dma_wait3A_114] : memref<2x10240x128xf32, #tpu.memory_space<hbm>> -> memref<1x64x128xf32, #tpu.memory_space<hbm>>
      %dma_wait3A_116 = tpu.memref_squeeze %dma_wait3A_115 : memref<1x64x128xf32, #tpu.memory_space<hbm>> -> memref<64x128xf32, #tpu.memory_space<hbm>>
      tpu.wait_dma2 semaphore(%run_scoped3A : memref<!tpu.dma_semaphore, #tpu.memory_space<semaphore_mem>>) src(%arg5 : memref<64x128xf32, #tpu.memory_space<vmem>>) dst(%dma_wait3A_116 : memref<64x128xf32, #tpu.memory_space<hbm>>)
      tpu.yield
    }) : () -> ()
    %mul3A_79 = arith.constant 640 : i32
    %mul3A_80 = arith.muli %arg1, %mul3A_79 : i32
    %add3A_81 = arith.constant 192 : i32
    %add3A_82 = arith.addi %mul3A_80, %add3A_81 : i32
    "tpu.region"() ({
      %run_scoped3A = tpu.sem_alloc : memref<!tpu.dma_semaphore, #tpu.memory_space<semaphore_mem>>
      %dma_start3A = arith.constant 0 : i32
      %dma_start3A_107 = tpu.memref_slice %arg6[%add3A_82, %dma_start3A] : memref<10240x128xf32, #tpu.memory_space<vmem_shared>> -> memref<64x128xf32, #tpu.memory_space<vmem_shared>>
      %dma_start3A_108 = arith.constant 0 : i32
      %dma_start3A_109 = tpu.memref_slice %arg6[%add3A_82, %dma_start3A_108] : memref<10240x128xf32, #tpu.memory_space<vmem_shared>> -> memref<64x128xf32, #tpu.memory_space<vmem_shared>>
      tpu.enqueue_dma source(%dma_start3A_109 : memref<64x128xf32, #tpu.memory_space<vmem_shared>>) target(%arg5 : memref<64x128xf32, #tpu.memory_space<vmem>>) target_semaphore(%run_scoped3A : memref<!tpu.dma_semaphore, #tpu.memory_space<semaphore_mem>>)
      %dma_wait3A = arith.constant 0 : i32
      %dma_wait3A_110 = tpu.memref_slice %arg6[%add3A_82, %dma_wait3A] : memref<10240x128xf32, #tpu.memory_space<vmem_shared>> -> memref<64x128xf32, #tpu.memory_space<vmem_shared>>
      %dma_wait3A_111 = arith.constant 0 : i32
      %dma_wait3A_112 = tpu.memref_slice %arg6[%add3A_82, %dma_wait3A_111] : memref<10240x128xf32, #tpu.memory_space<vmem_shared>> -> memref<64x128xf32, #tpu.memory_space<vmem_shared>>
      tpu.wait_dma2 semaphore(%run_scoped3A : memref<!tpu.dma_semaphore, #tpu.memory_space<semaphore_mem>>) src(%dma_wait3A_112 : memref<64x128xf32, #tpu.memory_space<vmem_shared>>) dst(%arg5 : memref<64x128xf32, #tpu.memory_space<vmem>>)
      tpu.yield
    }) : () -> ()
    "tpu.region"() ({
      %run_scoped3A = tpu.sem_alloc : memref<!tpu.dma_semaphore, #tpu.memory_space<semaphore_mem>>
      %dma_start3A = arith.constant 0 : i32
      %dma_start3A_107 = tpu.memref_slice %arg3[%arg0, %add3A_82, %dma_start3A] : memref<2x10240x128xf32, #tpu.memory_space<hbm>> -> memref<1x64x128xf32, #tpu.memory_space<hbm>>
      %dma_start3A_108 = tpu.memref_squeeze %dma_start3A_107 : memref<1x64x128xf32, #tpu.memory_space<hbm>> -> memref<64x128xf32, #tpu.memory_space<hbm>>
      %dma_start3A_109 = arith.constant 0 : i32
      %dma_start3A_110 = tpu.memref_slice %arg3[%arg0, %add3A_82, %dma_start3A_109] : memref<2x10240x128xf32, #tpu.memory_space<hbm>> -> memref<1x64x128xf32, #tpu.memory_space<hbm>>
      %dma_start3A_111 = tpu.memref_squeeze %dma_start3A_110 : memref<1x64x128xf32, #tpu.memory_space<hbm>> -> memref<64x128xf32, #tpu.memory_space<hbm>>
      tpu.enqueue_dma source(%arg5 : memref<64x128xf32, #tpu.memory_space<vmem>>) target(%dma_start3A_111 : memref<64x128xf32, #tpu.memory_space<hbm>>) target_semaphore(%run_scoped3A : memref<!tpu.dma_semaphore, #tpu.memory_space<semaphore_mem>>)
      %dma_wait3A = arith.constant 0 : i32
      %dma_wait3A_112 = tpu.memref_slice %arg3[%arg0, %add3A_82, %dma_wait3A] : memref<2x10240x128xf32, #tpu.memory_space<hbm>> -> memref<1x64x128xf32, #tpu.memory_space<hbm>>
      %dma_wait3A_113 = tpu.memref_squeeze %dma_wait3A_112 : memref<1x64x128xf32, #tpu.memory_space<hbm>> -> memref<64x128xf32, #tpu.memory_space<hbm>>
      %dma_wait3A_114 = arith.constant 0 : i32
      %dma_wait3A_115 = tpu.memref_slice %arg3[%arg0, %add3A_82, %dma_wait3A_114] : memref<2x10240x128xf32, #tpu.memory_space<hbm>> -> memref<1x64x128xf32, #tpu.memory_space<hbm>>
      %dma_wait3A_116 = tpu.memref_squeeze %dma_wait3A_115 : memref<1x64x128xf32, #tpu.memory_space<hbm>> -> memref<64x128xf32, #tpu.memory_space<hbm>>
      tpu.wait_dma2 semaphore(%run_scoped3A : memref<!tpu.dma_semaphore, #tpu.memory_space<semaphore_mem>>) src(%arg5 : memref<64x128xf32, #tpu.memory_space<vmem>>) dst(%dma_wait3A_116 : memref<64x128xf32, #tpu.memory_space<hbm>>)
      tpu.yield
    }) : () -> ()
    %mul3A_83 = arith.constant 640 : i32
    %mul3A_84 = arith.muli %arg1, %mul3A_83 : i32
    %add3A_85 = arith.constant 256 : i32
    %add3A_86 = arith.addi %mul3A_84, %add3A_85 : i32
    "tpu.region"() ({
      %run_scoped3A = tpu.sem_alloc : memref<!tpu.dma_semaphore, #tpu.memory_space<semaphore_mem>>
      %dma_start3A = arith.constant 0 : i32
      %dma_start3A_107 = tpu.memref_slice %arg6[%add3A_86, %dma_start3A] : memref<10240x128xf32, #tpu.memory_space<vmem_shared>> -> memref<64x128xf32, #tpu.memory_space<vmem_shared>>
      %dma_start3A_108 = arith.constant 0 : i32
      %dma_start3A_109 = tpu.memref_slice %arg6[%add3A_86, %dma_start3A_108] : memref<10240x128xf32, #tpu.memory_space<vmem_shared>> -> memref<64x128xf32, #tpu.memory_space<vmem_shared>>
      tpu.enqueue_dma source(%dma_start3A_109 : memref<64x128xf32, #tpu.memory_space<vmem_shared>>) target(%arg5 : memref<64x128xf32, #tpu.memory_space<vmem>>) target_semaphore(%run_scoped3A : memref<!tpu.dma_semaphore, #tpu.memory_space<semaphore_mem>>)
      %dma_wait3A = arith.constant 0 : i32
      %dma_wait3A_110 = tpu.memref_slice %arg6[%add3A_86, %dma_wait3A] : memref<10240x128xf32, #tpu.memory_space<vmem_shared>> -> memref<64x128xf32, #tpu.memory_space<vmem_shared>>
      %dma_wait3A_111 = arith.constant 0 : i32
      %dma_wait3A_112 = tpu.memref_slice %arg6[%add3A_86, %dma_wait3A_111] : memref<10240x128xf32, #tpu.memory_space<vmem_shared>> -> memref<64x128xf32, #tpu.memory_space<vmem_shared>>
      tpu.wait_dma2 semaphore(%run_scoped3A : memref<!tpu.dma_semaphore, #tpu.memory_space<semaphore_mem>>) src(%dma_wait3A_112 : memref<64x128xf32, #tpu.memory_space<vmem_shared>>) dst(%arg5 : memref<64x128xf32, #tpu.memory_space<vmem>>)
      tpu.yield
    }) : () -> ()
    "tpu.region"() ({
      %run_scoped3A = tpu.sem_alloc : memref<!tpu.dma_semaphore, #tpu.memory_space<semaphore_mem>>
      %dma_start3A = arith.constant 0 : i32
      %dma_start3A_107 = tpu.memref_slice %arg3[%arg0, %add3A_86, %dma_start3A] : memref<2x10240x128xf32, #tpu.memory_space<hbm>> -> memref<1x64x128xf32, #tpu.memory_space<hbm>>
      %dma_start3A_108 = tpu.memref_squeeze %dma_start3A_107 : memref<1x64x128xf32, #tpu.memory_space<hbm>> -> memref<64x128xf32, #tpu.memory_space<hbm>>
      %dma_start3A_109 = arith.constant 0 : i32
      %dma_start3A_110 = tpu.memref_slice %arg3[%arg0, %add3A_86, %dma_start3A_109] : memref<2x10240x128xf32, #tpu.memory_space<hbm>> -> memref<1x64x128xf32, #tpu.memory_space<hbm>>
      %dma_start3A_111 = tpu.memref_squeeze %dma_start3A_110 : memref<1x64x128xf32, #tpu.memory_space<hbm>> -> memref<64x128xf32, #tpu.memory_space<hbm>>
      tpu.enqueue_dma source(%arg5 : memref<64x128xf32, #tpu.memory_space<vmem>>) target(%dma_start3A_111 : memref<64x128xf32, #tpu.memory_space<hbm>>) target_semaphore(%run_scoped3A : memref<!tpu.dma_semaphore, #tpu.memory_space<semaphore_mem>>)
      %dma_wait3A = arith.constant 0 : i32
      %dma_wait3A_112 = tpu.memref_slice %arg3[%arg0, %add3A_86, %dma_wait3A] : memref<2x10240x128xf32, #tpu.memory_space<hbm>> -> memref<1x64x128xf32, #tpu.memory_space<hbm>>
      %dma_wait3A_113 = tpu.memref_squeeze %dma_wait3A_112 : memref<1x64x128xf32, #tpu.memory_space<hbm>> -> memref<64x128xf32, #tpu.memory_space<hbm>>
      %dma_wait3A_114 = arith.constant 0 : i32
      %dma_wait3A_115 = tpu.memref_slice %arg3[%arg0, %add3A_86, %dma_wait3A_114] : memref<2x10240x128xf32, #tpu.memory_space<hbm>> -> memref<1x64x128xf32, #tpu.memory_space<hbm>>
      %dma_wait3A_116 = tpu.memref_squeeze %dma_wait3A_115 : memref<1x64x128xf32, #tpu.memory_space<hbm>> -> memref<64x128xf32, #tpu.memory_space<hbm>>
      tpu.wait_dma2 semaphore(%run_scoped3A : memref<!tpu.dma_semaphore, #tpu.memory_space<semaphore_mem>>) src(%arg5 : memref<64x128xf32, #tpu.memory_space<vmem>>) dst(%dma_wait3A_116 : memref<64x128xf32, #tpu.memory_space<hbm>>)
      tpu.yield
    }) : () -> ()
    %mul3A_87 = arith.constant 640 : i32
    %mul3A_88 = arith.muli %arg1, %mul3A_87 : i32
    %add3A_89 = arith.constant 320 : i32
    %add3A_90 = arith.addi %mul3A_88, %add3A_89 : i32
    "tpu.region"() ({
      %run_scoped3A = tpu.sem_alloc : memref<!tpu.dma_semaphore, #tpu.memory_space<semaphore_mem>>
      %dma_start3A = arith.constant 0 : i32
      %dma_start3A_107 = tpu.memref_slice %arg6[%add3A_90, %dma_start3A] : memref<10240x128xf32, #tpu.memory_space<vmem_shared>> -> memref<64x128xf32, #tpu.memory_space<vmem_shared>>
      %dma_start3A_108 = arith.constant 0 : i32
      %dma_start3A_109 = tpu.memref_slice %arg6[%add3A_90, %dma_start3A_108] : memref<10240x128xf32, #tpu.memory_space<vmem_shared>> -> memref<64x128xf32, #tpu.memory_space<vmem_shared>>
      tpu.enqueue_dma source(%dma_start3A_109 : memref<64x128xf32, #tpu.memory_space<vmem_shared>>) target(%arg5 : memref<64x128xf32, #tpu.memory_space<vmem>>) target_semaphore(%run_scoped3A : memref<!tpu.dma_semaphore, #tpu.memory_space<semaphore_mem>>)
      %dma_wait3A = arith.constant 0 : i32
      %dma_wait3A_110 = tpu.memref_slice %arg6[%add3A_90, %dma_wait3A] : memref<10240x128xf32, #tpu.memory_space<vmem_shared>> -> memref<64x128xf32, #tpu.memory_space<vmem_shared>>
      %dma_wait3A_111 = arith.constant 0 : i32
      %dma_wait3A_112 = tpu.memref_slice %arg6[%add3A_90, %dma_wait3A_111] : memref<10240x128xf32, #tpu.memory_space<vmem_shared>> -> memref<64x128xf32, #tpu.memory_space<vmem_shared>>
      tpu.wait_dma2 semaphore(%run_scoped3A : memref<!tpu.dma_semaphore, #tpu.memory_space<semaphore_mem>>) src(%dma_wait3A_112 : memref<64x128xf32, #tpu.memory_space<vmem_shared>>) dst(%arg5 : memref<64x128xf32, #tpu.memory_space<vmem>>)
      tpu.yield
    }) : () -> ()
    "tpu.region"() ({
      %run_scoped3A = tpu.sem_alloc : memref<!tpu.dma_semaphore, #tpu.memory_space<semaphore_mem>>
      %dma_start3A = arith.constant 0 : i32
      %dma_start3A_107 = tpu.memref_slice %arg3[%arg0, %add3A_90, %dma_start3A] : memref<2x10240x128xf32, #tpu.memory_space<hbm>> -> memref<1x64x128xf32, #tpu.memory_space<hbm>>
      %dma_start3A_108 = tpu.memref_squeeze %dma_start3A_107 : memref<1x64x128xf32, #tpu.memory_space<hbm>> -> memref<64x128xf32, #tpu.memory_space<hbm>>
      %dma_start3A_109 = arith.constant 0 : i32
      %dma_start3A_110 = tpu.memref_slice %arg3[%arg0, %add3A_90, %dma_start3A_109] : memref<2x10240x128xf32, #tpu.memory_space<hbm>> -> memref<1x64x128xf32, #tpu.memory_space<hbm>>
      %dma_start3A_111 = tpu.memref_squeeze %dma_start3A_110 : memref<1x64x128xf32, #tpu.memory_space<hbm>> -> memref<64x128xf32, #tpu.memory_space<hbm>>
      tpu.enqueue_dma source(%arg5 : memref<64x128xf32, #tpu.memory_space<vmem>>) target(%dma_start3A_111 : memref<64x128xf32, #tpu.memory_space<hbm>>) target_semaphore(%run_scoped3A : memref<!tpu.dma_semaphore, #tpu.memory_space<semaphore_mem>>)
      %dma_wait3A = arith.constant 0 : i32
      %dma_wait3A_112 = tpu.memref_slice %arg3[%arg0, %add3A_90, %dma_wait3A] : memref<2x10240x128xf32, #tpu.memory_space<hbm>> -> memref<1x64x128xf32, #tpu.memory_space<hbm>>
      %dma_wait3A_113 = tpu.memref_squeeze %dma_wait3A_112 : memref<1x64x128xf32, #tpu.memory_space<hbm>> -> memref<64x128xf32, #tpu.memory_space<hbm>>
      %dma_wait3A_114 = arith.constant 0 : i32
      %dma_wait3A_115 = tpu.memref_slice %arg3[%arg0, %add3A_90, %dma_wait3A_114] : memref<2x10240x128xf32, #tpu.memory_space<hbm>> -> memref<1x64x128xf32, #tpu.memory_space<hbm>>
      %dma_wait3A_116 = tpu.memref_squeeze %dma_wait3A_115 : memref<1x64x128xf32, #tpu.memory_space<hbm>> -> memref<64x128xf32, #tpu.memory_space<hbm>>
      tpu.wait_dma2 semaphore(%run_scoped3A : memref<!tpu.dma_semaphore, #tpu.memory_space<semaphore_mem>>) src(%arg5 : memref<64x128xf32, #tpu.memory_space<vmem>>) dst(%dma_wait3A_116 : memref<64x128xf32, #tpu.memory_space<hbm>>)
      tpu.yield
    }) : () -> ()
    %mul3A_91 = arith.constant 640 : i32
    %mul3A_92 = arith.muli %arg1, %mul3A_91 : i32
    %add3A_93 = arith.constant 384 : i32
    %add3A_94 = arith.addi %mul3A_92, %add3A_93 : i32
    "tpu.region"() ({
      %run_scoped3A = tpu.sem_alloc : memref<!tpu.dma_semaphore, #tpu.memory_space<semaphore_mem>>
      %dma_start3A = arith.constant 0 : i32
      %dma_start3A_107 = tpu.memref_slice %arg6[%add3A_94, %dma_start3A] : memref<10240x128xf32, #tpu.memory_space<vmem_shared>> -> memref<64x128xf32, #tpu.memory_space<vmem_shared>>
      %dma_start3A_108 = arith.constant 0 : i32
      %dma_start3A_109 = tpu.memref_slice %arg6[%add3A_94, %dma_start3A_108] : memref<10240x128xf32, #tpu.memory_space<vmem_shared>> -> memref<64x128xf32, #tpu.memory_space<vmem_shared>>
      tpu.enqueue_dma source(%dma_start3A_109 : memref<64x128xf32, #tpu.memory_space<vmem_shared>>) target(%arg5 : memref<64x128xf32, #tpu.memory_space<vmem>>) target_semaphore(%run_scoped3A : memref<!tpu.dma_semaphore, #tpu.memory_space<semaphore_mem>>)
      %dma_wait3A = arith.constant 0 : i32
      %dma_wait3A_110 = tpu.memref_slice %arg6[%add3A_94, %dma_wait3A] : memref<10240x128xf32, #tpu.memory_space<vmem_shared>> -> memref<64x128xf32, #tpu.memory_space<vmem_shared>>
      %dma_wait3A_111 = arith.constant 0 : i32
      %dma_wait3A_112 = tpu.memref_slice %arg6[%add3A_94, %dma_wait3A_111] : memref<10240x128xf32, #tpu.memory_space<vmem_shared>> -> memref<64x128xf32, #tpu.memory_space<vmem_shared>>
      tpu.wait_dma2 semaphore(%run_scoped3A : memref<!tpu.dma_semaphore, #tpu.memory_space<semaphore_mem>>) src(%dma_wait3A_112 : memref<64x128xf32, #tpu.memory_space<vmem_shared>>) dst(%arg5 : memref<64x128xf32, #tpu.memory_space<vmem>>)
      tpu.yield
    }) : () -> ()
    "tpu.region"() ({
      %run_scoped3A = tpu.sem_alloc : memref<!tpu.dma_semaphore, #tpu.memory_space<semaphore_mem>>
      %dma_start3A = arith.constant 0 : i32
      %dma_start3A_107 = tpu.memref_slice %arg3[%arg0, %add3A_94, %dma_start3A] : memref<2x10240x128xf32, #tpu.memory_space<hbm>> -> memref<1x64x128xf32, #tpu.memory_space<hbm>>
      %dma_start3A_108 = tpu.memref_squeeze %dma_start3A_107 : memref<1x64x128xf32, #tpu.memory_space<hbm>> -> memref<64x128xf32, #tpu.memory_space<hbm>>
      %dma_start3A_109 = arith.constant 0 : i32
      %dma_start3A_110 = tpu.memref_slice %arg3[%arg0, %add3A_94, %dma_start3A_109] : memref<2x10240x128xf32, #tpu.memory_space<hbm>> -> memref<1x64x128xf32, #tpu.memory_space<hbm>>
      %dma_start3A_111 = tpu.memref_squeeze %dma_start3A_110 : memref<1x64x128xf32, #tpu.memory_space<hbm>> -> memref<64x128xf32, #tpu.memory_space<hbm>>
      tpu.enqueue_dma source(%arg5 : memref<64x128xf32, #tpu.memory_space<vmem>>) target(%dma_start3A_111 : memref<64x128xf32, #tpu.memory_space<hbm>>) target_semaphore(%run_scoped3A : memref<!tpu.dma_semaphore, #tpu.memory_space<semaphore_mem>>)
      %dma_wait3A = arith.constant 0 : i32
      %dma_wait3A_112 = tpu.memref_slice %arg3[%arg0, %add3A_94, %dma_wait3A] : memref<2x10240x128xf32, #tpu.memory_space<hbm>> -> memref<1x64x128xf32, #tpu.memory_space<hbm>>
      %dma_wait3A_113 = tpu.memref_squeeze %dma_wait3A_112 : memref<1x64x128xf32, #tpu.memory_space<hbm>> -> memref<64x128xf32, #tpu.memory_space<hbm>>
      %dma_wait3A_114 = arith.constant 0 : i32
      %dma_wait3A_115 = tpu.memref_slice %arg3[%arg0, %add3A_94, %dma_wait3A_114] : memref<2x10240x128xf32, #tpu.memory_space<hbm>> -> memref<1x64x128xf32, #tpu.memory_space<hbm>>
      %dma_wait3A_116 = tpu.memref_squeeze %dma_wait3A_115 : memref<1x64x128xf32, #tpu.memory_space<hbm>> -> memref<64x128xf32, #tpu.memory_space<hbm>>
      tpu.wait_dma2 semaphore(%run_scoped3A : memref<!tpu.dma_semaphore, #tpu.memory_space<semaphore_mem>>) src(%arg5 : memref<64x128xf32, #tpu.memory_space<vmem>>) dst(%dma_wait3A_116 : memref<64x128xf32, #tpu.memory_space<hbm>>)
      tpu.yield
    }) : () -> ()
    %mul3A_95 = arith.constant 640 : i32
    %mul3A_96 = arith.muli %arg1, %mul3A_95 : i32
    %add3A_97 = arith.constant 448 : i32
    %add3A_98 = arith.addi %mul3A_96, %add3A_97 : i32
    "tpu.region"() ({
      %run_scoped3A = tpu.sem_alloc : memref<!tpu.dma_semaphore, #tpu.memory_space<semaphore_mem>>
      %dma_start3A = arith.constant 0 : i32
      %dma_start3A_107 = tpu.memref_slice %arg6[%add3A_98, %dma_start3A] : memref<10240x128xf32, #tpu.memory_space<vmem_shared>> -> memref<64x128xf32, #tpu.memory_space<vmem_shared>>
      %dma_start3A_108 = arith.constant 0 : i32
      %dma_start3A_109 = tpu.memref_slice %arg6[%add3A_98, %dma_start3A_108] : memref<10240x128xf32, #tpu.memory_space<vmem_shared>> -> memref<64x128xf32, #tpu.memory_space<vmem_shared>>
      tpu.enqueue_dma source(%dma_start3A_109 : memref<64x128xf32, #tpu.memory_space<vmem_shared>>) target(%arg5 : memref<64x128xf32, #tpu.memory_space<vmem>>) target_semaphore(%run_scoped3A : memref<!tpu.dma_semaphore, #tpu.memory_space<semaphore_mem>>)
      %dma_wait3A = arith.constant 0 : i32
      %dma_wait3A_110 = tpu.memref_slice %arg6[%add3A_98, %dma_wait3A] : memref<10240x128xf32, #tpu.memory_space<vmem_shared>> -> memref<64x128xf32, #tpu.memory_space<vmem_shared>>
      %dma_wait3A_111 = arith.constant 0 : i32
      %dma_wait3A_112 = tpu.memref_slice %arg6[%add3A_98, %dma_wait3A_111] : memref<10240x128xf32, #tpu.memory_space<vmem_shared>> -> memref<64x128xf32, #tpu.memory_space<vmem_shared>>
      tpu.wait_dma2 semaphore(%run_scoped3A : memref<!tpu.dma_semaphore, #tpu.memory_space<semaphore_mem>>) src(%dma_wait3A_112 : memref<64x128xf32, #tpu.memory_space<vmem_shared>>) dst(%arg5 : memref<64x128xf32, #tpu.memory_space<vmem>>)
      tpu.yield
    }) : () -> ()
    "tpu.region"() ({
      %run_scoped3A = tpu.sem_alloc : memref<!tpu.dma_semaphore, #tpu.memory_space<semaphore_mem>>
      %dma_start3A = arith.constant 0 : i32
      %dma_start3A_107 = tpu.memref_slice %arg3[%arg0, %add3A_98, %dma_start3A] : memref<2x10240x128xf32, #tpu.memory_space<hbm>> -> memref<1x64x128xf32, #tpu.memory_space<hbm>>
      %dma_start3A_108 = tpu.memref_squeeze %dma_start3A_107 : memref<1x64x128xf32, #tpu.memory_space<hbm>> -> memref<64x128xf32, #tpu.memory_space<hbm>>
      %dma_start3A_109 = arith.constant 0 : i32
      %dma_start3A_110 = tpu.memref_slice %arg3[%arg0, %add3A_98, %dma_start3A_109] : memref<2x10240x128xf32, #tpu.memory_space<hbm>> -> memref<1x64x128xf32, #tpu.memory_space<hbm>>
      %dma_start3A_111 = tpu.memref_squeeze %dma_start3A_110 : memref<1x64x128xf32, #tpu.memory_space<hbm>> -> memref<64x128xf32, #tpu.memory_space<hbm>>
      tpu.enqueue_dma source(%arg5 : memref<64x128xf32, #tpu.memory_space<vmem>>) target(%dma_start3A_111 : memref<64x128xf32, #tpu.memory_space<hbm>>) target_semaphore(%run_scoped3A : memref<!tpu.dma_semaphore, #tpu.memory_space<semaphore_mem>>)
      %dma_wait3A = arith.constant 0 : i32
      %dma_wait3A_112 = tpu.memref_slice %arg3[%arg0, %add3A_98, %dma_wait3A] : memref<2x10240x128xf32, #tpu.memory_space<hbm>> -> memref<1x64x128xf32, #tpu.memory_space<hbm>>
      %dma_wait3A_113 = tpu.memref_squeeze %dma_wait3A_112 : memref<1x64x128xf32, #tpu.memory_space<hbm>> -> memref<64x128xf32, #tpu.memory_space<hbm>>
      %dma_wait3A_114 = arith.constant 0 : i32
      %dma_wait3A_115 = tpu.memref_slice %arg3[%arg0, %add3A_98, %dma_wait3A_114] : memref<2x10240x128xf32, #tpu.memory_space<hbm>> -> memref<1x64x128xf32, #tpu.memory_space<hbm>>
      %dma_wait3A_116 = tpu.memref_squeeze %dma_wait3A_115 : memref<1x64x128xf32, #tpu.memory_space<hbm>> -> memref<64x128xf32, #tpu.memory_space<hbm>>
      tpu.wait_dma2 semaphore(%run_scoped3A : memref<!tpu.dma_semaphore, #tpu.memory_space<semaphore_mem>>) src(%arg5 : memref<64x128xf32, #tpu.memory_space<vmem>>) dst(%dma_wait3A_116 : memref<64x128xf32, #tpu.memory_space<hbm>>)
      tpu.yield
    }) : () -> ()
    %mul3A_99 = arith.constant 640 : i32
    %mul3A_100 = arith.muli %arg1, %mul3A_99 : i32
    %add3A_101 = arith.constant 512 : i32
    %add3A_102 = arith.addi %mul3A_100, %add3A_101 : i32
    "tpu.region"() ({
      %run_scoped3A = tpu.sem_alloc : memref<!tpu.dma_semaphore, #tpu.memory_space<semaphore_mem>>
      %dma_start3A = arith.constant 0 : i32
      %dma_start3A_107 = tpu.memref_slice %arg6[%add3A_102, %dma_start3A] : memref<10240x128xf32, #tpu.memory_space<vmem_shared>> -> memref<64x128xf32, #tpu.memory_space<vmem_shared>>
      %dma_start3A_108 = arith.constant 0 : i32
      %dma_start3A_109 = tpu.memref_slice %arg6[%add3A_102, %dma_start3A_108] : memref<10240x128xf32, #tpu.memory_space<vmem_shared>> -> memref<64x128xf32, #tpu.memory_space<vmem_shared>>
      tpu.enqueue_dma source(%dma_start3A_109 : memref<64x128xf32, #tpu.memory_space<vmem_shared>>) target(%arg5 : memref<64x128xf32, #tpu.memory_space<vmem>>) target_semaphore(%run_scoped3A : memref<!tpu.dma_semaphore, #tpu.memory_space<semaphore_mem>>)
      %dma_wait3A = arith.constant 0 : i32
      %dma_wait3A_110 = tpu.memref_slice %arg6[%add3A_102, %dma_wait3A] : memref<10240x128xf32, #tpu.memory_space<vmem_shared>> -> memref<64x128xf32, #tpu.memory_space<vmem_shared>>
      %dma_wait3A_111 = arith.constant 0 : i32
      %dma_wait3A_112 = tpu.memref_slice %arg6[%add3A_102, %dma_wait3A_111] : memref<10240x128xf32, #tpu.memory_space<vmem_shared>> -> memref<64x128xf32, #tpu.memory_space<vmem_shared>>
      tpu.wait_dma2 semaphore(%run_scoped3A : memref<!tpu.dma_semaphore, #tpu.memory_space<semaphore_mem>>) src(%dma_wait3A_112 : memref<64x128xf32, #tpu.memory_space<vmem_shared>>) dst(%arg5 : memref<64x128xf32, #tpu.memory_space<vmem>>)
      tpu.yield
    }) : () -> ()
    "tpu.region"() ({
      %run_scoped3A = tpu.sem_alloc : memref<!tpu.dma_semaphore, #tpu.memory_space<semaphore_mem>>
      %dma_start3A = arith.constant 0 : i32
      %dma_start3A_107 = tpu.memref_slice %arg3[%arg0, %add3A_102, %dma_start3A] : memref<2x10240x128xf32, #tpu.memory_space<hbm>> -> memref<1x64x128xf32, #tpu.memory_space<hbm>>
      %dma_start3A_108 = tpu.memref_squeeze %dma_start3A_107 : memref<1x64x128xf32, #tpu.memory_space<hbm>> -> memref<64x128xf32, #tpu.memory_space<hbm>>
      %dma_start3A_109 = arith.constant 0 : i32
      %dma_start3A_110 = tpu.memref_slice %arg3[%arg0, %add3A_102, %dma_start3A_109] : memref<2x10240x128xf32, #tpu.memory_space<hbm>> -> memref<1x64x128xf32, #tpu.memory_space<hbm>>
      %dma_start3A_111 = tpu.memref_squeeze %dma_start3A_110 : memref<1x64x128xf32, #tpu.memory_space<hbm>> -> memref<64x128xf32, #tpu.memory_space<hbm>>
      tpu.enqueue_dma source(%arg5 : memref<64x128xf32, #tpu.memory_space<vmem>>) target(%dma_start3A_111 : memref<64x128xf32, #tpu.memory_space<hbm>>) target_semaphore(%run_scoped3A : memref<!tpu.dma_semaphore, #tpu.memory_space<semaphore_mem>>)
      %dma_wait3A = arith.constant 0 : i32
      %dma_wait3A_112 = tpu.memref_slice %arg3[%arg0, %add3A_102, %dma_wait3A] : memref<2x10240x128xf32, #tpu.memory_space<hbm>> -> memref<1x64x128xf32, #tpu.memory_space<hbm>>
      %dma_wait3A_113 = tpu.memref_squeeze %dma_wait3A_112 : memref<1x64x128xf32, #tpu.memory_space<hbm>> -> memref<64x128xf32, #tpu.memory_space<hbm>>
      %dma_wait3A_114 = arith.constant 0 : i32
      %dma_wait3A_115 = tpu.memref_slice %arg3[%arg0, %add3A_102, %dma_wait3A_114] : memref<2x10240x128xf32, #tpu.memory_space<hbm>> -> memref<1x64x128xf32, #tpu.memory_space<hbm>>
      %dma_wait3A_116 = tpu.memref_squeeze %dma_wait3A_115 : memref<1x64x128xf32, #tpu.memory_space<hbm>> -> memref<64x128xf32, #tpu.memory_space<hbm>>
      tpu.wait_dma2 semaphore(%run_scoped3A : memref<!tpu.dma_semaphore, #tpu.memory_space<semaphore_mem>>) src(%arg5 : memref<64x128xf32, #tpu.memory_space<vmem>>) dst(%dma_wait3A_116 : memref<64x128xf32, #tpu.memory_space<hbm>>)
      tpu.yield
    }) : () -> ()
    %mul3A_103 = arith.constant 640 : i32
    %mul3A_104 = arith.muli %arg1, %mul3A_103 : i32
    %add3A_105 = arith.constant 576 : i32
    %add3A_106 = arith.addi %mul3A_104, %add3A_105 : i32
    "tpu.region"() ({
      %run_scoped3A = tpu.sem_alloc : memref<!tpu.dma_semaphore, #tpu.memory_space<semaphore_mem>>
      %dma_start3A = arith.constant 0 : i32
      %dma_start3A_107 = tpu.memref_slice %arg6[%add3A_106, %dma_start3A] : memref<10240x128xf32, #tpu.memory_space<vmem_shared>> -> memref<64x128xf32, #tpu.memory_space<vmem_shared>>
      %dma_start3A_108 = arith.constant 0 : i32
      %dma_start3A_109 = tpu.memref_slice %arg6[%add3A_106, %dma_start3A_108] : memref<10240x128xf32, #tpu.memory_space<vmem_shared>> -> memref<64x128xf32, #tpu.memory_space<vmem_shared>>
      tpu.enqueue_dma source(%dma_start3A_109 : memref<64x128xf32, #tpu.memory_space<vmem_shared>>) target(%arg5 : memref<64x128xf32, #tpu.memory_space<vmem>>) target_semaphore(%run_scoped3A : memref<!tpu.dma_semaphore, #tpu.memory_space<semaphore_mem>>)
      %dma_wait3A = arith.constant 0 : i32
      %dma_wait3A_110 = tpu.memref_slice %arg6[%add3A_106, %dma_wait3A] : memref<10240x128xf32, #tpu.memory_space<vmem_shared>> -> memref<64x128xf32, #tpu.memory_space<vmem_shared>>
      %dma_wait3A_111 = arith.constant 0 : i32
      %dma_wait3A_112 = tpu.memref_slice %arg6[%add3A_106, %dma_wait3A_111] : memref<10240x128xf32, #tpu.memory_space<vmem_shared>> -> memref<64x128xf32, #tpu.memory_space<vmem_shared>>
      tpu.wait_dma2 semaphore(%run_scoped3A : memref<!tpu.dma_semaphore, #tpu.memory_space<semaphore_mem>>) src(%dma_wait3A_112 : memref<64x128xf32, #tpu.memory_space<vmem_shared>>) dst(%arg5 : memref<64x128xf32, #tpu.memory_space<vmem>>)
      tpu.yield
    }) : () -> ()
    "tpu.region"() ({
      %run_scoped3A = tpu.sem_alloc : memref<!tpu.dma_semaphore, #tpu.memory_space<semaphore_mem>>
      %dma_start3A = arith.constant 0 : i32
      %dma_start3A_107 = tpu.memref_slice %arg3[%arg0, %add3A_106, %dma_start3A] : memref<2x10240x128xf32, #tpu.memory_space<hbm>> -> memref<1x64x128xf32, #tpu.memory_space<hbm>>
      %dma_start3A_108 = tpu.memref_squeeze %dma_start3A_107 : memref<1x64x128xf32, #tpu.memory_space<hbm>> -> memref<64x128xf32, #tpu.memory_space<hbm>>
      %dma_start3A_109 = arith.constant 0 : i32
      %dma_start3A_110 = tpu.memref_slice %arg3[%arg0, %add3A_106, %dma_start3A_109] : memref<2x10240x128xf32, #tpu.memory_space<hbm>> -> memref<1x64x128xf32, #tpu.memory_space<hbm>>
      %dma_start3A_111 = tpu.memref_squeeze %dma_start3A_110 : memref<1x64x128xf32, #tpu.memory_space<hbm>> -> memref<64x128xf32, #tpu.memory_space<hbm>>
      tpu.enqueue_dma source(%arg5 : memref<64x128xf32, #tpu.memory_space<vmem>>) target(%dma_start3A_111 : memref<64x128xf32, #tpu.memory_space<hbm>>) target_semaphore(%run_scoped3A : memref<!tpu.dma_semaphore, #tpu.memory_space<semaphore_mem>>)
      %dma_wait3A = arith.constant 0 : i32
      %dma_wait3A_112 = tpu.memref_slice %arg3[%arg0, %add3A_106, %dma_wait3A] : memref<2x10240x128xf32, #tpu.memory_space<hbm>> -> memref<1x64x128xf32, #tpu.memory_space<hbm>>
      %dma_wait3A_113 = tpu.memref_squeeze %dma_wait3A_112 : memref<1x64x128xf32, #tpu.memory_space<hbm>> -> memref<64x128xf32, #tpu.memory_space<hbm>>
      %dma_wait3A_114 = arith.constant 0 : i32
      %dma_wait3A_115 = tpu.memref_slice %arg3[%arg0, %add3A_106, %dma_wait3A_114] : memref<2x10240x128xf32, #tpu.memory_space<hbm>> -> memref<1x64x128xf32, #tpu.memory_space<hbm>>
      %dma_wait3A_116 = tpu.memref_squeeze %dma_wait3A_115 : memref<1x64x128xf32, #tpu.memory_space<hbm>> -> memref<64x128xf32, #tpu.memory_space<hbm>>
      tpu.wait_dma2 semaphore(%run_scoped3A : memref<!tpu.dma_semaphore, #tpu.memory_space<semaphore_mem>>) src(%arg5 : memref<64x128xf32, #tpu.memory_space<vmem>>) dst(%dma_wait3A_116 : memref<64x128xf32, #tpu.memory_space<hbm>>)
      tpu.yield
    }) : () -> ()
    return
  }
}

module attributes {stable_mosaic.version = 14 : i64} {
  func.func @_ew_kernel(%arg0: i32, %arg1: memref<2048x16xf32, #tpu.memory_space<vmem>>, %arg2: memref<16x128xf32, #tpu.memory_space<vmem>>, %arg3: memref<2048x128xf32, #tpu.memory_space<vmem>>) attributes {dimension_semantics = [#tpu.dimension_semantics<arbitrary>], iteration_bounds = array<i64: 157>, scalar_prefetch = 0 : i64, scratch_operands = 0 : i64, tpu.core_type = #tpu.core_type<tc>, window_params = [{transform_indices = @transform_0, window_bounds = array<i64: 2048, 16>}, {pipeline_mode = #tpu.pipeline_mode<synchronous>, transform_indices = @transform_1, window_bounds = array<i64: 16, 128>}, {transform_indices = @transform_2, window_bounds = array<i64: 2048, 128>}]} {
    %get3A = arith.constant 0 : index
    %get3A_0 = arith.constant 0 : index
    %get3A_1 = vector.load %arg1[%get3A, %get3A_0] : memref<2048x16xf32, #tpu.memory_space<vmem>>, vector<2048x16xf32>
    %get3A_2 = arith.constant 0 : index
    %get3A_3 = arith.constant 0 : index
    %get3A_4 = vector.load %arg2[%get3A_2, %get3A_3] : memref<16x128xf32, #tpu.memory_space<vmem>>, vector<16x128xf32>
    %dot_general3A = arith.constant dense<0.000000e+00> : vector<2048x128xf32>
    %dot_general3A_5 = tpu.matmul %get3A_1, %get3A_4, %dot_general3A {dimension_numbers = #tpu.dot_dimension_numbers<[1], [0], [0], [1], [0, 0, 1, 1], [], []>, transpose_lhs_hint = false} : vector<2048x16xf32>, vector<16x128xf32>, vector<2048x128xf32> -> vector<2048x128xf32>
    %swap3A = arith.constant 0 : index
    %swap3A_6 = arith.constant 0 : index
    %swap3A_7 = vector.load %arg3[%swap3A, %swap3A_6] : memref<2048x128xf32, #tpu.memory_space<vmem>>, vector<2048x128xf32>
    tpu.vector_store %arg3[%swap3A, %swap3A_6], %dot_general3A_5 {strides = array<i32>} : memref<2048x128xf32, #tpu.memory_space<vmem>>, vector<2048x128xf32>,
    return
  }
  func.func @transform_0(%arg0: i32) -> (i32, i32) {
    %c0_i32 = arith.constant 0 : i32
    %c0_i32_0 = arith.constant 0 : i32
    return %arg0, %c0_i32 : i32, i32
  }
  func.func @transform_1(%arg0: i32) -> (i32, i32) {
    %c0_i32 = arith.constant 0 : i32
    %c0_i32_0 = arith.constant 0 : i32
    %c0_i32_1 = arith.constant 0 : i32
    return %c0_i32, %c0_i32_0 : i32, i32
  }
  func.func @transform_2(%arg0: i32) -> (i32, i32) {
    %c0_i32 = arith.constant 0 : i32
    %c0_i32_0 = arith.constant 0 : i32
    return %arg0, %c0_i32 : i32, i32
  }
}

module attributes {stable_mosaic.version = 14 : i64} {
  func.func @_xw_bias_kernel(%arg0: i32, %arg1: memref<512x128xf32, #tpu.memory_space<vmem>>, %arg2: memref<128x128xf32, #tpu.memory_space<vmem>>, %arg3: memref<1x128xf32, #tpu.memory_space<vmem>>, %arg4: memref<512x128xf32, #tpu.memory_space<vmem>>) attributes {dimension_semantics = [#tpu.dimension_semantics<arbitrary>], iteration_bounds = array<i64: 20>, scalar_prefetch = 0 : i64, scratch_operands = 0 : i64, tpu.core_type = #tpu.core_type<tc>, window_params = [{transform_indices = @transform_0, window_bounds = array<i64: 512, 128>}, {pipeline_mode = #tpu.pipeline_mode<synchronous>, transform_indices = @transform_1, window_bounds = array<i64: 128, 128>}, {pipeline_mode = #tpu.pipeline_mode<synchronous>, transform_indices = @transform_2, window_bounds = array<i64: 1, 128>}, {transform_indices = @transform_3, window_bounds = array<i64: 512, 128>}]} {
    %get3A = arith.constant 0 : index
    %get3A_0 = arith.constant 0 : index
    %get3A_1 = vector.load %arg1[%get3A, %get3A_0] : memref<512x128xf32, #tpu.memory_space<vmem>>, vector<512x128xf32>
    %get3A_2 = arith.constant 0 : index
    %get3A_3 = arith.constant 0 : index
    %get3A_4 = vector.load %arg2[%get3A_2, %get3A_3] : memref<128x128xf32, #tpu.memory_space<vmem>>, vector<128x128xf32>
    %dot_general3A = arith.constant dense<0.000000e+00> : vector<512x128xf32>
    %dot_general3A_5 = tpu.matmul %get3A_1, %get3A_4, %dot_general3A {dimension_numbers = #tpu.dot_dimension_numbers<[1], [0], [0], [1], [0, 0, 1, 1], [], []>, transpose_lhs_hint = false} : vector<512x128xf32>, vector<128x128xf32>, vector<512x128xf32> -> vector<512x128xf32>
    %get3A_6 = arith.constant 0 : index
    %get3A_7 = arith.constant 0 : index
    %get3A_8 = vector.load %arg3[%get3A_6, %get3A_7] : memref<1x128xf32, #tpu.memory_space<vmem>>, vector<1x128xf32>
    %add3A = vector.broadcast %get3A_8 : vector<1x128xf32> to vector<512x128xf32>
    %add3A_9 = arith.addf %dot_general3A_5, %add3A : vector<512x128xf32>
    %swap3A = arith.constant 0 : index
    %swap3A_10 = arith.constant 0 : index
    %swap3A_11 = vector.load %arg4[%swap3A, %swap3A_10] : memref<512x128xf32, #tpu.memory_space<vmem>>, vector<512x128xf32>
    tpu.vector_store %arg4[%swap3A, %swap3A_10], %add3A_9 {strides = array<i32>} : memref<512x128xf32, #tpu.memory_space<vmem>>, vector<512x128xf32>,
    return
  }
  func.func @transform_0(%arg0: i32) -> (i32, i32) {
    %c0_i32 = arith.constant 0 : i32
    %c0_i32_0 = arith.constant 0 : i32
    return %arg0, %c0_i32 : i32, i32
  }
  func.func @transform_1(%arg0: i32) -> (i32, i32) {
    %c0_i32 = arith.constant 0 : i32
    %c0_i32_0 = arith.constant 0 : i32
    %c0_i32_1 = arith.constant 0 : i32
    return %c0_i32, %c0_i32_0 : i32, i32
  }
  func.func @transform_2(%arg0: i32) -> (i32, i32) {
    %c0_i32 = arith.constant 0 : i32
    %c0_i32_0 = arith.constant 0 : i32
    %c0_i32_1 = arith.constant 0 : i32
    return %c0_i32, %c0_i32_0 : i32, i32
  }
  func.func @transform_3(%arg0: i32) -> (i32, i32) {
    %c0_i32 = arith.constant 0 : i32
    %c0_i32_0 = arith.constant 0 : i32
    return %arg0, %c0_i32 : i32, i32
  }
}

module attributes {stable_mosaic.version = 14 : i64} {
  func.func @_node_update_kernel(%arg0: i32, %arg1: memref<2x512x128xf32, #tpu.memory_space<vmem>>, %arg2: memref<2x512x128xf32, #tpu.memory_space<vmem>>, %arg3: memref<512x128xf32, #tpu.memory_space<vmem>>, %arg4: memref<128x128xf32, #tpu.memory_space<vmem>>, %arg5: memref<128x128xf32, #tpu.memory_space<vmem>>, %arg6: memref<1x128xf32, #tpu.memory_space<vmem>>, %arg7: memref<512x128xf32, #tpu.memory_space<vmem>>) attributes {dimension_semantics = [#tpu.dimension_semantics<arbitrary>], iteration_bounds = array<i64: 20>, scalar_prefetch = 0 : i64, scratch_operands = 0 : i64, tpu.core_type = #tpu.core_type<tc>, window_params = [{transform_indices = @transform_0, window_bounds = array<i64: 2, 512, 128>}, {transform_indices = @transform_1, window_bounds = array<i64: 2, 512, 128>}, {transform_indices = @transform_2, window_bounds = array<i64: 512, 128>}, {pipeline_mode = #tpu.pipeline_mode<synchronous>, transform_indices = @transform_3, window_bounds = array<i64: 128, 128>}, {pipeline_mode = #tpu.pipeline_mode<synchronous>, transform_indices = @transform_4, window_bounds = array<i64: 128, 128>}, {pipeline_mode = #tpu.pipeline_mode<synchronous>, transform_indices = @transform_5, window_bounds = array<i64: 1, 128>}, {transform_indices = @transform_6, window_bounds = array<i64: 512, 128>}]} {
    %get3A = arith.constant 0 : index
    %get3A_0 = arith.constant 0 : index
    %get3A_1 = arith.constant 0 : index
    %get3A_2 = vector.load %arg1[%get3A, %get3A_0, %get3A_1] : memref<2x512x128xf32, #tpu.memory_space<vmem>>, vector<1x512x128xf32>
    %get3A_3 = vector.shape_cast %get3A_2 : vector<1x512x128xf32> to vector<512x128xf32>
    %get3A_4 = arith.constant 1 : index
    %get3A_5 = arith.constant 0 : index
    %get3A_6 = arith.constant 0 : index
    %get3A_7 = vector.load %arg1[%get3A_4, %get3A_5, %get3A_6] : memref<2x512x128xf32, #tpu.memory_space<vmem>>, vector<1x512x128xf32>
    %get3A_8 = vector.shape_cast %get3A_7 : vector<1x512x128xf32> to vector<512x128xf32>
    %add3A = arith.addf %get3A_3, %get3A_8 : vector<512x128xf32>
    %get3A_9 = arith.constant 0 : index
    %get3A_10 = arith.constant 0 : index
    %get3A_11 = arith.constant 0 : index
    %get3A_12 = vector.load %arg2[%get3A_9, %get3A_10, %get3A_11] : memref<2x512x128xf32, #tpu.memory_space<vmem>>, vector<1x512x128xf32>
    %get3A_13 = vector.shape_cast %get3A_12 : vector<1x512x128xf32> to vector<512x128xf32>
    %get3A_14 = arith.constant 1 : index
    %get3A_15 = arith.constant 0 : index
    %get3A_16 = arith.constant 0 : index
    %get3A_17 = vector.load %arg2[%get3A_14, %get3A_15, %get3A_16] : memref<2x512x128xf32, #tpu.memory_space<vmem>>, vector<1x512x128xf32>
    %get3A_18 = vector.shape_cast %get3A_17 : vector<1x512x128xf32> to vector<512x128xf32>
    %add3A_19 = arith.addf %get3A_13, %get3A_18 : vector<512x128xf32>
    %slice3A = vector.extract_strided_slice %add3A_19 {offsets = [0, 0], sizes = [512, 1], strides = [1, 1]} : vector<512x128xf32> to vector<512x1xf32>
    %max3A = arith.constant 1.000000e+00 : f32
    %max3A_20 = vector.broadcast %max3A : f32 to vector<512x1xf32>
    %max3A_21 = arith.maximumf %slice3A, %max3A_20 : vector<512x1xf32>
    %div3A = vector.broadcast %max3A_21 : vector<512x1xf32> to vector<512x128xf32>
    %div3A_22 = arith.divf %add3A, %div3A : vector<512x128xf32>
    %get3A_23 = arith.constant 0 : index
    %get3A_24 = arith.constant 0 : index
    %get3A_25 = vector.load %arg4[%get3A_23, %get3A_24] : memref<128x128xf32, #tpu.memory_space<vmem>>, vector<128x128xf32>
    %dot_general3A = arith.constant dense<0.000000e+00> : vector<512x128xf32>
    %dot_general3A_26 = tpu.matmul %div3A_22, %get3A_25, %dot_general3A {dimension_numbers = #tpu.dot_dimension_numbers<[1], [0], [0], [1], [0, 0, 1, 1], [], []>, transpose_lhs_hint = false} : vector<512x128xf32>, vector<128x128xf32>, vector<512x128xf32> -> vector<512x128xf32>
    %get3A_27 = arith.constant 0 : index
    %get3A_28 = arith.constant 0 : index
    %get3A_29 = vector.load %arg3[%get3A_27, %get3A_28] : memref<512x128xf32, #tpu.memory_space<vmem>>, vector<512x128xf32>
    %get3A_30 = arith.constant 0 : index
    %get3A_31 = arith.constant 0 : index
    %get3A_32 = vector.load %arg5[%get3A_30, %get3A_31] : memref<128x128xf32, #tpu.memory_space<vmem>>, vector<128x128xf32>
    %dot_general3A_33 = arith.constant dense<0.000000e+00> : vector<512x128xf32>
    %dot_general3A_34 = tpu.matmul %get3A_29, %get3A_32, %dot_general3A_33 {dimension_numbers = #tpu.dot_dimension_numbers<[1], [0], [0], [1], [0, 0, 1, 1], [], []>, transpose_lhs_hint = false} : vector<512x128xf32>, vector<128x128xf32>, vector<512x128xf32> -> vector<512x128xf32>
    %add3A_35 = arith.addf %dot_general3A_26, %dot_general3A_34 : vector<512x128xf32>
    %get3A_36 = arith.constant 0 : index
    %get3A_37 = arith.constant 0 : index
    %get3A_38 = vector.load %arg6[%get3A_36, %get3A_37] : memref<1x128xf32, #tpu.memory_space<vmem>>, vector<1x128xf32>
    %add3A_39 = vector.broadcast %get3A_38 : vector<1x128xf32> to vector<512x128xf32>
    %add3A_40 = arith.addf %add3A_35, %add3A_39 : vector<512x128xf32>
    %max3A_41 = arith.constant 0.000000e+00 : f32
    %max3A_42 = vector.broadcast %max3A_41 : f32 to vector<512x128xf32>
    %max3A_43 = arith.maximumf %add3A_40, %max3A_42 : vector<512x128xf32>
    %swap3A = arith.constant 0 : index
    %swap3A_44 = arith.constant 0 : index
    %swap3A_45 = vector.load %arg7[%swap3A, %swap3A_44] : memref<512x128xf32, #tpu.memory_space<vmem>>, vector<512x128xf32>
    tpu.vector_store %arg7[%swap3A, %swap3A_44], %max3A_43 {strides = array<i32>} : memref<512x128xf32, #tpu.memory_space<vmem>>, vector<512x128xf32>,
    return
  }
  func.func @transform_0(%arg0: i32) -> (i32, i32, i32) {
    %c0_i32 = arith.constant 0 : i32
    %c0_i32_0 = arith.constant 0 : i32
    %c0_i32_1 = arith.constant 0 : i32
    return %c0_i32, %arg0, %c0_i32_0 : i32, i32, i32
  }
  func.func @transform_1(%arg0: i32) -> (i32, i32, i32) {
    %c0_i32 = arith.constant 0 : i32
    %c0_i32_0 = arith.constant 0 : i32
    %c0_i32_1 = arith.constant 0 : i32
    return %c0_i32, %arg0, %c0_i32_0 : i32, i32, i32
  }
  func.func @transform_2(%arg0: i32) -> (i32, i32) {
    %c0_i32 = arith.constant 0 : i32
    %c0_i32_0 = arith.constant 0 : i32
    return %arg0, %c0_i32 : i32, i32
  }
  func.func @transform_3(%arg0: i32) -> (i32, i32) {
    %c0_i32 = arith.constant 0 : i32
    %c0_i32_0 = arith.constant 0 : i32
    %c0_i32_1 = arith.constant 0 : i32
    return %c0_i32, %c0_i32_0 : i32, i32
  }
  func.func @transform_4(%arg0: i32) -> (i32, i32) {
    %c0_i32 = arith.constant 0 : i32
    %c0_i32_0 = arith.constant 0 : i32
    %c0_i32_1 = arith.constant 0 : i32
    return %c0_i32, %c0_i32_0 : i32, i32
  }
  func.func @transform_5(%arg0: i32) -> (i32, i32) {
    %c0_i32 = arith.constant 0 : i32
    %c0_i32_0 = arith.constant 0 : i32
    %c0_i32_1 = arith.constant 0 : i32
    return %c0_i32, %c0_i32_0 : i32, i32
  }
  func.func @transform_6(%arg0: i32) -> (i32, i32) {
    %c0_i32 = arith.constant 0 : i32
    %c0_i32_0 = arith.constant 0 : i32
    return %arg0, %c0_i32 : i32, i32
  }
}

</mosaic_0001>

<sc_bundles>
// kernel: kernel.10.cloned.1.call-start
scs
__scs_entry_jumppad:
0x0: {  	(pc) =	sbr.rel $0x88, $3  }
0x1: {  	(tag) =	ssettag $0x0;
	lr =	simm.s32 $0x1  }
0x2: {  	[smem:$0x3F9A] =	sst lr;
	_ =	strace $0xD0000000  }
0x3: {  	_ = 	snop  }
0x4: {  	_ = 	snop  }
0x5: {  	_ = 	snop  }
0x6: {  	_ = 	snop  }
0x7: {  	_ = 	snop  }
__scs_overlays_trampoline_lowered:
0x8: {  	[smem:$0x3FA9] =	sst s0  }
0x9: {  	[smem:$0x3FAA] =	sst s1  }
0xa: {  	[smem:$0x3FAB] =	sst s2  }
0xb: {  	[smem:$0x3FAC] =	sst s3  }
0xc: {  	[smem:$0x3FAD] =	sst s4  }
0xd: {  	[smem:$0x3FAE] =	sst s5  }
0xe: {  	[smem:$0x3FAF] =	sst s6  }
0xf: {  	[smem:$0x3FB0] =	sst s7  }
0x10: {  	[smem:$0x3FB1] =	sst s8  }
0x11: {  	[smem:$0x3FB2] =	sst s9;
	s0 =	simm.s32 @!p0 $0x0  }
0x12: {  	s1 =	sld [smem:$0x3F98];
	s0 =	simm.s32 @p0 $0x1  }
0x13: {  	[smem:$0x3FB3] =	sst s0;
	s0 =	simm.s32 @!p1 $0x0  }
0x14: {  	s2 =	sld [smem:$0x3F97];
	s0 =	simm.s32 @p1 $0x1  }
0x15: {  	[smem:$0x3FB4] =	sst s0;
	s0 =	simm.s32 @!p2 $0x0  }
0x16: {  	s3 =	sld [smem:$0x3FDB];
	s0 =	simm.s32 @p2 $0x1  }
0x17: {  	s4 =	simm.s32 $0x1BF5;
	[smem:$0x3FB6] =	sst s0  }
0x18: {  	s0 =	sld [smem:$0x3F99];
	_ =	swait.ge [sflag:s4], $0x0  }
0x19: {  	s7 =	sld [smem:$0x3F9A]  }
0x1a: {  	s8 =	sadd.s32 $0xFFFFE003, lr  }
0x1b: {  	s9 =	sadd.s32 $0xFFFFFEF7, lr;
	s5 =	simm.s32 $0xFFFFFFFF;
	p2 =	slt.u32 s8, $0xFFFFF086  }
0x1c: {  	p1 =	slt.u32 s9, $0xF7A;
	s5 =	simm.s32 @!p2 $0x0  }
0x1d: {  	s5 =	simm.s32 @p1 $0x1;
	p0 =	seq.s32 s7, s2  }
0x1e: {  	s7 =	smul.u32 @!p0 $0xF7A, s2;
	p2 =	seq.s32 @!p0 s5, $0x0  }
0x1f: {  	s9 =	smul.u32 $0xF7A, s1;
	s8 =	simm.s32 @!p0 $0x1BF5;
	p2 =	por !p2, p0  }
0x20: {  	[sflag:s8] =	ssyncset.s32 @!p0 $0xFFFFF086;
	s6 =	sadd.s32 @!p0 s3, s7;
	s7 =	simm.s32 @!p0 $0x108  }
0x21: {  	s3 =	sadd.s32 s3, s9;
	s6 =	sadd.s32 @!p0 $0x88, s6;
	s7 =	simm.s32 @p2 $0x1082  }
0x22: {  	[simem:s7], [sflag:s8] =	dma.local @!p0 [hbm:s6], $0xF7A  }
0x23: {  	s9 =	sor.u32 $0xD0000000, s2;
	s6 =	simm.s32 $0x108;
	_ =	swait.ge @!p0 [sflag:s8], $0x0  }
0x24: {  	s3 =	sadd.s32 $0x88, s3;
	s6 =	simm.s32 @!p1 $0x1082;
	[sflag:s4] =	ssyncset.s32 $0xFFFFF086  }
0x25: {  	[simem:s6], [sflag:s4] =	dma.local [hbm:s3], $0xF7A  }
0x26: {  	[smem:$0x3F9A] =	sst s1;
	(tag) =	ssettag s2;
	_ =	strace s9  }
0x27: {  	s1 =	sld [smem:$0x3FAA]  }
0x28: {  	s2 =	sld [smem:$0x3FAB]  }
0x29: {  	s4 =	sld [smem:$0x3FAD]  }
0x2a: {  	p0 =	seq.s32 s5, $0x0;
	s5 =	sld [smem:$0x3FAE]  }
0x2b: {  	s6 =	sld [smem:$0x3FAF]  }
0x2c: {  	s7 =	sld [smem:$0x3FB0]  }
0x2d: {  	s3 =	simm.s32 $0x108;
	s8 =	sld [smem:$0x3FB1]  }
0x2e: {  	s3 =	simm.s32 @!p0 $0x1082;
	s9 =	sld [smem:$0x3FB2]  }
0x2f: {  	lr =	sadd.s32 s0, s3;
	s0 =	sld [smem:$0x3FA9]  }
0x30: {  	s3 =	sld [smem:$0x3FAC]  }
0x31: {  	[smem:$0x3FB5] =	sst s10  }
0x32: {  	s10 =	sld [smem:$0x3FB3];
	_ =	sdelay $0x3  }
0x33: {  	p0 =	seq.s32 s10, $0x1;
	s10 =	sld [smem:$0x3FB5];
	_ =	sdelay $0x3  }
0x34: {  	[smem:$0x3FB5] =	sst s10  }
0x35: {  	s10 =	sld [smem:$0x3FB4];
	_ =	sdelay $0x3  }
0x36: {  	p1 =	seq.s32 s10, $0x1;
	s10 =	sld [smem:$0x3FB5];
	_ =	sdelay $0x3  }
0x37: {  	[smem:$0x3FB5] =	sst s10  }
0x38: {  	s10 =	sld [smem:$0x3FB6]  }
0x39: {  	_ = 	snop;
	(pc) =	sbr.ind lr, $3  }
0x3a: {  	_ = 	snop  }
0x3b: {  	_ = 	snop  }
0x3c: {  	p2 =	seq.s32 s10, $0x1;
	s10 =	sld [smem:$0x3FB5]  }
0x3d: {  	_ =	shalt  }
0x3e: {  	_ =	shalt  }
0x3f: {  	_ =	shalt  }
0x40: {  	_ =	shalt  }
0x41: {  	_ =	shalt  }
0x42: {  	_ =	shalt  }
0x43: {  	_ =	shalt  }
0x44: {  	_ =	shalt  }
0x45: {  	_ =	shalt  }
0x46: {  	_ =	shalt  }
0x47: {  	_ =	shalt  }
0x48: {  	_ =	shalt  }
0x49: {  	_ =	shalt  }
0x4a: {  	_ =	shalt  }
0x4b: {  	_ =	shalt  }
0x4c: {  	_ =	shalt  }
0x4d: {  	_ =	shalt  }
0x4e: {  	_ =	shalt  }
0x4f: {  	_ =	shalt  }
0x50: {  	_ =	shalt  }
0x51: {  	_ =	shalt  }
0x52: {  	_ =	shalt  }
0x53: {  	_ =	shalt  }
0x54: {  	_ =	shalt  }
0x55: {  	_ =	shalt  }
0x56: {  	_ =	shalt  }
0x57: {  	_ =	shalt  }
0x58: {  	_ =	shalt  }
0x59: {  	_ =	shalt  }
0x5a: {  	_ =	shalt  }
0x5b: {  	_ =	shalt  }
0x5c: {  	_ =	shalt  }
0x5d: {  	_ =	shalt  }
0x5e: {  	_ =	shalt  }
0x5f: {  	_ =	shalt  }
0x60: {  	_ =	shalt  }
0x61: {  	_ =	shalt  }
0x62: {  	_ =	shalt  }
0x63: {  	_ =	shalt  }
0x64: {  	_ =	shalt  }
0x65: {  	_ =	shalt  }
0x66: {  	_ =	shalt  }
0x67: {  	_ =	shalt  }
0x68: {  	_ =	shalt  }
0x69: {  	_ =	shalt  }
0x6a: {  	_ =	shalt  }
0x6b: {  	_ =	shalt  }
0x6c: {  	_ =	shalt  }
0x6d: {  	_ =	shalt  }
0x6e: {  	_ =	shalt  }
0x6f: {  	_ =	shalt  }
0x70: {  	_ =	shalt  }
0x71: {  	_ =	shalt  }
0x72: {  	_ =	shalt  }
0x73: {  	_ =	shalt  }
0x74: {  	_ =	shalt  }
0x75: {  	_ =	shalt  }
0x76: {  	_ =	shalt  }
0x77: {  	_ =	shalt  }
0x78: {  	_ =	shalt  }
0x79: {  	_ =	shalt  }
0x7a: {  	_ =	shalt  }
0x7b: {  	_ =	shalt  }
0x7c: {  	_ =	shalt  }
0x7d: {  	_ =	shalt  }
0x7e: {  	_ =	shalt  }
0x7f: {  	_ =	shalt  }
0x80: {  	_ =	shalt  }
0x81: {  	_ =	shalt  }
0x82: {  	_ =	shalt  }
0x83: {  	_ =	shalt  }
0x84: {  	_ =	shalt  }
0x85: {  	_ =	shalt  }
0x86: {  	_ =	shalt  }
0x87: {  	_ =	shalt  }
.Lfunc_end0:
.L_simem_size_0:
called_computation.1_lowered:
.L_overlay_start_0:
0x88: {  	s2 =	sld [smem:$0x3FD9]  }
0x89: {  	s3 =	sld [smem:$0x3FFE];
	_ =	sdelay $0x1  }
0x8a: {  	s1 =	srdreg.scid  }
0x8b: {  	s0 =	sand.u32 $0x1, s1  }
0x8c: {  	s17 =	sshll.u32 s0, $0xA;
	s2 =	sadd.s32 s3, s2  }
0x8d: {  	s2 =	sadd.s32 s2, s17  }
0x8e: {  	[smem:$0x3FC1] =	sst s2  }
0x8f: {  	_ = 	snop  }
0x90: {  	(tm) =	ssettm $0x1  }
0x91: {  	s18 =	sld [smem:$0x3FFB];
	_ =	sdelay $0x3  }
0x92: {  	_ =	strace s18  }
0x93: {  	s2 =	sld [smem:$0x3FFC];
	_ =	sdelay $0x3  }
0x94: {  	_ =	strace s2  }
0x95: {  	s2 =	sld [smem:$0x3FFD];
	_ =	sdelay $0x3  }
0x96: {  	_ =	strace s2  }
0x97: {  	_ =	strace $0x8FFFFFFF  }
0x98: {  	s19 =	sld [smem:$0x3FDB];
	_ =	sdelay $0x1  }
0x99: {  	s20 =	simm.s32 $_scs_section_size  }
0x9a: {  	s4 =	simm.s32 $_size__tile_overlayer_lowered;
	s5 =	simm.s32 $_tile_overlayer_lowered  }
0x9b: {  	s6 =	simm.s32 $0x1BFF;
	s21 =	sshll.u32 s5, $0x1;
	s3 =	sadd.s32 s20, s19  }
0x9c: {  	s22 =	simm.s32 $0x0;
	s4 =	sshll.u32 s4, $0x1;
	s5 =	sadd.s32 s21, s3  }
0x9d: {  	[timem:s22], [sflag:s6] =	dma.local [hbm:s5], s4  }
0x9e: {  	_ =	swait.ge [sflag:s6], s4  }
0x9f: {  	s4 =	ssub.s32 $0x0, s4;
	[sflag:s6] =	ssyncset.done $0x0  }
0xa0: {  	[sflag:s6] =	ssyncadd.s32 s4;
	_ =	sdelay $0x1  }
0xa1: {  	s23 =	simm.s32 $0x1B8B  }
0xa2: {  	_ =	swait.ge [sflag:s23], $0x1  }
0xa3: {  	[sflag:s23] =	ssyncset.done $0x0  }
0xa4: {  	[sflag:s23] =	ssyncadd.s32 $0xFFFFFFFF  }
0xa5: {  	s4 =	sld [smem:$0x0]  }
0xa6: {  	s5 =	sand.u32 $0xFFFFFFFE, s1  }
0xa7: {  	p0 =	sne.s32 s1, s5  }
0xa8: {  	s5 =	sshll.u32 @p0 s5, $0xE  }
0xa9: {  	s5 =	sadd.s32 @p0 $0x11B8D, s5;
	s6 =	sshll.u32 @p0 s4, $0x11  }
0xaa: {  	s5 =	sor.u32 @p0 s6, s5  }
0xab: {  	[sflag:s5] =	ssyncadd.remote.s32 @p0 $0x1;
	_ =	sdelay $0x1  }
0xac: {  	s5 =	simm.s32 @p0 $0x1B8D  }
0xad: {  	_ =	swait.eq @p0 [sflag:s5], $0x1  }
0xae: {  	[sflag:s5] =	ssyncadd.s32 @p0 $0xFFFFFFFF  }
0xaf: {  	s6 =	sshll.u32 @!p0 s1, $0xE  }
0xb0: {  	s6 =	sor.u32 @!p0 $0x4000, s6;
	s5 =	simm.s32 @!p0 $0x1B8D  }
0xb1: {  	s4 =	sshll.u32 @!p0 s4, $0x11;
	s6 =	sadd.s32 @!p0 $0x11B8D, s6;
	_ =	swait.eq @!p0 [sflag:s5], $0x1  }
0xb2: {  	s4 =	sor.u32 @!p0 s4, s6;
	[sflag:s5] =	ssyncadd.s32 @!p0 $0xFFFFFFFF  }
0xb3: {  	s25 =	simm.s32 $0x1B8E;
	s24 =	sld [smem:$0x3FFE];
	[sflag:s4] =	ssyncadd.remote.s32 @!p0 $0x1  }
0xb4: {  	s26 =	simm.s32 $execute0_lowered;
	[smem:$0x3FD2] =	sst s25  }
0xb5: {  	s5 =	sshll.u32 s26, $0x1;
	_ =	strace $0x80000049;
	[dreg:$0x1] =	wrdreg $0xFFFFFFFF  }
0xb6: {  	s28 =	simm.s32 $_size_execute0_lowered;
	s3 =	sadd.s32 s3, s5;
	[dreg:$0x0] =	wrdreg $0x0  }
0xb7: {  	s5 =	sshll.u32 s28, $0x1;
	[dreg:$0x2] =	wrdreg s3  }
0xb8: {  	[dreg:$0x3] =	wrdreg s5  }
0xb9: {  	[dreg:$0x4] =	wrdreg $0xC0  }
0xba: {  	_ =	task [dreg:s22], $0x5FFFF  }
0xbb: {  	[dreg:$0x1] =	wrdreg $0xFFFFFFFF  }
0xbc: {  	[dreg:$0x0] =	wrdreg $0x60  }
0xbd: {  	[dreg:$0x2] =	wrdreg s24  }
0xbe: {  	[dreg:$0x3] =	wrdreg $0x20800  }
0xbf: {  	[dreg:$0x4] =	wrdreg $0xA  }
0xc0: {  	_ =	task.clear_ibuf [dreg:s22], $0x5FFFF;
	_ =	strace $0x90000049  }
0xc1: {  	s29 =	simm.s32 $0xA;
	_ =	strace $0x8000004B  }
0xc2: {  	_ =	swait.ge [sflag:s29], $0x1  }
0xc3: {  	[sflag:s29] =	ssyncadd.s32 $0xFFFFFFFF  }
0xc4: {  	_ =	strace $0x9000004B  }
0xc5: {  	_ =	sfence  }
0xc6: {  	s30 =	sld [smem:$0x0];
	_ =	sdelay $0x2  }
0xc7: {  	s31 =	sshll.u32 s1, $0xD;
	s1 =	sshrl.u32 s1, $0x2  }
0xc8: {  	s4 =	sand.u32 $0x4000, s31;
	s1 =	sadd.s32 s1, s30  }
0xc9: {  	s0 =	sor.u32 s4, s0;
	s1 =	sshll.u32 s1, $0x11  }
0xca: {  	s0 =	sor.u32 s1, s0  }
0xcb: {  	s0 =	sadd.s32 $0x8F2B, s0  }
0xcc: {  	[sflag:s0] =	ssyncadd.remote.s32 $0x1  }
0xcd: {  	_ =	sfence.sel $0xFFFF  }
0xce: {  	[dreg:$0x0] =	wrdreg $0xFFFFFFFF;
	(pc) =	sbr.abs _section_cstart, $3  }
0xcf: {  	[dreg:$0x1] =	wrdreg $0xFFFFFFFF  }
0xd0: {  	_ =	task.clear_ibuf [dreg:s22], $0x2FFFF;
	_ =	strace $0x9FFFFFFF  }
0xd1: {  	(tm) =	ssettm $0x7FFFFFFF  }
tec
execute0_lowered:
.L_overlay_start_1:
0x0: {  	(tag) =	ssettag $0x1  }
0x1: {  	s0 =	srdreg.scid  }
0x2: {  	s10 =	rddreg [dreg:$0x0];
	s1 =	simm.s32 $0x0;
	s5 =	stileid.u32  }
0x3: {  	s28 =	simm.s32 $0x80;
	s29 =	simm.s32 $0x1;
	s30 =	simm.s32 $0x40  }
0x4: {  	s31 =	simm.s32 $0x0;
	s0 =	sand.u32 $0x1, s0;
	[smem:$0x7FF] =	sst s1  }
0x5: {  	s4 =	smul.u32 $0x14000, s5;
	s13 =	sadd.s32 $0x8EE00, s10;
	s6 =	sshll.u32 s5, $0x1  }
0x6: {  	s14 =	smul.u32 $0x50000, s5;
	s2 =	ssub.s32 $0x2, s0;
	s25 =	sor.u32 s0, s6  }
0x7: {  	s0 =	smul.u32 $0x140000, s0;
	s3 =	sshrl.u32 s2, $0x1;
	s16 =	sor.u32 $0x2000, s4  }
0x8: {  	s17 =	sadd.s32 $0x4000, s4;
	s18 =	sadd.s32 $0x6000, s4;
	s19 =	sadd.s32 $0x8000, s4  }
0x9: {  	s20 =	sadd.s32 $0xA000, s4;
	s21 =	sadd.s32 $0xC000, s4;
	s22 =	sadd.s32 $0xE000, s4  }
0xa: {  	s23 =	sadd.s32 $0x10000, s4;
	s24 =	sadd.s32 $0x12000, s4;
	s15 =	sshrl.u32 s14, $0x2  }
0xb: {  	s14 =	sadd.s32 $0x2E00, s10;
	s25 =	smul.u32 $0x5000, s25;
	s26 =	ssub.s32 s2, s3  }
0xc: {  	s7 =	sadd.s32 s4, s0;
	s8 =	sadd.s32 s0, s16;
	s9 =	sadd.s32 s0, s17  }
0xd: {  	s12 =	sadd.s32 s0, s18;
	s6 =	sadd.s32 s0, s19;
	s2 =	sshrl.u32 s7, $0x3  }
0xe: {  	s3 =	sshrl.u32 s8, $0x3;
	s4 =	sshrl.u32 s9, $0x3;
	s5 =	sshrl.u32 s12, $0x3  }
0xf: {  	s6 =	sshrl.u32 s6, $0x3;
	s7 =	sadd.s32 s0, s20;
	s8 =	sadd.s32 s0, s21  }
0x10: {  	s9 =	sadd.s32 s0, s22;
	s12 =	rddreg [dreg:$0x1];
	s26 =	smax.u32 s26, $0x1  }
0x11: {  	s2 =	sadd.s32 s13, s2;
	s11 =	sadd.s32 s13, s3;
	s4 =	sadd.s32 s13, s4  }
0x12: {  	s5 =	sadd.s32 s13, s5;
	s6 =	sadd.s32 s13, s6;
	s7 =	sshrl.u32 s7, $0x3  }
0x13: {  	s8 =	sshrl.u32 s8, $0x3;
	s9 =	sshrl.u32 s9, $0x3;
	s15 =	sadd.s32 s15, s12  }
0x14: {  	s16 =	sadd.s32 s16, s12;
	s17 =	sadd.s32 s17, s12;
	s18 =	sadd.s32 s18, s12  }
0x15: {  	s19 =	sadd.s32 s19, s12;
	s20 =	sadd.s32 s20, s12;
	[dreg:$0x3] =	wrdreg s2  }
0x16: {  	s21 =	sadd.s32 s21, s12;
	s22 =	sadd.s32 s22, s12;
	[dreg:$0x4] =	wrdreg s11  }
0x17: {  	s7 =	sadd.s32 s13, s7;
	s8 =	sadd.s32 s13, s8;
	s11 =	sadd.s32 s0, s23  }
0x18: {  	s9 =	sadd.s32 s13, s9;
	s0 =	sadd.s32 s0, s24;
	s23 =	sadd.s32 s23, s12  }
0x19: {  	vm0 =	vcmask $0x300;
	v0 =	vimm.f32 $0.0e+00;
	s24 =	sadd.s32 s24, s12;
	s11 =	sshrl.u32 s11, $0x3;
	s0 =	sshrl.u32 s0, $0x3  }
0x1a: {  	v1 =	vsel vm0, $0x3F800000, v0;
	_ =	strace $0x8000004A;
	s11 =	sadd.s32 s13, s11;
	s13 =	sadd.s32 s13, s0  }
.LBB2_1:
0x1b: {  	s10 =	simm.s32 $0x0;
	s0 =	simm.s32 $0x200  }
.LBB2_2:
0x1c: {  	p0 =	sne.s32 s0, $0x7E00;
	[tilespmem:s10+$0xF0] =	vst v0  }
0x1d: {  	[tilespmem:s10+$0x80] =	vst v1  }
0x1e: {  	[tilespmem:s10+$0x90] =	vst v0  }
.Ltmp0:
0x1f: {  	[tilespmem:s10+$0xA0] =	vst v0;
	(pc) =	sbr.rel @p0 .LBB2_2-.Ltmp0, $4  }
0x20: {  	[tilespmem:s10+$0xB0] =	vst v0  }
0x21: {  	[tilespmem:s10+$0xC0] =	vst v0  }
0x22: {  	[tilespmem:s10+$0xD0] =	vst v0  }
0x23: {  	[tilespmem:s10+$0xE0] =	vst v0;
	s10 =	sshra.s32 s0, $0x2;
	s0 =	sadd.s32 $0x200, s0  }
0x24: {  	[tilespmem:s10+$0xF0] =	vst v0  }
0x25: {  	[tilespmem:s10+$0x80] =	vst v1  }
0x26: {  	[tilespmem:s10+$0x90] =	vst v0  }
0x27: {  	[tilespmem:s10+$0xA0] =	vst v0  }
0x28: {  	[tilespmem:s10+$0xB0] =	vst v0  }
0x29: {  	[tilespmem:s10+$0xC0] =	vst v0  }
0x2a: {  	[tilespmem:s10+$0xD0] =	vst v0  }
0x2b: {  	[tilespmem:s10+$0xE0] =	vst v0;
	s0 =	simm.s32 $0x200;
	s10 =	simm.s32 $0x0  }
.LBB2_4:
0x2c: {  	p0 =	sne.s32 s0, $0x7E00;
	[tilespmem:s10+$0x80] =	vst v0;
	s10 =	smov.u32 s0;
	s0 =	sadd.s32 $0x200, s0  }
.Ltmp1:
0x2d: {  	(pc) =	sbr.rel @p0 .LBB2_4-.Ltmp1, $2  }
0x2e: {  	_ =	sdelay $0x2  }
0x2f: {  	s10 =	sshra.s32 s10, $0x2  }
0x30: {  	[tilespmem:s10+$0x80] =	vst v0  }
0x31: {  	[spmem:s15] =	stream.linear.scatter [tilespmem:s28], [sflag:$0x1], $0x2000, $0x38;
	[tilespmem:$0x16080] =	vst v63  }
0x32: {  	_ =	swait.ge [sflag:s29], $0x2000  }
0x33: {  	[sflag:s29] =	ssyncset.done $0x0  }
0x34: {  	[sflag:s29] =	ssyncadd.s32 $0xFFFFE000  }
0x35: {  	[spmem:s16] =	stream.linear.scatter [tilespmem:s28], [sflag:$0x1], $0x2000, $0x38;
	[tilespmem:$0x16080] =	vst v63  }
0x36: {  	_ =	swait.ge [sflag:s29], $0x2000  }
0x37: {  	[sflag:s29] =	ssyncset.done $0x0  }
0x38: {  	[sflag:s29] =	ssyncadd.s32 $0xFFFFE000  }
0x39: {  	[spmem:s17] =	stream.linear.scatter [tilespmem:s28], [sflag:$0x1], $0x2000, $0x38;
	[tilespmem:$0x16080] =	vst v63  }
0x3a: {  	_ =	swait.ge [sflag:s29], $0x2000  }
0x3b: {  	[sflag:s29] =	ssyncset.done $0x0  }
0x3c: {  	[sflag:s29] =	ssyncadd.s32 $0xFFFFE000  }
0x3d: {  	[spmem:s18] =	stream.linear.scatter [tilespmem:s28], [sflag:$0x1], $0x2000, $0x38;
	[tilespmem:$0x16080] =	vst v63  }
0x3e: {  	_ =	swait.ge [sflag:s29], $0x2000  }
0x3f: {  	[sflag:s29] =	ssyncset.done $0x0  }
0x40: {  	[sflag:s29] =	ssyncadd.s32 $0xFFFFE000  }
0x41: {  	[spmem:s19] =	stream.linear.scatter [tilespmem:s28], [sflag:$0x1], $0x2000, $0x38;
	[tilespmem:$0x16080] =	vst v63  }
0x42: {  	_ =	swait.ge [sflag:s29], $0x2000  }
0x43: {  	[sflag:s29] =	ssyncset.done $0x0  }
0x44: {  	[sflag:s29] =	ssyncadd.s32 $0xFFFFE000  }
0x45: {  	[spmem:s20] =	stream.linear.scatter [tilespmem:s28], [sflag:$0x1], $0x2000, $0x38;
	[tilespmem:$0x16080] =	vst v63  }
0x46: {  	_ =	swait.ge [sflag:s29], $0x2000  }
0x47: {  	[sflag:s29] =	ssyncset.done $0x0  }
0x48: {  	[sflag:s29] =	ssyncadd.s32 $0xFFFFE000  }
0x49: {  	[spmem:s21] =	stream.linear.scatter [tilespmem:s28], [sflag:$0x1], $0x2000, $0x38;
	[tilespmem:$0x16080] =	vst v63  }
0x4a: {  	_ =	swait.ge [sflag:s29], $0x2000  }
0x4b: {  	[sflag:s29] =	ssyncset.done $0x0  }
0x4c: {  	[sflag:s29] =	ssyncadd.s32 $0xFFFFE000  }
0x4d: {  	[spmem:s22] =	stream.linear.scatter [tilespmem:s28], [sflag:$0x1], $0x2000, $0x38;
	[tilespmem:$0x16080] =	vst v63  }
0x4e: {  	_ =	swait.ge [sflag:s29], $0x2000  }
0x4f: {  	[sflag:s29] =	ssyncset.done $0x0  }
0x50: {  	[sflag:s29] =	ssyncadd.s32 $0xFFFFE000  }
0x51: {  	[spmem:s23] =	stream.linear.scatter [tilespmem:s28], [sflag:$0x1], $0x2000, $0x38;
	[tilespmem:$0x16080] =	vst v63  }
0x52: {  	_ =	swait.ge [sflag:s29], $0x2000  }
0x53: {  	[sflag:s29] =	ssyncset.done $0x0  }
0x54: {  	[sflag:s29] =	ssyncadd.s32 $0xFFFFE000  }
0x55: {  	[spmem:s24] =	stream.linear.scatter [tilespmem:s28], [sflag:$0x1], $0x2000, $0x38;
	[tilespmem:$0x16080] =	vst v63  }
0x56: {  	_ =	swait.ge [sflag:s29], $0x2000  }
0x57: {  	[sflag:s29] =	ssyncset.done $0x0  }
0x58: {  	s0 =	simm.s32 $0x200;
	s10 =	simm.s32 $0x0;
	[sflag:s29] =	ssyncadd.s32 $0xFFFFE000  }
.LBB2_6:
0x59: {  	p0 =	sne.s32 s0, $0x7E00;
	[tilespmem:s10+$0x80] =	vst v1;
	s10 =	smov.u32 s0;
	s0 =	sadd.s32 $0x200, s0  }
.Ltmp2:
0x5a: {  	(pc) =	sbr.rel @p0 .LBB2_6-.Ltmp2, $2  }
0x5b: {  	_ =	sdelay $0x2  }
0x5c: {  	s10 =	sshra.s32 s10, $0x2  }
0x5d: {  	s0 =	simm.s32 $0x0  }
0x5e: {  	s2 =	sand.u32 $0x7C00, s0  }
0x5f: {  	s0 =	sand.u32 $0x380, s0;
	s2 =	sadd.s32 s25, s2  }
0x60: {  	s0 =	sor.u32 s0, s2  }
0x61: {  	[tilespmem:s10+$0x80] =	vst v1;
	s0 =	sshrl.u32 s0, $0x3  }
0x62: {  	[bflag:$0x0] =	sbarrier.arrive $0xFFFF;
	s0 =	sadd.s32 s14, s0  }
0x63: {  	[tilespmem:s1], [sflag:$0x1] =	stream.linear.gather [hbm4b:s0+s1], $0x80, $0x38;
	[tilespmem:$0x16080] =	vst v63  }
0x64: {  	_ =	swait.ge [sflag:s29], $0x80  }
0x65: {  	s3 =	simm.s32 $0x80;
	[sflag:s29] =	ssyncset.done $0x0  }
0x66: {  	s10 =	sand.u32 $0x7C00, s3;
	[sflag:s29] =	ssyncadd.s32 $0xFFFFFF80  }
0x67: {  	[spmem:s12] =	stream.indirect.scatter.add.f32 [tilespmem:s28], [sflag:$0x1], $0x80, s1, s30, $0xb8;
	[tilespmem:$0x16080] =	vst v63  }
0x68: {  	s3 =	sand.u32 $0x380, s3;
	s2 =	sadd.s32 s25, s10;
	_ =	swait.ge [sflag:s29], $0x2000  }
0x69: {  	s10 =	sor.u32 s3, s2;
	s0 =	simm.s32 $0x100;
	[sflag:s29] =	ssyncset.done $0x0  }
.LBB2_8:
0x6a: {  	s2 =	sshrl.u32 s10, $0x3  }
0x6b: {  	[sflag:s29] =	ssyncadd.s32 $0xFFFFE000;
	s10 =	smov.u32 s0;
	s3 =	sadd.s32 $0x80, s0  }
0x6c: {  	p0 =	sne.s32 s0, $0x4E00;
	s0 =	sadd.s32 s14, s2  }
0x6d: {  	[tilespmem:s1], [sflag:$0x1] =	stream.linear.gather [hbm4b:s0+s1], $0x80, $0x38;
	[tilespmem:$0x16080] =	vst v63  }
0x6e: {  	_ =	swait.ge [sflag:s29], $0x80  }
.Ltmp3:
0x6f: {  	[sflag:s29] =	ssyncset.done $0x0;
	(pc) =	sbr.rel @p0 .LBB2_8-.Ltmp3, $4  }
0x70: {  	s0 =	sand.u32 $0x7C00, s10;
	[sflag:s29] =	ssyncadd.s32 $0xFFFFFF80  }
0x71: {  	[spmem:s12] =	stream.indirect.scatter.add.f32 [tilespmem:s28], [sflag:$0x1], $0x80, s1, s30, $0xb8;
	[tilespmem:$0x16080] =	vst v63  }
0x72: {  	s2 =	sand.u32 $0x380, s10;
	s0 =	sadd.s32 s25, s0;
	_ =	swait.ge [sflag:s29], $0x2000  }
0x73: {  	s10 =	sor.u32 s2, s0;
	s0 =	smov.u32 s3;
	[sflag:s29] =	ssyncset.done $0x0  }
0x74: {  	s0 =	sshrl.u32 s10, $0x3  }
0x75: {  	[sflag:s29] =	ssyncadd.s32 $0xFFFFE000;
	s0 =	sadd.s32 s14, s0  }
0x76: {  	[tilespmem:s1], [sflag:$0x1] =	stream.linear.gather [hbm4b:s0+s1], $0x80, $0x38;
	[tilespmem:$0x16080] =	vst v63  }
0x77: {  	_ =	swait.ge [sflag:s29], $0x80  }
0x78: {  	[sflag:s29] =	ssyncset.done $0x0  }
0x79: {  	[sflag:s29] =	ssyncadd.s32 $0xFFFFFF80  }
0x7a: {  	[spmem:s12] =	stream.indirect.scatter.add.f32 [tilespmem:s28], [sflag:$0x1], $0x80, s1, s30, $0xb8;
	[tilespmem:$0x16080] =	vst v63  }
0x7b: {  	_ =	swait.ge [sflag:s29], $0x2000  }
0x7c: {  	[sflag:s29] =	ssyncset.done $0x0  }
0x7d: {  	[sflag:s29] =	ssyncadd.s32 $0xFFFFE000  }
0x7e: {  	[bflag:$0x0] =	sbarrier.arrive $0xFFFF  }
0x7f: {  	[tilespmem:s28], [sflag:$0x1] =	stream.linear.gather [spmem:s15], $0x2000, $0x38;
	[tilespmem:$0x16080] =	vst v63  }
0x80: {  	_ =	swait.ge [sflag:s29], $0x2000  }
0x81: {  	[sflag:s29] =	ssyncset.done $0x0  }
0x82: {  	s3 =	rddreg [dreg:$0x3];
	[sflag:s29] =	ssyncadd.s32 $0xFFFFE000  }
0x83: {  	[hbm4b:s3+s1] =	stream.linear.scatter [tilespmem:s28], [sflag:$0x1], $0x2000, $0x38;
	[tilespmem:$0x16080] =	vst v63  }
0x84: {  	_ =	swait.ge [sflag:s29], $0x2000  }
0x85: {  	[sflag:s29] =	ssyncset.done $0x0  }
0x86: {  	[sflag:s29] =	ssyncadd.s32 $0xFFFFE000  }
0x87: {  	[tilespmem:s28], [sflag:$0x1] =	stream.linear.gather [spmem:s16], $0x2000, $0x38;
	[tilespmem:$0x16080] =	vst v63  }
0x88: {  	_ =	swait.ge [sflag:s29], $0x2000  }
0x89: {  	[sflag:s29] =	ssyncset.done $0x0  }
0x8a: {  	s10 =	rddreg [dreg:$0x4];
	[sflag:s29] =	ssyncadd.s32 $0xFFFFE000  }
0x8b: {  	[hbm4b:s10+s1] =	stream.linear.scatter [tilespmem:s28], [sflag:$0x1], $0x2000, $0x38;
	[tilespmem:$0x16080] =	vst v63  }
0x8c: {  	_ =	swait.ge [sflag:s29], $0x2000  }
0x8d: {  	[sflag:s29] =	ssyncset.done $0x0  }
0x8e: {  	[sflag:s29] =	ssyncadd.s32 $0xFFFFE000  }
0x8f: {  	[tilespmem:s28], [sflag:$0x1] =	stream.linear.gather [spmem:s17], $0x2000, $0x38;
	[tilespmem:$0x16080] =	vst v63  }
0x90: {  	_ =	swait.ge [sflag:s29], $0x2000  }
0x91: {  	[sflag:s29] =	ssyncset.done $0x0  }
0x92: {  	[sflag:s29] =	ssyncadd.s32 $0xFFFFE000  }
0x93: {  	[hbm4b:s4+s1] =	stream.linear.scatter [tilespmem:s28], [sflag:$0x1], $0x2000, $0x38;
	[tilespmem:$0x16080] =	vst v63  }
0x94: {  	_ =	swait.ge [sflag:s29], $0x2000  }
0x95: {  	[sflag:s29] =	ssyncset.done $0x0  }
0x96: {  	[sflag:s29] =	ssyncadd.s32 $0xFFFFE000  }
0x97: {  	[tilespmem:s28], [sflag:$0x1] =	stream.linear.gather [spmem:s18], $0x2000, $0x38;
	[tilespmem:$0x16080] =	vst v63  }
0x98: {  	_ =	swait.ge [sflag:s29], $0x2000  }
0x99: {  	[sflag:s29] =	ssyncset.done $0x0  }
0x9a: {  	[sflag:s29] =	ssyncadd.s32 $0xFFFFE000  }
0x9b: {  	[hbm4b:s5+s1] =	stream.linear.scatter [tilespmem:s28], [sflag:$0x1], $0x2000, $0x38;
	[tilespmem:$0x16080] =	vst v63  }
0x9c: {  	_ =	swait.ge [sflag:s29], $0x2000  }
0x9d: {  	[sflag:s29] =	ssyncset.done $0x0  }
0x9e: {  	[sflag:s29] =	ssyncadd.s32 $0xFFFFE000  }
0x9f: {  	[tilespmem:s28], [sflag:$0x1] =	stream.linear.gather [spmem:s19], $0x2000, $0x38;
	[tilespmem:$0x16080] =	vst v63  }
0xa0: {  	_ =	swait.ge [sflag:s29], $0x2000  }
0xa1: {  	[sflag:s29] =	ssyncset.done $0x0  }
0xa2: {  	[sflag:s29] =	ssyncadd.s32 $0xFFFFE000  }
0xa3: {  	[hbm4b:s6+s1] =	stream.linear.scatter [tilespmem:s28], [sflag:$0x1], $0x2000, $0x38;
	[tilespmem:$0x16080] =	vst v63  }
0xa4: {  	_ =	swait.ge [sflag:s29], $0x2000  }
0xa5: {  	[sflag:s29] =	ssyncset.done $0x0  }
0xa6: {  	[sflag:s29] =	ssyncadd.s32 $0xFFFFE000  }
0xa7: {  	[tilespmem:s28], [sflag:$0x1] =	stream.linear.gather [spmem:s20], $0x2000, $0x38;
	[tilespmem:$0x16080] =	vst v63  }
0xa8: {  	_ =	swait.ge [sflag:s29], $0x2000  }
0xa9: {  	[sflag:s29] =	ssyncset.done $0x0  }
0xaa: {  	[sflag:s29] =	ssyncadd.s32 $0xFFFFE000  }
0xab: {  	[hbm4b:s7+s1] =	stream.linear.scatter [tilespmem:s28], [sflag:$0x1], $0x2000, $0x38;
	[tilespmem:$0x16080] =	vst v63  }
0xac: {  	_ =	swait.ge [sflag:s29], $0x2000  }
0xad: {  	[sflag:s29] =	ssyncset.done $0x0  }
0xae: {  	[sflag:s29] =	ssyncadd.s32 $0xFFFFE000  }
0xaf: {  	[tilespmem:s28], [sflag:$0x1] =	stream.linear.gather [spmem:s21], $0x2000, $0x38;
	[tilespmem:$0x16080] =	vst v63  }
0xb0: {  	_ =	swait.ge [sflag:s29], $0x2000  }
0xb1: {  	[sflag:s29] =	ssyncset.done $0x0  }
0xb2: {  	[sflag:s29] =	ssyncadd.s32 $0xFFFFE000  }
0xb3: {  	[hbm4b:s8+s1] =	stream.linear.scatter [tilespmem:s28], [sflag:$0x1], $0x2000, $0x38;
	[tilespmem:$0x16080] =	vst v63  }
0xb4: {  	_ =	swait.ge [sflag:s29], $0x2000  }
0xb5: {  	[sflag:s29] =	ssyncset.done $0x0  }
0xb6: {  	[sflag:s29] =	ssyncadd.s32 $0xFFFFE000  }
0xb7: {  	[tilespmem:s28], [sflag:$0x1] =	stream.linear.gather [spmem:s22], $0x2000, $0x38;
	[tilespmem:$0x16080] =	vst v63  }
0xb8: {  	_ =	swait.ge [sflag:s29], $0x2000  }
0xb9: {  	[sflag:s29] =	ssyncset.done $0x0  }
0xba: {  	[sflag:s29] =	ssyncadd.s32 $0xFFFFE000  }
0xbb: {  	[hbm4b:s9+s1] =	stream.linear.scatter [tilespmem:s28], [sflag:$0x1], $0x2000, $0x38;
	[tilespmem:$0x16080] =	vst v63  }
0xbc: {  	_ =	swait.ge [sflag:s29], $0x2000  }
0xbd: {  	[sflag:s29] =	ssyncset.done $0x0  }
0xbe: {  	[sflag:s29] =	ssyncadd.s32 $0xFFFFE000  }
0xbf: {  	[tilespmem:s28], [sflag:$0x1] =	stream.linear.gather [spmem:s23], $0x2000, $0x38;
	[tilespmem:$0x16080] =	vst v63  }
0xc0: {  	_ =	swait.ge [sflag:s29], $0x2000  }
0xc1: {  	[sflag:s29] =	ssyncset.done $0x0  }
0xc2: {  	[sflag:s29] =	ssyncadd.s32 $0xFFFFE000  }
0xc3: {  	[hbm4b:s11+s1] =	stream.linear.scatter [tilespmem:s28], [sflag:$0x1], $0x2000, $0x38;
	[tilespmem:$0x16080] =	vst v63  }
0xc4: {  	_ =	swait.ge [sflag:s29], $0x2000  }
0xc5: {  	[sflag:s29] =	ssyncset.done $0x0  }
0xc6: {  	[sflag:s29] =	ssyncadd.s32 $0xFFFFE000  }
0xc7: {  	[tilespmem:s28], [sflag:$0x1] =	stream.linear.gather [spmem:s24], $0x2000, $0x38;
	[tilespmem:$0x16080] =	vst v63  }
0xc8: {  	s31 =	sadd.s32 $0x1, s31;
	_ =	swait.ge [sflag:s29], $0x2000  }
0xc9: {  	p0 =	sne.s32 s31, s26;
	[sflag:s29] =	ssyncset.done $0x0  }
.Ltmp4:
0xca: {  	[sflag:s29] =	ssyncadd.s32 $0xFFFFE000;
	(pc) =	sbr.rel @p0 .LBB2_1-.Ltmp4, $4  }
0xcb: {  	[hbm4b:s13+s1] =	stream.linear.scatter [tilespmem:s28], [sflag:$0x1], $0x2000, $0x38;
	[tilespmem:$0x16080] =	vst v63  }
0xcc: {  	_ =	swait.ge [sflag:s29], $0x2000  }
0xcd: {  	[sflag:s29] =	ssyncset.done $0x0  }
0xce: {  	[sflag:s29] =	ssyncadd.s32 $0xFFFFE000  }
0xcf: {  	_ =	sfence.sel $0x180000  }
0xd0: {  	[bflag:$0x0] =	sbarrier.arrive $0xFFFF  }
0xd1: {  	_ =	strace $0x9000004A  }
0xd2: {  	s0 =	stileid.u32;
	[bflag:$0x2] =	sbarrier.arrive $0xFFFF  }
0xd3: {  	p0 =	sne.s32 s0, $0x0;
	s0 =	rddreg [dreg:$0x2]  }
0xd4: {  	s0 =	sadd.s32 @!p0 $0x100000, s0  }
0xd5: {  	[sflag:s0] =	ssyncadd.tile.s32 @!p0 $0x1;
	_ =	shalt  }
.Lfunc_end2:
_tile_overlayer_lowered:
.L_overlay_start_2:
0xd6: {  	(tag) =	ssettag $0x2  }
0xd7: {  	s0 =	rddreg [dreg:$0x0];
	s2 =	stileid.u32  }
0xd8: {  	s1 =	rddreg [dreg:$0x1];
	p0 =	sne.s32 s2, $0x0  }
0xd9: {  	s3 =	rddreg [dreg:$0x2];
	[bflag:$0x3] =	sbarrier.arrive $0xFFFF;
	s2 =	simm.s32 @!p0 $0x1C01  }
0xda: {  	[timem:s3], [sflag:s2] =	dma.local @!p0 [hbm:s0], s1  }
0xdb: {  	s0 =	simm.s32 @!p0 $0x1  }
0xdc: {  	_ =	swait.ge @!p0 [sflag:s0], s1  }
0xdd: {  	s1 =	ssub.s32 @!p0 $0x0, s1;
	[sflag:s0] =	ssyncset.done @!p0 $0x0  }
0xde: {  	[sflag:s0] =	ssyncadd.s32 @!p0 s1  }
0xdf: {  	[bflag:$0x3] =	sbarrier.arrive $0xFFFF  }
0xe0: {  	_ =	shalt  }

// kernel: kernel.7.cloned.1.call-start
scs
__scs_entry_jumppad:
0x0: {  	(pc) =	sbr.rel $0x88, $3  }
0x1: {  	(tag) =	ssettag $0x0;
	lr =	simm.s32 $0x1  }
0x2: {  	[smem:$0x3F9A] =	sst lr;
	_ =	strace $0xD0000000  }
0x3: {  	_ = 	snop  }
0x4: {  	_ = 	snop  }
0x5: {  	_ = 	snop  }
0x6: {  	_ = 	snop  }
0x7: {  	_ = 	snop  }
__scs_overlays_trampoline_lowered:
0x8: {  	[smem:$0x3FA9] =	sst s0  }
0x9: {  	[smem:$0x3FAA] =	sst s1  }
0xa: {  	[smem:$0x3FAB] =	sst s2  }
0xb: {  	[smem:$0x3FAC] =	sst s3  }
0xc: {  	[smem:$0x3FAD] =	sst s4  }
0xd: {  	[smem:$0x3FAE] =	sst s5  }
0xe: {  	[smem:$0x3FAF] =	sst s6  }
0xf: {  	[smem:$0x3FB0] =	sst s7  }
0x10: {  	[smem:$0x3FB1] =	sst s8  }
0x11: {  	[smem:$0x3FB2] =	sst s9;
	s0 =	simm.s32 @!p0 $0x0  }
0x12: {  	s1 =	sld [smem:$0x3F98];
	s0 =	simm.s32 @p0 $0x1  }
0x13: {  	[smem:$0x3FB3] =	sst s0;
	s0 =	simm.s32 @!p1 $0x0  }
0x14: {  	s2 =	sld [smem:$0x3F97];
	s0 =	simm.s32 @p1 $0x1  }
0x15: {  	[smem:$0x3FB4] =	sst s0;
	s0 =	simm.s32 @!p2 $0x0  }
0x16: {  	s3 =	sld [smem:$0x3FDB];
	s0 =	simm.s32 @p2 $0x1  }
0x17: {  	s4 =	simm.s32 $0x1BF5;
	[smem:$0x3FB6] =	sst s0  }
0x18: {  	s0 =	sld [smem:$0x3F99];
	_ =	swait.ge [sflag:s4], $0x0  }
0x19: {  	s7 =	sld [smem:$0x3F9A]  }
0x1a: {  	s8 =	sadd.s32 $0xFFFFE003, lr  }
0x1b: {  	s9 =	sadd.s32 $0xFFFFFEF7, lr;
	s5 =	simm.s32 $0xFFFFFFFF;
	p2 =	slt.u32 s8, $0xFFFFF086  }
0x1c: {  	p1 =	slt.u32 s9, $0xF7A;
	s5 =	simm.s32 @!p2 $0x0  }
0x1d: {  	s5 =	simm.s32 @p1 $0x1;
	p0 =	seq.s32 s7, s2  }
0x1e: {  	s7 =	smul.u32 @!p0 $0xF7A, s2;
	p2 =	seq.s32 @!p0 s5, $0x0  }
0x1f: {  	s9 =	smul.u32 $0xF7A, s1;
	s8 =	simm.s32 @!p0 $0x1BF5;
	p2 =	por !p2, p0  }
0x20: {  	[sflag:s8] =	ssyncset.s32 @!p0 $0xFFFFF086;
	s6 =	sadd.s32 @!p0 s3, s7;
	s7 =	simm.s32 @!p0 $0x108  }
0x21: {  	s3 =	sadd.s32 s3, s9;
	s6 =	sadd.s32 @!p0 $0x88, s6;
	s7 =	simm.s32 @p2 $0x1082  }
0x22: {  	[simem:s7], [sflag:s8] =	dma.local @!p0 [hbm:s6], $0xF7A  }
0x23: {  	s9 =	sor.u32 $0xD0000000, s2;
	s6 =	simm.s32 $0x108;
	_ =	swait.ge @!p0 [sflag:s8], $0x0  }
0x24: {  	s3 =	sadd.s32 $0x88, s3;
	s6 =	simm.s32 @!p1 $0x1082;
	[sflag:s4] =	ssyncset.s32 $0xFFFFF086  }
0x25: {  	[simem:s6], [sflag:s4] =	dma.local [hbm:s3], $0xF7A  }
0x26: {  	[smem:$0x3F9A] =	sst s1;
	(tag) =	ssettag s2;
	_ =	strace s9  }
0x27: {  	s1 =	sld [smem:$0x3FAA]  }
0x28: {  	s2 =	sld [smem:$0x3FAB]  }
0x29: {  	s4 =	sld [smem:$0x3FAD]  }
0x2a: {  	p0 =	seq.s32 s5, $0x0;
	s5 =	sld [smem:$0x3FAE]  }
0x2b: {  	s6 =	sld [smem:$0x3FAF]  }
0x2c: {  	s7 =	sld [smem:$0x3FB0]  }
0x2d: {  	s3 =	simm.s32 $0x108;
	s8 =	sld [smem:$0x3FB1]  }
0x2e: {  	s3 =	simm.s32 @!p0 $0x1082;
	s9 =	sld [smem:$0x3FB2]  }
0x2f: {  	lr =	sadd.s32 s0, s3;
	s0 =	sld [smem:$0x3FA9]  }
0x30: {  	s3 =	sld [smem:$0x3FAC]  }
0x31: {  	[smem:$0x3FB5] =	sst s10  }
0x32: {  	s10 =	sld [smem:$0x3FB3];
	_ =	sdelay $0x3  }
0x33: {  	p0 =	seq.s32 s10, $0x1;
	s10 =	sld [smem:$0x3FB5];
	_ =	sdelay $0x3  }
0x34: {  	[smem:$0x3FB5] =	sst s10  }
0x35: {  	s10 =	sld [smem:$0x3FB4];
	_ =	sdelay $0x3  }
0x36: {  	p1 =	seq.s32 s10, $0x1;
	s10 =	sld [smem:$0x3FB5];
	_ =	sdelay $0x3  }
0x37: {  	[smem:$0x3FB5] =	sst s10  }
0x38: {  	s10 =	sld [smem:$0x3FB6]  }
0x39: {  	_ = 	snop;
	(pc) =	sbr.ind lr, $3  }
0x3a: {  	_ = 	snop  }
0x3b: {  	_ = 	snop  }
0x3c: {  	p2 =	seq.s32 s10, $0x1;
	s10 =	sld [smem:$0x3FB5]  }
0x3d: {  	_ =	shalt  }
0x3e: {  	_ =	shalt  }
0x3f: {  	_ =	shalt  }
0x40: {  	_ =	shalt  }
0x41: {  	_ =	shalt  }
0x42: {  	_ =	shalt  }
0x43: {  	_ =	shalt  }
0x44: {  	_ =	shalt  }
0x45: {  	_ =	shalt  }
0x46: {  	_ =	shalt  }
0x47: {  	_ =	shalt  }
0x48: {  	_ =	shalt  }
0x49: {  	_ =	shalt  }
0x4a: {  	_ =	shalt  }
0x4b: {  	_ =	shalt  }
0x4c: {  	_ =	shalt  }
0x4d: {  	_ =	shalt  }
0x4e: {  	_ =	shalt  }
0x4f: {  	_ =	shalt  }
0x50: {  	_ =	shalt  }
0x51: {  	_ =	shalt  }
0x52: {  	_ =	shalt  }
0x53: {  	_ =	shalt  }
0x54: {  	_ =	shalt  }
0x55: {  	_ =	shalt  }
0x56: {  	_ =	shalt  }
0x57: {  	_ =	shalt  }
0x58: {  	_ =	shalt  }
0x59: {  	_ =	shalt  }
0x5a: {  	_ =	shalt  }
0x5b: {  	_ =	shalt  }
0x5c: {  	_ =	shalt  }
0x5d: {  	_ =	shalt  }
0x5e: {  	_ =	shalt  }
0x5f: {  	_ =	shalt  }
0x60: {  	_ =	shalt  }
0x61: {  	_ =	shalt  }
0x62: {  	_ =	shalt  }
0x63: {  	_ =	shalt  }
0x64: {  	_ =	shalt  }
0x65: {  	_ =	shalt  }
0x66: {  	_ =	shalt  }
0x67: {  	_ =	shalt  }
0x68: {  	_ =	shalt  }
0x69: {  	_ =	shalt  }
0x6a: {  	_ =	shalt  }
0x6b: {  	_ =	shalt  }
0x6c: {  	_ =	shalt  }
0x6d: {  	_ =	shalt  }
0x6e: {  	_ =	shalt  }
0x6f: {  	_ =	shalt  }
0x70: {  	_ =	shalt  }
0x71: {  	_ =	shalt  }
0x72: {  	_ =	shalt  }
0x73: {  	_ =	shalt  }
0x74: {  	_ =	shalt  }
0x75: {  	_ =	shalt  }
0x76: {  	_ =	shalt  }
0x77: {  	_ =	shalt  }
0x78: {  	_ =	shalt  }
0x79: {  	_ =	shalt  }
0x7a: {  	_ =	shalt  }
0x7b: {  	_ =	shalt  }
0x7c: {  	_ =	shalt  }
0x7d: {  	_ =	shalt  }
0x7e: {  	_ =	shalt  }
0x7f: {  	_ =	shalt  }
0x80: {  	_ =	shalt  }
0x81: {  	_ =	shalt  }
0x82: {  	_ =	shalt  }
0x83: {  	_ =	shalt  }
0x84: {  	_ =	shalt  }
0x85: {  	_ =	shalt  }
0x86: {  	_ =	shalt  }
0x87: {  	_ =	shalt  }
.Lfunc_end0:
.L_simem_size_0:
called_computation_lowered:
.L_overlay_start_0:
0x88: {  	s2 =	sld [smem:$0x3FD9]  }
0x89: {  	s3 =	sld [smem:$0x3FFE];
	_ =	sdelay $0x1  }
0x8a: {  	s1 =	srdreg.scid  }
0x8b: {  	s0 =	sand.u32 $0x1, s1  }
0x8c: {  	s17 =	sshll.u32 s0, $0xA;
	s2 =	sadd.s32 s3, s2  }
0x8d: {  	s2 =	sadd.s32 s2, s17  }
0x8e: {  	[smem:$0x3FC1] =	sst s2  }
0x8f: {  	_ = 	snop  }
0x90: {  	s2 =	sld [smem:$0x3FD0];
	(tm) =	ssettm $0x1  }
0x91: {  	s18 =	sld [smem:$0x3FFB];
	_ =	sdelay $0x3  }
0x92: {  	_ =	strace s18  }
0x93: {  	s3 =	sld [smem:$0x3FFC];
	_ =	sdelay $0x3  }
0x94: {  	_ =	strace s3  }
0x95: {  	s3 =	sld [smem:$0x3FFD];
	_ =	sdelay $0x3  }
0x96: {  	_ =	strace s3  }
0x97: {  	_ =	strace $0x8FFFFFFF  }
0x98: {  	s19 =	sld [smem:$0x3FDB];
	_ =	sdelay $0x1  }
0x99: {  	s4 =	simm.s32 $_scs_section_size  }
0x9a: {  	s5 =	simm.s32 $_size__tile_overlayer_lowered;
	s6 =	simm.s32 $_tile_overlayer_lowered  }
0x9b: {  	s22 =	simm.s32 $0x1BFF;
	s21 =	sshll.u32 s6, $0x1;
	s3 =	sadd.s32 s4, s19  }
0x9c: {  	s7 =	simm.s32 $0x0;
	s20 =	sshll.u32 s5, $0x1;
	s5 =	sadd.s32 s21, s3  }
0x9d: {  	[timem:s7], [sflag:s22] =	dma.local [hbm:s5], s20  }
0x9e: {  	_ =	swait.ge [sflag:s22], s20  }
0x9f: {  	s4 =	ssub.s32 $0x0, s20;
	[sflag:s22] =	ssyncset.done $0x0  }
0xa0: {  	[sflag:s22] =	ssyncadd.s32 s4;
	_ =	sdelay $0x1  }
0xa1: {  	s23 =	simm.s32 $0x1B8B  }
0xa2: {  	_ =	swait.ge [sflag:s23], $0x1  }
0xa3: {  	[sflag:s23] =	ssyncset.done $0x0  }
0xa4: {  	s25 =	simm.s32 $0x1B8E;
	s24 =	sld [smem:$0x3FFE];
	[sflag:s23] =	ssyncadd.s32 $0xFFFFFFFF  }
0xa5: {  	s26 =	simm.s32 $execute0_lowered;
	[smem:$0x3FD2] =	sst s25  }
0xa6: {  	s5 =	sshll.u32 s26, $0x1;
	_ =	strace $0x80000046;
	[dreg:$0x1] =	wrdreg $0xFFFFFFFF  }
0xa7: {  	s28 =	simm.s32 $_size_execute0_lowered;
	s3 =	sadd.s32 s3, s5;
	[dreg:$0x0] =	wrdreg $0x0  }
0xa8: {  	s5 =	sshll.u32 s28, $0x1;
	[dreg:$0x2] =	wrdreg s3  }
0xa9: {  	[dreg:$0x3] =	wrdreg s5  }
0xaa: {  	[dreg:$0x4] =	wrdreg $0xC0  }
0xab: {  	_ =	task [dreg:s7], $0x5FFFF  }
0xac: {  	[dreg:$0x1] =	wrdreg $0xFFFFFFFF  }
0xad: {  	[dreg:$0x0] =	wrdreg $0x60  }
0xae: {  	[dreg:$0x2] =	wrdreg s24  }
0xaf: {  	[dreg:$0x3] =	wrdreg s2  }
0xb0: {  	[dreg:$0x4] =	wrdreg $0x41000  }
0xb1: {  	[dreg:$0x5] =	wrdreg $0x9  }
0xb2: {  	_ =	task.clear_ibuf [dreg:s7], $0x6FFFF;
	_ =	strace $0x90000046  }
0xb3: {  	s29 =	simm.s32 $0x9;
	_ =	strace $0x80000048  }
0xb4: {  	_ =	swait.ge [sflag:s29], $0x1  }
0xb5: {  	[sflag:s29] =	ssyncadd.s32 $0xFFFFFFFF  }
0xb6: {  	_ =	strace $0x90000048  }
0xb7: {  	_ =	sfence  }
0xb8: {  	s30 =	sld [smem:$0x0];
	_ =	sdelay $0x2  }
0xb9: {  	s31 =	sshll.u32 s1, $0xD;
	s1 =	sshrl.u32 s1, $0x2  }
0xba: {  	s3 =	sand.u32 $0x4000, s31;
	s1 =	sadd.s32 s1, s30  }
0xbb: {  	s0 =	sor.u32 s3, s0;
	s1 =	sshll.u32 s1, $0x11  }
0xbc: {  	s0 =	sor.u32 s1, s0  }
0xbd: {  	s0 =	sadd.s32 $0x8F2B, s0  }
0xbe: {  	[sflag:s0] =	ssyncadd.remote.s32 $0x1  }
0xbf: {  	_ =	sfence.sel $0xFFFF  }
0xc0: {  	[dreg:$0x0] =	wrdreg $0xFFFFFFFF;
	(pc) =	sbr.abs _section_cstart, $3  }
0xc1: {  	[dreg:$0x1] =	wrdreg $0xFFFFFFFF  }
0xc2: {  	_ =	task.clear_ibuf [dreg:s7], $0x2FFFF;
	_ =	strace $0x9FFFFFFF  }
0xc3: {  	(tm) =	ssettm $0x7FFFFFFF  }
tec
execute0_lowered:
.L_overlay_start_1:
0x0: {  	(tag) =	ssettag $0x1  }
0x1: {  	s3 =	rddreg [dreg:$0x0];
	s0 =	srdreg.scid  }
0x2: {  	s1 =	rddreg [dreg:$0x1];
	s16 =	stileid.u32  }
0x3: {  	s2 =	simm.s32 $0x0;
	s4 =	sand.u32 $0x1, s0;
	s6 =	smul.u32 $0x14000, s16  }
0x4: {  	[smem:$0x7FF] =	sst s2;
	s7 =	sadd.s32 $0x3EE00, s3;
	s0 =	ssub.s32 $0x2, s4  }
0x5: {  	s13 =	sshll.u32 s16, $0x1;
	s5 =	sshrl.u32 s0, $0x1;
	s8 =	sor.u32 $0x2000, s6  }
0x6: {  	s9 =	sadd.s32 $0x4000, s6;
	s10 =	sadd.s32 $0x6000, s6;
	s11 =	sadd.s32 $0x8000, s6  }
0x7: {  	s0 =	ssub.s32 s0, s5;
	s5 =	sor.u32 s4, s13;
	s4 =	smul.u32 $0x140000, s4  }
0x8: {  	s24 =	sadd.s32 $0xC000, s6;
	s25 =	sadd.s32 $0xE000, s6;
	s29 =	smul.u32 $0x5000, s5  }
0x9: {  	s26 =	sadd.s32 $0x10000, s6;
	s13 =	sadd.s32 $0xA000, s6;
	s30 =	smul.u32 $0x9D, s5  }
0xa: {  	s31 =	smax.u32 s0, $0x1;
	s0 =	simm.s32 $0x2;
	s5 =	simm.s32 $0x1  }
0xb: {  	s12 =	sadd.s32 s6, s4;
	s14 =	sadd.s32 s4, s8;
	s6 =	sadd.s32 $0x12000, s6  }
0xc: {  	s15 =	sadd.s32 s4, s9;
	s17 =	sadd.s32 s4, s10;
	s21 =	sadd.s32 s4, s13  }
0xd: {  	s22 =	sadd.s32 s4, s24;
	s23 =	sadd.s32 s4, s25;
	s12 =	sshrl.u32 s12, $0x3  }
0xe: {  	s14 =	sshrl.u32 s14, $0x3;
	s18 =	sshrl.u32 s17, $0x3;
	s17 =	sshrl.u32 s22, $0x3  }
0xf: {  	s22 =	smul.u32 $0x50000, s16;
	s16 =	sadd.s32 $0x9F4E00, s3;
	s12 =	sadd.s32 s7, s12  }
0x10: {  	s14 =	sadd.s32 s7, s14;
	[dreg:$0x4] =	wrdreg s12;
	s12 =	sshrl.u32 s15, $0x3  }
0x11: {  	[dreg:$0x5] =	wrdreg s14;
	s15 =	sadd.s32 s4, s11;
	s12 =	sadd.s32 s7, s12  }
0x12: {  	s19 =	sshrl.u32 s15, $0x3;
	[dreg:$0x6] =	wrdreg s12;
	s12 =	sadd.s32 s7, s18  }
0x13: {  	s15 =	sadd.s32 $0x16E00, s3;
	s20 =	sadd.s32 s7, s19;
	[dreg:$0x7] =	wrdreg s12  }
0x14: {  	s18 =	sshrl.u32 s23, $0x3;
	s23 =	sshrl.u32 s22, $0x2;
	[dreg:$0x8] =	wrdreg s20  }
0x15: {  	s12 =	sshrl.u32 s21, $0x3;
	s19 =	sadd.s32 s7, s18;
	s20 =	sadd.s32 s4, s26  }
0x16: {  	s4 =	sadd.s32 s4, s6;
	s12 =	sadd.s32 s7, s12;
	[dreg:$0xb] =	wrdreg s19  }
0x17: {  	s21 =	sshrl.u32 s20, $0x3;
	[dreg:$0x9] =	wrdreg s12;
	s12 =	sadd.s32 s7, s17  }
0x18: {  	s4 =	sshrl.u32 s4, $0x3;
	s14 =	sadd.s32 s7, s21;
	[dreg:$0xa] =	wrdreg s12  }
0x19: {  	s4 =	sadd.s32 s7, s4;
	s17 =	sadd.s32 $0x2E00, s3;
	[dreg:$0xc] =	wrdreg s14  }
0x1a: {  	s3 =	simm.s32 $0x80;
	s7 =	simm.s32 $0x0;
	[dreg:$0xd] =	wrdreg s4  }
0x1b: {  	s12 =	rddreg [dreg:$0x2];
	s4 =	simm.s32 $0x40;
	_ =	strace $0x80000047  }
0x1c: {  	s18 =	sadd.s32 s23, s12;
	s19 =	sadd.s32 s8, s12;
	s20 =	sadd.s32 s9, s12  }
0x1d: {  	s21 =	sadd.s32 s10, s12;
	s22 =	sadd.s32 s11, s12;
	s23 =	sadd.s32 s13, s12  }
0x1e: {  	s24 =	sadd.s32 s24, s12;
	s25 =	sadd.s32 s25, s12;
	s26 =	sadd.s32 s26, s12  }
0x1f: {  	v0 =	vimm.f32 $0.0e+00;
	s28 =	sadd.s32 s6, s12;
	s10 =	simm.s32 $0x100;
	s6 =	simm.s32 $0x2100  }
.LBB2_1:
0x20: {  	s8 =	simm.s32 $0x0;
	s9 =	simm.s32 $0x200  }
.LBB2_2:
0x21: {  	p0 =	sne.s32 s9, $0x7E00;
	[tilespmem:s8+$0x170] =	vst v0  }
0x22: {  	[tilespmem:s8+$0x100] =	vst v0  }
0x23: {  	[tilespmem:s8+$0x110] =	vst v0  }
.Ltmp0:
0x24: {  	[tilespmem:s8+$0x120] =	vst v0;
	(pc) =	sbr.rel @p0 .LBB2_2-.Ltmp0, $4  }
0x25: {  	[tilespmem:s8+$0x130] =	vst v0  }
0x26: {  	[tilespmem:s8+$0x140] =	vst v0  }
0x27: {  	[tilespmem:s8+$0x150] =	vst v0  }
0x28: {  	[tilespmem:s8+$0x160] =	vst v0;
	s8 =	sshra.s32 s9, $0x2;
	s9 =	sadd.s32 $0x200, s9  }
0x29: {  	[tilespmem:s8+$0x170] =	vst v0  }
0x2a: {  	[tilespmem:s8+$0x100] =	vst v0  }
0x2b: {  	[tilespmem:s8+$0x110] =	vst v0  }
0x2c: {  	[tilespmem:s8+$0x120] =	vst v0  }
0x2d: {  	[tilespmem:s8+$0x130] =	vst v0  }
0x2e: {  	[tilespmem:s8+$0x140] =	vst v0  }
0x2f: {  	[tilespmem:s8+$0x150] =	vst v0  }
0x30: {  	[tilespmem:s8+$0x160] =	vst v0  }
0x31: {  	[spmem:s18] =	stream.linear.scatter [tilespmem:s10], [sflag:$0x2], $0x2000, $0x38;
	[tilespmem:$0x18100] =	vst v63  }
0x32: {  	_ =	swait.ge [sflag:s0], $0x2000  }
0x33: {  	[sflag:s0] =	ssyncset.done $0x0  }
0x34: {  	[sflag:s0] =	ssyncadd.s32 $0xFFFFE000  }
0x35: {  	[spmem:s19] =	stream.linear.scatter [tilespmem:s10], [sflag:$0x2], $0x2000, $0x38;
	[tilespmem:$0x18100] =	vst v63  }
0x36: {  	_ =	swait.ge [sflag:s0], $0x2000  }
0x37: {  	[sflag:s0] =	ssyncset.done $0x0  }
0x38: {  	[sflag:s0] =	ssyncadd.s32 $0xFFFFE000  }
0x39: {  	[spmem:s20] =	stream.linear.scatter [tilespmem:s10], [sflag:$0x2], $0x2000, $0x38;
	[tilespmem:$0x18100] =	vst v63  }
0x3a: {  	_ =	swait.ge [sflag:s0], $0x2000  }
0x3b: {  	[sflag:s0] =	ssyncset.done $0x0  }
0x3c: {  	[sflag:s0] =	ssyncadd.s32 $0xFFFFE000  }
0x3d: {  	[spmem:s21] =	stream.linear.scatter [tilespmem:s10], [sflag:$0x2], $0x2000, $0x38;
	[tilespmem:$0x18100] =	vst v63  }
0x3e: {  	_ =	swait.ge [sflag:s0], $0x2000  }
0x3f: {  	[sflag:s0] =	ssyncset.done $0x0  }
0x40: {  	[sflag:s0] =	ssyncadd.s32 $0xFFFFE000  }
0x41: {  	[spmem:s22] =	stream.linear.scatter [tilespmem:s10], [sflag:$0x2], $0x2000, $0x38;
	[tilespmem:$0x18100] =	vst v63  }
0x42: {  	_ =	swait.ge [sflag:s0], $0x2000  }
0x43: {  	[sflag:s0] =	ssyncset.done $0x0  }
0x44: {  	[sflag:s0] =	ssyncadd.s32 $0xFFFFE000  }
0x45: {  	[spmem:s23] =	stream.linear.scatter [tilespmem:s10], [sflag:$0x2], $0x2000, $0x38;
	[tilespmem:$0x18100] =	vst v63  }
0x46: {  	_ =	swait.ge [sflag:s0], $0x2000  }
0x47: {  	[sflag:s0] =	ssyncset.done $0x0  }
0x48: {  	[sflag:s0] =	ssyncadd.s32 $0xFFFFE000  }
0x49: {  	[spmem:s24] =	stream.linear.scatter [tilespmem:s10], [sflag:$0x2], $0x2000, $0x38;
	[tilespmem:$0x18100] =	vst v63  }
0x4a: {  	_ =	swait.ge [sflag:s0], $0x2000  }
0x4b: {  	[sflag:s0] =	ssyncset.done $0x0  }
0x4c: {  	[sflag:s0] =	ssyncadd.s32 $0xFFFFE000  }
0x4d: {  	[spmem:s25] =	stream.linear.scatter [tilespmem:s10], [sflag:$0x2], $0x2000, $0x38;
	[tilespmem:$0x18100] =	vst v63  }
0x4e: {  	_ =	swait.ge [sflag:s0], $0x2000  }
0x4f: {  	[sflag:s0] =	ssyncset.done $0x0  }
0x50: {  	[sflag:s0] =	ssyncadd.s32 $0xFFFFE000  }
0x51: {  	[spmem:s26] =	stream.linear.scatter [tilespmem:s10], [sflag:$0x2], $0x2000, $0x38;
	[tilespmem:$0x18100] =	vst v63  }
0x52: {  	_ =	swait.ge [sflag:s0], $0x2000  }
0x53: {  	[sflag:s0] =	ssyncset.done $0x0  }
0x54: {  	[sflag:s0] =	ssyncadd.s32 $0xFFFFE000  }
0x55: {  	[spmem:s28] =	stream.linear.scatter [tilespmem:s10], [sflag:$0x2], $0x2000, $0x38;
	[tilespmem:$0x18100] =	vst v63  }
0x56: {  	_ =	swait.ge [sflag:s0], $0x2000  }
0x57: {  	[sflag:s0] =	ssyncset.done $0x0  }
0x58: {  	[sflag:s0] =	ssyncadd.s32 $0xFFFFE000  }
0x59: {  	s8 =	simm.s32 $0x0;
	s9 =	simm.s32 $0x0;
	[bflag:$0x0] =	sbarrier.arrive $0xFFFF  }
.LBB2_4:
0x5a: {  	s11 =	sshll.u32 s9, $0x7  }
0x5b: {  	s13 =	sand.u32 $0x7C00, s11  }
0x5c: {  	s11 =	sand.u32 $0x380, s11;
	s13 =	sadd.s32 s29, s13  }
0x5d: {  	s11 =	sor.u32 s11, s13  }
0x5e: {  	s11 =	sshrl.u32 s11, $0x3  }
0x5f: {  	s14 =	sadd.s32 s1, s11  }
0x60: {  	[tilespmem:s8], [sflag:$0x2] =	stream.linear.gather [hbm4b:s14+s8], $0x80, $0x38;
	[tilespmem:$0x18100] =	vst v63  }
0x61: {  	_ =	swait.ge [sflag:s0], $0x80  }
0x62: {  	[sflag:s0] =	ssyncset.done $0x0  }
0x63: {  	s11 =	sadd.s32 s17, s11;
	[sflag:s0] =	ssyncadd.s32 $0xFFFFFF80  }
0x64: {  	[tilespmem:s3], [sflag:$0x2] =	stream.linear.gather [hbm4b:s11+s8], $0x80, $0x38;
	[tilespmem:$0x18100] =	vst v63  }
0x65: {  	_ =	swait.ge [sflag:s0], $0x80  }
0x66: {  	[sflag:s0] =	ssyncset.done $0x0  }
0x67: {  	[sflag:s0] =	ssyncadd.s32 $0xFFFFFF80  }
0x68: {  	[tilespmem:s10], [sflag:$0x1] =	stream.indirect.gather [hbm4b:s15+s4], $0x80, s8, s4, $0xb8;
	[tilespmem:$0x18100] =	vst v63  }
0x69: {  	s14 =	sadd.s32 s30, s9;
	_ =	swait.ge [sflag:s5], $0x2000  }
0x6a: {  	s11 =	sshll.u32 s14, $0xA;
	[sflag:s5] =	ssyncset.done $0x0  }
0x6b: {  	s11 =	sadd.s32 s16, s11;
	[sflag:s5] =	ssyncadd.s32 $0xFFFFE000  }
0x6c: {  	[tilespmem:s6], [sflag:$0x2] =	stream.linear.gather [hbm4b:s11+s8], $0x2000, $0x38;
	[tilespmem:$0x18100] =	vst v63  }
0x6d: {  	_ =	swait.ge [sflag:s0], $0x2000  }
0x6e: {  	[sflag:s0] =	ssyncset.done $0x0  }
0x6f: {  	s11 =	simm.s32 $0x0;
	[sflag:s0] =	ssyncadd.s32 $0xFFFFE000  }
0x70: {  	v7 =	vld [tilespmem:s11+$0x2100]  }
0x71: {  	v12 =	vld [tilespmem:s11+$0x2110]  }
0x72: {  	v6 =	vld [tilespmem:s11+$0x2120]  }
0x73: {  	v5 =	vld [tilespmem:s11+$0x2130]  }
0x74: {  	v4 =	vld [tilespmem:s11+$0x2140]  }
0x75: {  	v3 =	vld [tilespmem:s11+$0x2150]  }
0x76: {  	v2 =	vld [tilespmem:s11+$0x2160]  }
0x77: {  	v1 =	vld [tilespmem:s11+$0x2170]  }
0x78: {  	v13 =	vld [tilespmem:s11+$0x100]  }
0x79: {  	v14 =	vld [tilespmem:s11+$0x110]  }
0x7a: {  	v11 =	vld [tilespmem:s11+$0x120]  }
0x7b: {  	v10 =	vld [tilespmem:s11+$0x130]  }
0x7c: {  	v9 =	vld [tilespmem:s11+$0x140]  }
0x7d: {  	v8 =	vld [tilespmem:s11+$0x150];
	v13 =	vadd.f32 v7, v13  }
0x7e: {  	s13 =	simm.s32 $0x200;
	v12 =	vadd.f32 v12, v14;
	v7 =	vld [tilespmem:s11+$0x160]  }
.LBB2_5:
0x7f: {  	s14 =	sshra.s32 s13, $0x2;
	p0 =	sne.s32 s13, $0x7E00;
	v13 =	vmax.f32 v13, $0.0e+00;
	v6 =	vadd.f32 v6, v11;
	v11 =	vld [tilespmem:s11+$0x170]  }
0x80: {  	v14 =	vld [tilespmem:s14+$0x2100];
	[tilespmem:s11+$0x100] =	vst v13;
	v12 =	vmax.f32 v12, $0.0e+00;
	v5 =	vadd.f32 v5, v10  }
0x81: {  	v15 =	vld [tilespmem:s14+$0x2110];
	[tilespmem:s11+$0x110] =	vst v12;
	v10 =	vmax.f32 v6, $0.0e+00;
	v4 =	vadd.f32 v4, v9  }
0x82: {  	v6 =	vld [tilespmem:s14+$0x2120];
	[tilespmem:s11+$0x120] =	vst v10;
	v9 =	vmax.f32 v5, $0.0e+00;
	v3 =	vadd.f32 v3, v8  }
0x83: {  	v5 =	vld [tilespmem:s14+$0x2130];
	[tilespmem:s11+$0x130] =	vst v9;
	v8 =	vmax.f32 v4, $0.0e+00;
	v2 =	vadd.f32 v2, v7  }
0x84: {  	v4 =	vld [tilespmem:s14+$0x2140];
	[tilespmem:s11+$0x140] =	vst v8;
	v7 =	vmax.f32 v3, $0.0e+00;
	v1 =	vadd.f32 v1, v11  }
0x85: {  	v3 =	vld [tilespmem:s14+$0x2150];
	[tilespmem:s11+$0x150] =	vst v7;
	v7 =	vmax.f32 v2, $0.0e+00  }
0x86: {  	v2 =	vld [tilespmem:s14+$0x2160];
	[tilespmem:s11+$0x160] =	vst v7;
	v7 =	vmax.f32 v1, $0.0e+00  }
0x87: {  	v1 =	vld [tilespmem:s14+$0x2170];
	[tilespmem:s11+$0x170] =	vst v7;
	s11 =	smov.u32 s14  }
0x88: {  	v7 =	vld [tilespmem:s11+$0x100]  }
0x89: {  	v12 =	vld [tilespmem:s11+$0x110]  }
.Ltmp1:
0x8a: {  	v11 =	vld [tilespmem:s11+$0x120];
	(pc) =	sbr.rel @p0 .LBB2_5-.Ltmp1, $4  }
0x8b: {  	v10 =	vld [tilespmem:s11+$0x130]  }
0x8c: {  	v9 =	vld [tilespmem:s11+$0x140]  }
0x8d: {  	v13 =	vadd.f32 v14, v7;
	v8 =	vld [tilespmem:s11+$0x150]  }
0x8e: {  	s13 =	sadd.s32 $0x200, s13;
	v12 =	vadd.f32 v15, v12;
	v7 =	vld [tilespmem:s11+$0x160]  }
0x8f: {  	v13 =	vmax.f32 v13, $0.0e+00;
	v6 =	vadd.f32 v6, v11;
	v63 =	vld [tilespmem:s11+$0x170]  }
0x90: {  	[tilespmem:s11+$0x100] =	vst v13;
	v12 =	vmax.f32 v12, $0.0e+00;
	v5 =	vadd.f32 v5, v10  }
0x91: {  	[tilespmem:s11+$0x110] =	vst v12;
	v6 =	vmax.f32 v6, $0.0e+00;
	v4 =	vadd.f32 v4, v9  }
0x92: {  	[tilespmem:s11+$0x120] =	vst v6;
	v5 =	vmax.f32 v5, $0.0e+00;
	v3 =	vadd.f32 v3, v8  }
0x93: {  	[tilespmem:s11+$0x130] =	vst v5;
	v4 =	vmax.f32 v4, $0.0e+00;
	v2 =	vadd.f32 v2, v7  }
0x94: {  	[tilespmem:s11+$0x140] =	vst v4;
	v3 =	vmax.f32 v3, $0.0e+00;
	v1 =	vadd.f32 v1, v63  }
0x95: {  	s9 =	sadd.s32 $0x1, s9;
	[tilespmem:s11+$0x150] =	vst v3;
	v2 =	vmax.f32 v2, $0.0e+00  }
0x96: {  	p0 =	sne.s32 s9, $0x9D;
	[tilespmem:s11+$0x160] =	vst v2;
	v1 =	vmax.f32 v1, $0.0e+00  }
.Ltmp2:
0x97: {  	[tilespmem:s11+$0x170] =	vst v1;
	(pc) =	sbr.rel @p0 .LBB2_4-.Ltmp2, $4  }
0x98: {  	[spmem:s12] =	stream.indirect.scatter.add.f32 [tilespmem:s10], [sflag:$0x2], $0x80, s3, s4, $0xb8;
	[tilespmem:$0x18100] =	vst v63  }
0x99: {  	_ =	swait.ge [sflag:s0], $0x2000  }
0x9a: {  	[sflag:s0] =	ssyncset.done $0x0  }
0x9b: {  	[sflag:s0] =	ssyncadd.s32 $0xFFFFE000  }
0x9c: {  	[bflag:$0x0] =	sbarrier.arrive $0xFFFF  }
0x9d: {  	[tilespmem:s10], [sflag:$0x2] =	stream.linear.gather [spmem:s18], $0x2000, $0x38;
	[tilespmem:$0x18100] =	vst v63  }
0x9e: {  	_ =	swait.ge [sflag:s0], $0x2000  }
0x9f: {  	[sflag:s0] =	ssyncset.done $0x0  }
0xa0: {  	s8 =	rddreg [dreg:$0x4];
	[sflag:s0] =	ssyncadd.s32 $0xFFFFE000  }
0xa1: {  	[hbm4b:s8+s2] =	stream.linear.scatter [tilespmem:s10], [sflag:$0x2], $0x2000, $0x38;
	[tilespmem:$0x18100] =	vst v63  }
0xa2: {  	_ =	swait.ge [sflag:s0], $0x2000  }
0xa3: {  	[sflag:s0] =	ssyncset.done $0x0  }
0xa4: {  	[sflag:s0] =	ssyncadd.s32 $0xFFFFE000  }
0xa5: {  	[tilespmem:s10], [sflag:$0x2] =	stream.linear.gather [spmem:s19], $0x2000, $0x38;
	[tilespmem:$0x18100] =	vst v63  }
0xa6: {  	_ =	swait.ge [sflag:s0], $0x2000  }
0xa7: {  	[sflag:s0] =	ssyncset.done $0x0  }
0xa8: {  	s14 =	rddreg [dreg:$0x5];
	[sflag:s0] =	ssyncadd.s32 $0xFFFFE000  }
0xa9: {  	[hbm4b:s14+s2] =	stream.linear.scatter [tilespmem:s10], [sflag:$0x2], $0x2000, $0x38;
	[tilespmem:$0x18100] =	vst v63  }
0xaa: {  	_ =	swait.ge [sflag:s0], $0x2000  }
0xab: {  	[sflag:s0] =	ssyncset.done $0x0  }
0xac: {  	[sflag:s0] =	ssyncadd.s32 $0xFFFFE000  }
0xad: {  	[tilespmem:s10], [sflag:$0x2] =	stream.linear.gather [spmem:s20], $0x2000, $0x38;
	[tilespmem:$0x18100] =	vst v63  }
0xae: {  	_ =	swait.ge [sflag:s0], $0x2000  }
0xaf: {  	[sflag:s0] =	ssyncset.done $0x0  }
0xb0: {  	s9 =	rddreg [dreg:$0x6];
	[sflag:s0] =	ssyncadd.s32 $0xFFFFE000  }
0xb1: {  	[hbm4b:s9+s2] =	stream.linear.scatter [tilespmem:s10], [sflag:$0x2], $0x2000, $0x38;
	[tilespmem:$0x18100] =	vst v63  }
0xb2: {  	_ =	swait.ge [sflag:s0], $0x2000  }
0xb3: {  	[sflag:s0] =	ssyncset.done $0x0  }
0xb4: {  	[sflag:s0] =	ssyncadd.s32 $0xFFFFE000  }
0xb5: {  	[tilespmem:s10], [sflag:$0x2] =	stream.linear.gather [spmem:s21], $0x2000, $0x38;
	[tilespmem:$0x18100] =	vst v63  }
0xb6: {  	_ =	swait.ge [sflag:s0], $0x2000  }
0xb7: {  	[sflag:s0] =	ssyncset.done $0x0  }
0xb8: {  	s11 =	rddreg [dreg:$0x7];
	[sflag:s0] =	ssyncadd.s32 $0xFFFFE000  }
0xb9: {  	[hbm4b:s11+s2] =	stream.linear.scatter [tilespmem:s10], [sflag:$0x2], $0x2000, $0x38;
	[tilespmem:$0x18100] =	vst v63  }
0xba: {  	_ =	swait.ge [sflag:s0], $0x2000  }
0xbb: {  	[sflag:s0] =	ssyncset.done $0x0  }
0xbc: {  	[sflag:s0] =	ssyncadd.s32 $0xFFFFE000  }
0xbd: {  	[tilespmem:s10], [sflag:$0x2] =	stream.linear.gather [spmem:s22], $0x2000, $0x38;
	[tilespmem:$0x18100] =	vst v63  }
0xbe: {  	_ =	swait.ge [sflag:s0], $0x2000  }
0xbf: {  	[sflag:s0] =	ssyncset.done $0x0  }
0xc0: {  	s13 =	rddreg [dreg:$0x8];
	[sflag:s0] =	ssyncadd.s32 $0xFFFFE000  }
0xc1: {  	[hbm4b:s13+s2] =	stream.linear.scatter [tilespmem:s10], [sflag:$0x2], $0x2000, $0x38;
	[tilespmem:$0x18100] =	vst v63  }
0xc2: {  	_ =	swait.ge [sflag:s0], $0x2000  }
0xc3: {  	[sflag:s0] =	ssyncset.done $0x0  }
0xc4: {  	[sflag:s0] =	ssyncadd.s32 $0xFFFFE000  }
0xc5: {  	[tilespmem:s10], [sflag:$0x2] =	stream.linear.gather [spmem:s23], $0x2000, $0x38;
	[tilespmem:$0x18100] =	vst v63  }
0xc6: {  	_ =	swait.ge [sflag:s0], $0x2000  }
0xc7: {  	[sflag:s0] =	ssyncset.done $0x0  }
0xc8: {  	s14 =	rddreg [dreg:$0x9];
	[sflag:s0] =	ssyncadd.s32 $0xFFFFE000  }
0xc9: {  	[hbm4b:s14+s2] =	stream.linear.scatter [tilespmem:s10], [sflag:$0x2], $0x2000, $0x38;
	[tilespmem:$0x18100] =	vst v63  }
0xca: {  	_ =	swait.ge [sflag:s0], $0x2000  }
0xcb: {  	[sflag:s0] =	ssyncset.done $0x0  }
0xcc: {  	[sflag:s0] =	ssyncadd.s32 $0xFFFFE000  }
0xcd: {  	[tilespmem:s10], [sflag:$0x2] =	stream.linear.gather [spmem:s24], $0x2000, $0x38;
	[tilespmem:$0x18100] =	vst v63  }
0xce: {  	_ =	swait.ge [sflag:s0], $0x2000  }
0xcf: {  	[sflag:s0] =	ssyncset.done $0x0  }
0xd0: {  	s9 =	rddreg [dreg:$0xa];
	[sflag:s0] =	ssyncadd.s32 $0xFFFFE000  }
0xd1: {  	[hbm4b:s9+s2] =	stream.linear.scatter [tilespmem:s10], [sflag:$0x2], $0x2000, $0x38;
	[tilespmem:$0x18100] =	vst v63  }
0xd2: {  	_ =	swait.ge [sflag:s0], $0x2000  }
0xd3: {  	[sflag:s0] =	ssyncset.done $0x0  }
0xd4: {  	[sflag:s0] =	ssyncadd.s32 $0xFFFFE000  }
0xd5: {  	[tilespmem:s10], [sflag:$0x2] =	stream.linear.gather [spmem:s25], $0x2000, $0x38;
	[tilespmem:$0x18100] =	vst v63  }
0xd6: {  	_ =	swait.ge [sflag:s0], $0x2000  }
0xd7: {  	[sflag:s0] =	ssyncset.done $0x0  }
0xd8: {  	s11 =	rddreg [dreg:$0xb];
	[sflag:s0] =	ssyncadd.s32 $0xFFFFE000  }
0xd9: {  	[hbm4b:s11+s2] =	stream.linear.scatter [tilespmem:s10], [sflag:$0x2], $0x2000, $0x38;
	[tilespmem:$0x18100] =	vst v63  }
0xda: {  	_ =	swait.ge [sflag:s0], $0x2000  }
0xdb: {  	[sflag:s0] =	ssyncset.done $0x0  }
0xdc: {  	[sflag:s0] =	ssyncadd.s32 $0xFFFFE000  }
0xdd: {  	[tilespmem:s10], [sflag:$0x2] =	stream.linear.gather [spmem:s26], $0x2000, $0x38;
	[tilespmem:$0x18100] =	vst v63  }
0xde: {  	_ =	swait.ge [sflag:s0], $0x2000  }
0xdf: {  	[sflag:s0] =	ssyncset.done $0x0  }
0xe0: {  	s13 =	rddreg [dreg:$0xc];
	[sflag:s0] =	ssyncadd.s32 $0xFFFFE000  }
0xe1: {  	[hbm4b:s13+s2] =	stream.linear.scatter [tilespmem:s10], [sflag:$0x2], $0x2000, $0x38;
	[tilespmem:$0x18100] =	vst v63  }
0xe2: {  	_ =	swait.ge [sflag:s0], $0x2000  }
0xe3: {  	[sflag:s0] =	ssyncset.done $0x0  }
0xe4: {  	[sflag:s0] =	ssyncadd.s32 $0xFFFFE000  }
0xe5: {  	[tilespmem:s10], [sflag:$0x2] =	stream.linear.gather [spmem:s28], $0x2000, $0x38;
	[tilespmem:$0x18100] =	vst v63  }
0xe6: {  	s7 =	sadd.s32 $0x1, s7;
	_ =	swait.ge [sflag:s0], $0x2000  }
0xe7: {  	p0 =	sne.s32 s7, s31;
	[sflag:s0] =	ssyncset.done $0x0  }
.Ltmp3:
0xe8: {  	s14 =	rddreg [dreg:$0xd];
	[sflag:s0] =	ssyncadd.s32 $0xFFFFE000;
	(pc) =	sbr.rel @p0 .LBB2_1-.Ltmp3, $4  }
0xe9: {  	[hbm4b:s14+s2] =	stream.linear.scatter [tilespmem:s10], [sflag:$0x2], $0x2000, $0x38;
	[tilespmem:$0x18100] =	vst v63  }
0xea: {  	_ =	swait.ge [sflag:s0], $0x2000  }
0xeb: {  	[sflag:s0] =	ssyncset.done $0x0  }
0xec: {  	[sflag:s0] =	ssyncadd.s32 $0xFFFFE000  }
0xed: {  	_ =	sfence.sel $0x180000  }
0xee: {  	[bflag:$0x0] =	sbarrier.arrive $0xFFFF  }
0xef: {  	_ =	strace $0x90000047  }
0xf0: {  	s0 =	stileid.u32;
	[bflag:$0x2] =	sbarrier.arrive $0xFFFF  }
0xf1: {  	p0 =	sne.s32 s0, $0x0;
	s0 =	rddreg [dreg:$0x3]  }
0xf2: {  	s0 =	sadd.s32 @!p0 $0x100000, s0  }
0xf3: {  	[sflag:s0] =	ssyncadd.tile.s32 @!p0 $0x1;
	_ =	shalt  }
.Lfunc_end2:
_tile_overlayer_lowered:
.L_overlay_start_2:
0xf4: {  	(tag) =	ssettag $0x2  }
0xf5: {  	s0 =	rddreg [dreg:$0x0];
	s2 =	stileid.u32  }
0xf6: {  	s1 =	rddreg [dreg:$0x1];
	p0 =	sne.s32 s2, $0x0  }
0xf7: {  	s3 =	rddreg [dreg:$0x2];
	[bflag:$0x3] =	sbarrier.arrive $0xFFFF;
	s2 =	simm.s32 @!p0 $0x1C02  }
0xf8: {  	[timem:s3], [sflag:s2] =	dma.local @!p0 [hbm:s0], s1  }
0xf9: {  	s0 =	simm.s32 @!p0 $0x2  }
0xfa: {  	_ =	swait.ge @!p0 [sflag:s0], s1  }
0xfb: {  	s1 =	ssub.s32 @!p0 $0x0, s1;
	[sflag:s0] =	ssyncset.done @!p0 $0x0  }
0xfc: {  	[sflag:s0] =	ssyncadd.s32 @!p0 s1  }
0xfd: {  	[bflag:$0x3] =	sbarrier.arrive $0xFFFF  }
0xfe: {  	_ =	shalt  }

</sc_bundles>
